<compile_context>
chip_gen: v7x
topology: tpu7x:2x2x1
jax: 0.10.2.dev20260603
libtpu: 0.0.44.dev20260713+nightly
codegen_flags: <defaults>
</compile_context>

<pallas_src>
import functools

import jax
import jax.numpy as jnp
import numpy as np
from jax import lax
from jax.experimental import pallas as pl
from jax.experimental.pallas import tpu as pltpu
from jax.experimental.pallas import tpu_sc as plsc

N = 10000
D = 128
H = 128
C = 40
E = 320000

NC = 2
NS = 16
NW = NC * NS
CHUNK = 64
NBUF = 4
NPAD = 10240
ROWS_PER_TILE = NPAD // NS
CT = 160
E_PAD = NW * CHUNK * CT

_BN_INV = float(1.0 / np.sqrt(1.0 + 1e-5))


def _sc_agg_body(with_cnt, *refs):
    if with_cnt:
        h_hbm, src_hbm, dst_hbm, zrows_hbm, zn_hbm, ones_hbm = refs[:6]
        agg_out, cnt_out = refs[6:8]
        scr = refs[8:]
    else:
        h_hbm, src_hbm, dst_hbm, zrows_hbm = refs[:4]
        agg_out = refs[4]
        scr = refs[5:]
    src_idx = scr[0]
    dv = scr[1:1 + NBUF]
    rows = scr[1 + NBUF:1 + 2 * NBUF]
    o = 1 + 2 * NBUF
    if with_cnt:
        ones_v = scr[o]
        o += 1
    gsem = scr[o:o + NBUF]
    dsem = scr[o + NBUF:o + 2 * NBUF]
    o += 2 * NBUF
    acc_sh = scr[o]
    if with_cnt:
        cnt_sh = scr[o + 1]

    c = lax.axis_index("c")
    s = lax.axis_index("s")
    wid = c * NS + s
    r0 = s * ROWS_PER_TILE

    pltpu.sync_copy(src_hbm.at[wid], src_idx)

    def sidx(k):
        return src_idx.at[pl.ds(k * CHUNK, CHUNK)]

    def issue(k, b):
        pltpu.async_copy(h_hbm.at[sidx(k)], rows[b], gsem[b])
        pltpu.async_copy(dst_hbm.at[wid, k], dv[b], dsem[b])

    for p in range(NBUF - 1):
        issue(p, p)

    pltpu.sync_copy(zrows_hbm, acc_sh.at[pl.ds(r0, ROWS_PER_TILE)])
    if with_cnt:
        pltpu.sync_copy(zn_hbm.at[pl.ds(r0, ROWS_PER_TILE)],
                        cnt_sh.at[pl.ds(r0, ROWS_PER_TILE)])
        pltpu.sync_copy(ones_hbm, ones_v)
    plsc.subcore_barrier()

    def body(j, carry):
        for b in range(NBUF):
            k = NBUF * j + b
            pre = k + NBUF - 1

            @pl.when(pre < CT)
            def _():
                issue(pre, (b + NBUF - 1) % NBUF)

            pltpu.make_async_copy(h_hbm.at[sidx(k)], rows[b], gsem[b]).wait()
            pltpu.make_async_copy(dst_hbm.at[wid, k], dv[b], dsem[b]).wait()
            pltpu.sync_copy(rows[b], acc_sh.at[dv[b]], add=True)
            if with_cnt:
                pltpu.sync_copy(ones_v, cnt_sh.at[dv[b]], add=True)
        return carry

    lax.fori_loop(0, CT // NBUF, body, 0)
    plsc.subcore_barrier()

    pltpu.sync_copy(acc_sh.at[pl.ds(r0, ROWS_PER_TILE)],
                    agg_out.at[c, pl.ds(r0, ROWS_PER_TILE)])
    if with_cnt:
        pltpu.sync_copy(cnt_sh.at[pl.ds(r0, ROWS_PER_TILE)],
                        cnt_out.at[c, pl.ds(r0, ROWS_PER_TILE)])


def _make_sc_agg(with_cnt):
    mesh = plsc.VectorSubcoreMesh(core_axis_name="c", subcore_axis_name="s")
    out_type = [jax.ShapeDtypeStruct((NC, NPAD, D), jnp.float32)]
    if with_cnt:
        out_type = out_type + [jax.ShapeDtypeStruct((NC, NPAD), jnp.float32)]
    scratch = [pltpu.VMEM((CT * CHUNK,), jnp.int32)]
    scratch += [pltpu.VMEM((CHUNK,), jnp.int32) for _ in range(NBUF)]
    scratch += [pltpu.VMEM((CHUNK, D), jnp.float32) for _ in range(NBUF)]
    if with_cnt:
        scratch += [pltpu.VMEM((CHUNK,), jnp.float32)]
    scratch += [pltpu.SemaphoreType.DMA for _ in range(2 * NBUF)]
    scratch += [pltpu.VMEM_SHARED((NPAD, D), jnp.float32)]
    if with_cnt:
        scratch += [pltpu.VMEM_SHARED((NPAD,), jnp.float32)]
    return pl.kernel(
        functools.partial(_sc_agg_body, with_cnt),
        out_type=tuple(out_type),
        mesh=mesh,
        scratch_types=tuple(scratch),
    )


_sc_agg_cnt = _make_sc_agg(True)
_sc_agg = _make_sc_agg(False)

BR = 1000


def _tc_layer_body(p_ref, cnt_ref, h_ref, wlT_ref, bl_ref, wrT_ref, g_ref, b_ref, o_ref):
    inv = 1.0 / jnp.maximum(cnt_ref[0] + cnt_ref[1], 1.0)
    mean = (p_ref[0] + p_ref[1]) * inv
    out = (jnp.dot(mean, wlT_ref[...], preferred_element_type=jnp.float32)
           + jnp.dot(h_ref[...], wrT_ref[...], preferred_element_type=jnp.float32)
           + bl_ref[...])
    nrm = jnp.sqrt(jnp.sum(out * out, axis=1, keepdims=True))
    y = out / jnp.maximum(nrm, 1e-12)
    y = y * _BN_INV * g_ref[...] + b_ref[...]
    o_ref[...] = jnp.maximum(y, 0.0)


def _tc_final_body(p_ref, cnt_ref, h_ref, wlT_ref, bl_ref, wrT_ref, g_ref, b_ref,
                   wc1T_ref, bc1_ref, wc2T_ref, bc2_ref, o_ref):
    inv = 1.0 / jnp.maximum(cnt_ref[0] + cnt_ref[1], 1.0)
    mean = (p_ref[0] + p_ref[1]) * inv
    out = (jnp.dot(mean, wlT_ref[...], preferred_element_type=jnp.float32)
           + jnp.dot(h_ref[...], wrT_ref[...], preferred_element_type=jnp.float32)
           + bl_ref[...])
    nrm = jnp.sqrt(jnp.sum(out * out, axis=1, keepdims=True))
    y = out / jnp.maximum(nrm, 1e-12)
    y = y * _BN_INV * g_ref[...] + b_ref[...]
    h3 = jnp.maximum(y, 0.0)
    z = jnp.dot(h3, wc1T_ref[...], preferred_element_type=jnp.float32) + bc1_ref[...]
    z = jnp.maximum(z, 0.0)
    o_ref[...] = jnp.dot(z, wc2T_ref[...], preferred_element_type=jnp.float32) + bc2_ref[...]


def _common_specs():
    return [
        pl.BlockSpec((NC, BR, D), lambda i: (0, i, 0)),
        pl.BlockSpec((NC, BR, 1), lambda i: (0, i, 0)),
        pl.BlockSpec((BR, D), lambda i: (i, 0)),
        pl.BlockSpec((D, H), lambda i: (0, 0)),
        pl.BlockSpec((1, H), lambda i: (0, 0)),
        pl.BlockSpec((D, H), lambda i: (0, 0)),
        pl.BlockSpec((1, H), lambda i: (0, 0)),
        pl.BlockSpec((1, H), lambda i: (0, 0)),
    ]


_tc_layer = pl.pallas_call(
    _tc_layer_body,
    grid=(N // BR,),
    in_specs=_common_specs(),
    out_specs=pl.BlockSpec((BR, H), lambda i: (i, 0)),
    out_shape=jax.ShapeDtypeStruct((N, H), jnp.float32),
)

_tc_final = pl.pallas_call(
    _tc_final_body,
    grid=(N // BR,),
    in_specs=_common_specs() + [
        pl.BlockSpec((H, H // 2), lambda i: (0, 0)),
        pl.BlockSpec((1, H // 2), lambda i: (0, 0)),
        pl.BlockSpec((H // 2, C), lambda i: (0, 0)),
        pl.BlockSpec((1, C), lambda i: (0, 0)),
    ],
    out_specs=pl.BlockSpec((BR, C), lambda i: (i, 0)),
    out_shape=jax.ShapeDtypeStruct((N, C), jnp.float32),
)


def kernel(x, edge_index, Wl0, bl0, Wr0, gamma0, beta0, Wl1, bl1, Wr1, gamma1, beta1,
           Wl2, bl2, Wr2, gamma2, beta2, Wc1, bc1, Wc2, bc2):
    src = edge_index[0]
    dst = edge_index[1]
    pad = E_PAD - E
    src_p = jnp.concatenate(
        [src, (jnp.arange(pad, dtype=jnp.int32) * 131) % N])
    dst_p = jnp.concatenate(
        [dst, N + (jnp.arange(pad, dtype=jnp.int32) % (NPAD - N))])
    src_p = src_p.reshape(NW, CT * CHUNK)
    dst_p = dst_p.reshape(NW, CT, CHUNK)
    zrows = jnp.zeros((ROWS_PER_TILE, D), jnp.float32)
    zn = jnp.zeros((NPAD,), jnp.float32)
    ones_c = jnp.ones((CHUNK,), jnp.float32)

    p0, cnt = _sc_agg_cnt(x, src_p, dst_p, zrows, zn, ones_c)
    cnt = cnt.reshape(NC, NPAD, 1)

    layers = [(Wl0, bl0, Wr0, gamma0, beta0),
              (Wl1, bl1, Wr1, gamma1, beta1),
              (Wl2, bl2, Wr2, gamma2, beta2)]

    h = x
    parts = p0
    for i, (Wl, bl, Wr, g, b) in enumerate(layers):
        common = (parts, cnt, h, Wl.T, bl.reshape(1, H), Wr.T,
                  g.reshape(1, H), b.reshape(1, H))
        if i < 2:
            h = _tc_layer(*common)
            (parts,) = _sc_agg(h, src_p, dst_p, zrows)
        else:
            out = _tc_final(*common, Wc1.T, bc1.reshape(1, H // 2),
                            Wc2.T, bc2.reshape(1, C))
    return out

# --- scband reference (transcript-rebuilt; emitter-appended) ---
"""Pipeline reference for scband-graph-sage-59734405152777 (READ-ONLY COPY).

The authoritative reference and input builder live on the scoring server;
editing this copy changes nothing except your own understanding.
"""

import jax, jax.numpy as jnp
import numpy as np

N = 10000
E = 320000
D = 128
H = 128
C = 40


def setup_inputs(seed: int = 0) -> dict:
    key = jax.random.key(seed)
    ks = jax.random.split(key, 10)
    x = jax.random.normal(ks[0], (N, D), dtype=jnp.float32)
    edge_index = jax.random.randint(ks[1], (2, E), 0, N, dtype=jnp.int32)

    def w(k, shape):
        return jax.random.normal(k, shape, dtype=jnp.float32) * 0.05

    inp = {"x": x, "edge_index": edge_index}
    conv_keys = [ks[2], ks[3], ks[4]]
    for i in range(3):
        kk = jax.random.split(conv_keys[i], 2)
        in_dim = D if i == 0 else H
        inp[f"Wl{i}"] = w(kk[0], (H, in_dim))
        inp[f"bl{i}"] = jnp.zeros((H,), jnp.float32)
        inp[f"Wr{i}"] = w(kk[1], (H, in_dim))
        inp[f"gamma{i}"] = jnp.ones((H,), jnp.float32)
        inp[f"beta{i}"] = jnp.zeros((H,), jnp.float32)
    inp["Wc1"] = w(ks[5], (H // 2, H))
    inp["bc1"] = jnp.zeros((H // 2,), jnp.float32)
    inp["Wc2"] = w(ks[6], (C, H // 2))
    inp["bc2"] = jnp.zeros((C,), jnp.float32)
    return inp


def reference(x, edge_index, Wl0, bl0, Wr0, gamma0, beta0, Wl1, bl1, Wr1, gamma1, beta1, Wl2, bl2, Wr2, gamma2, beta2, Wc1, bc1, Wc2, bc2):
    src = edge_index[0]
    dst = edge_index[1]

    def sage(h, Wl, bl, Wr):
        # mean aggregation over incoming neighbors (PyG SAGEConv, aggr='mean')
        agg = jax.ops.segment_sum(h[src], dst, num_segments=N)
        cnt = jax.ops.segment_sum(jnp.ones((E,), h.dtype), dst, num_segments=N)
        mean = agg / jnp.clip(cnt, 1.0)[:, None]
        out = mean @ Wl.T + bl + h @ Wr.T
        # normalize=True -> F.normalize(out, p=2, dim=-1)
        nrm = jnp.sqrt(jnp.sum(out * out, axis=-1, keepdims=True))
        return out / jnp.maximum(nrm, 1e-12)

    def bn(h, g, b):
        # BatchNorm1d in eval mode with freshly-initialized running stats (mean=0, var=1)
        return h / jnp.sqrt(1.0 + 1e-5) * g + b

    h = x
    layers = [(Wl0, bl0, Wr0, gamma0, beta0), (Wl1, bl1, Wr1, gamma1, beta1), (Wl2, bl2, Wr2, gamma2, beta2)]
    for Wl, bl, Wr, g, b in layers:
        h = sage(h, Wl, bl, Wr)
        h = bn(h, g, b)
        h = jax.nn.relu(h)
        # dropout is a no-op in eval mode
    h = h @ Wc1.T + bc1
    h = jax.nn.relu(h)
    out = h @ Wc2.T + bc2
    return out

if __name__ == "__main__":
    import jax
    _d = setup_inputs()
    print(jax.jit(kernel)(*tuple(_d.values())))

</pallas_src>

<mosaic_0001>
#map = affine_map<(d0, d1) -> (0, 0)>
#map1 = affine_map<(d0, d1) -> (0, 0, 0)>
module attributes {stable_mosaic.version = 14 : i64} {
  func.func @_sc_agg_body(%arg0: i32, %arg1: i32, %arg2: memref<10000x128xf32, #tpu.memory_space<hbm>>, %arg3: memref<32x10240xi32, #tpu.memory_space<hbm>>, %arg4: memref<32x160x64xi32, #tpu.memory_space<hbm>>, %arg5: memref<640x128xf32, #tpu.memory_space<hbm>>, %arg6: memref<2x10240x128xf32, #tpu.memory_space<hbm>>, %arg7: memref<10240xi32, #tpu.memory_space<vmem>>, %arg8: memref<64xi32, #tpu.memory_space<vmem>>, %arg9: memref<64xi32, #tpu.memory_space<vmem>>, %arg10: memref<64xi32, #tpu.memory_space<vmem>>, %arg11: memref<64xi32, #tpu.memory_space<vmem>>, %arg12: memref<64x128xf32, #tpu.memory_space<vmem>>, %arg13: memref<64x128xf32, #tpu.memory_space<vmem>>, %arg14: memref<64x128xf32, #tpu.memory_space<vmem>>, %arg15: memref<64x128xf32, #tpu.memory_space<vmem>>, %arg16: memref<!tpu.dma_semaphore, #tpu.memory_space<semaphore_mem>>, %arg17: memref<!tpu.dma_semaphore, #tpu.memory_space<semaphore_mem>>, %arg18: memref<!tpu.dma_semaphore, #tpu.memory_space<semaphore_mem>>, %arg19: memref<!tpu.dma_semaphore, #tpu.memory_space<semaphore_mem>>, %arg20: memref<!tpu.dma_semaphore, #tpu.memory_space<semaphore_mem>>, %arg21: memref<!tpu.dma_semaphore, #tpu.memory_space<semaphore_mem>>, %arg22: memref<!tpu.dma_semaphore, #tpu.memory_space<semaphore_mem>>, %arg23: memref<!tpu.dma_semaphore, #tpu.memory_space<semaphore_mem>>, %arg24: memref<10240x128xf32, #tpu.memory_space<vmem_shared>>) attributes {dimension_semantics = [#tpu.dimension_semantics<core_parallel>, #tpu.dimension_semantics<subcore_parallel>], iteration_bounds = array<i64: 2, 16>, scalar_prefetch = 0 : i64, scratch_operands = 18 : i64, tpu.core_type = #tpu.core_type<sc_vector_subcore>, window_params = [{transform_indices = #map}, {transform_indices = #map}, {transform_indices = #map1}, {transform_indices = #map}, {transform_indices = #map1}]} {
    %mul3A = arith.constant 16 : i32
    %mul3A_0 = arith.muli %arg0, %mul3A : i32
    %add3A = arith.addi %mul3A_0, %arg1 : i32
    %mul3A_1 = arith.constant 640 : i32
    %mul3A_2 = arith.muli %arg1, %mul3A_1 : i32
    "tpu.region"() ({
      %run_scoped3A = tpu.sem_alloc : memref<!tpu.dma_semaphore, #tpu.memory_space<semaphore_mem>>
      %dma_start3A_44 = arith.constant 0 : i32
      %dma_start3A_45 = tpu.memref_slice %arg3[%add3A, %dma_start3A_44] : memref<32x10240xi32, #tpu.memory_space<hbm>> -> memref<1x10240xi32, #tpu.memory_space<hbm>>
      %dma_start3A_46 = tpu.memref_squeeze %dma_start3A_45 : memref<1x10240xi32, #tpu.memory_space<hbm>> -> memref<10240xi32, #tpu.memory_space<hbm>>
      %dma_start3A_47 = arith.constant 0 : i32
      %dma_start3A_48 = tpu.memref_slice %arg3[%add3A, %dma_start3A_47] : memref<32x10240xi32, #tpu.memory_space<hbm>> -> memref<1x10240xi32, #tpu.memory_space<hbm>>
      %dma_start3A_49 = tpu.memref_squeeze %dma_start3A_48 : memref<1x10240xi32, #tpu.memory_space<hbm>> -> memref<10240xi32, #tpu.memory_space<hbm>>
      tpu.enqueue_dma source(%dma_start3A_49 : memref<10240xi32, #tpu.memory_space<hbm>>) target(%arg7 : memref<10240xi32, #tpu.memory_space<vmem>>) target_semaphore(%run_scoped3A : memref<!tpu.dma_semaphore, #tpu.memory_space<semaphore_mem>>)
      %dma_wait3A = arith.constant 0 : i32
      %dma_wait3A_50 = tpu.memref_slice %arg3[%add3A, %dma_wait3A] : memref<32x10240xi32, #tpu.memory_space<hbm>> -> memref<1x10240xi32, #tpu.memory_space<hbm>>
      %dma_wait3A_51 = tpu.memref_squeeze %dma_wait3A_50 : memref<1x10240xi32, #tpu.memory_space<hbm>> -> memref<10240xi32, #tpu.memory_space<hbm>>
      %dma_wait3A_52 = arith.constant 0 : i32
      %dma_wait3A_53 = tpu.memref_slice %arg3[%add3A, %dma_wait3A_52] : memref<32x10240xi32, #tpu.memory_space<hbm>> -> memref<1x10240xi32, #tpu.memory_space<hbm>>
      %dma_wait3A_54 = tpu.memref_squeeze %dma_wait3A_53 : memref<1x10240xi32, #tpu.memory_space<hbm>> -> memref<10240xi32, #tpu.memory_space<hbm>>
      tpu.wait_dma2 semaphore(%run_scoped3A : memref<!tpu.dma_semaphore, #tpu.memory_space<semaphore_mem>>) src(%dma_wait3A_54 : memref<10240xi32, #tpu.memory_space<hbm>>) dst(%arg7 : memref<10240xi32, #tpu.memory_space<vmem>>)
      tpu.yield
    }) : () -> ()
    %dma_start3A = arith.constant 0 : i32
    %dma_start3A_3 = tpu.memref_slice %arg7[%dma_start3A] : memref<10240xi32, #tpu.memory_space<vmem>> -> memref<64xi32, #tpu.memory_space<vmem>>
    %dma_start3A_4 = arith.constant 0 : i32
    %dma_start3A_5 = arith.constant 0 : i32
    %dma_start3A_6 = tpu.memref_slice %arg2[%dma_start3A_4, %dma_start3A_5] : memref<10000x128xf32, #tpu.memory_space<hbm>> -> memref<10000x128xf32, #tpu.memory_space<hbm>>
    tpu.enqueue_indirect_dma source(%dma_start3A_6 : memref<10000x128xf32, #tpu.memory_space<hbm>>) target(%arg12 : memref<64x128xf32, #tpu.memory_space<vmem>>) offsets(%dma_start3A_3 : memref<64xi32, #tpu.memory_space<vmem>>) semaphore(%arg16 : memref<!tpu.dma_semaphore, #tpu.memory_space<semaphore_mem>>)
    %dma_start3A_7 = arith.constant 0 : i32
    %dma_start3A_8 = arith.constant 0 : i32
    %dma_start3A_9 = tpu.memref_slice %arg4[%add3A, %dma_start3A_7, %dma_start3A_8] : memref<32x160x64xi32, #tpu.memory_space<hbm>> -> memref<1x1x64xi32, #tpu.memory_space<hbm>>
    %dma_start3A_10 = tpu.memref_squeeze %dma_start3A_9 : memref<1x1x64xi32, #tpu.memory_space<hbm>> -> memref<64xi32, #tpu.memory_space<hbm>>
    %dma_start3A_11 = arith.constant 0 : i32
    %dma_start3A_12 = tpu.memref_slice %arg4[%add3A, %dma_start3A_7, %dma_start3A_11] : memref<32x160x64xi32, #tpu.memory_space<hbm>> -> memref<1x1x64xi32, #tpu.memory_space<hbm>>
    %dma_start3A_13 = tpu.memref_squeeze %dma_start3A_12 : memref<1x1x64xi32, #tpu.memory_space<hbm>> -> memref<64xi32, #tpu.memory_space<hbm>>
    tpu.enqueue_dma source(%dma_start3A_13 : memref<64xi32, #tpu.memory_space<hbm>>) target(%arg8 : memref<64xi32, #tpu.memory_space<vmem>>) target_semaphore(%arg20 : memref<!tpu.dma_semaphore, #tpu.memory_space<semaphore_mem>>)
    %dma_start3A_14 = arith.constant 64 : i32
    %dma_start3A_15 = tpu.memref_slice %arg7[%dma_start3A_14] : memref<10240xi32, #tpu.memory_space<vmem>> -> memref<64xi32, #tpu.memory_space<vmem>>
    %dma_start3A_16 = arith.constant 0 : i32
    %dma_start3A_17 = arith.constant 0 : i32
    %dma_start3A_18 = tpu.memref_slice %arg2[%dma_start3A_16, %dma_start3A_17] : memref<10000x128xf32, #tpu.memory_space<hbm>> -> memref<10000x128xf32, #tpu.memory_space<hbm>>
    tpu.enqueue_indirect_dma source(%dma_start3A_18 : memref<10000x128xf32, #tpu.memory_space<hbm>>) target(%arg13 : memref<64x128xf32, #tpu.memory_space<vmem>>) offsets(%dma_start3A_15 : memref<64xi32, #tpu.memory_space<vmem>>) semaphore(%arg17 : memref<!tpu.dma_semaphore, #tpu.memory_space<semaphore_mem>>)
    %dma_start3A_19 = arith.constant 1 : i32
    %dma_start3A_20 = arith.constant 0 : i32
    %dma_start3A_21 = tpu.memref_slice %arg4[%add3A, %dma_start3A_19, %dma_start3A_20] : memref<32x160x64xi32, #tpu.memory_space<hbm>> -> memref<1x1x64xi32, #tpu.memory_space<hbm>>
    %dma_start3A_22 = tpu.memref_squeeze %dma_start3A_21 : memref<1x1x64xi32, #tpu.memory_space<hbm>> -> memref<64xi32, #tpu.memory_space<hbm>>
    %dma_start3A_23 = arith.constant 0 : i32
    %dma_start3A_24 = tpu.memref_slice %arg4[%add3A, %dma_start3A_19, %dma_start3A_23] : memref<32x160x64xi32, #tpu.memory_space<hbm>> -> memref<1x1x64xi32, #tpu.memory_space<hbm>>
    %dma_start3A_25 = tpu.memref_squeeze %dma_start3A_24 : memref<1x1x64xi32, #tpu.memory_space<hbm>> -> memref<64xi32, #tpu.memory_space<hbm>>
    tpu.enqueue_dma source(%dma_start3A_25 : memref<64xi32, #tpu.memory_space<hbm>>) target(%arg9 : memref<64xi32, #tpu.memory_space<vmem>>) target_semaphore(%arg21 : memref<!tpu.dma_semaphore, #tpu.memory_space<semaphore_mem>>)
    %dma_start3A_26 = arith.constant 128 : i32
    %dma_start3A_27 = tpu.memref_slice %arg7[%dma_start3A_26] : memref<10240xi32, #tpu.memory_space<vmem>> -> memref<64xi32, #tpu.memory_space<vmem>>
    %dma_start3A_28 = arith.constant 0 : i32
    %dma_start3A_29 = arith.constant 0 : i32
    %dma_start3A_30 = tpu.memref_slice %arg2[%dma_start3A_28, %dma_start3A_29] : memref<10000x128xf32, #tpu.memory_space<hbm>> -> memref<10000x128xf32, #tpu.memory_space<hbm>>
    tpu.enqueue_indirect_dma source(%dma_start3A_30 : memref<10000x128xf32, #tpu.memory_space<hbm>>) target(%arg14 : memref<64x128xf32, #tpu.memory_space<vmem>>) offsets(%dma_start3A_27 : memref<64xi32, #tpu.memory_space<vmem>>) semaphore(%arg18 : memref<!tpu.dma_semaphore, #tpu.memory_space<semaphore_mem>>)
    %dma_start3A_31 = arith.constant 2 : i32
    %dma_start3A_32 = arith.constant 0 : i32
    %dma_start3A_33 = tpu.memref_slice %arg4[%add3A, %dma_start3A_31, %dma_start3A_32] : memref<32x160x64xi32, #tpu.memory_space<hbm>> -> memref<1x1x64xi32, #tpu.memory_space<hbm>>
    %dma_start3A_34 = tpu.memref_squeeze %dma_start3A_33 : memref<1x1x64xi32, #tpu.memory_space<hbm>> -> memref<64xi32, #tpu.memory_space<hbm>>
    %dma_start3A_35 = arith.constant 0 : i32
    %dma_start3A_36 = tpu.memref_slice %arg4[%add3A, %dma_start3A_31, %dma_start3A_35] : memref<32x160x64xi32, #tpu.memory_space<hbm>> -> memref<1x1x64xi32, #tpu.memory_space<hbm>>
    %dma_start3A_37 = tpu.memref_squeeze %dma_start3A_36 : memref<1x1x64xi32, #tpu.memory_space<hbm>> -> memref<64xi32, #tpu.memory_space<hbm>>
    tpu.enqueue_dma source(%dma_start3A_37 : memref<64xi32, #tpu.memory_space<hbm>>) target(%arg10 : memref<64xi32, #tpu.memory_space<vmem>>) target_semaphore(%arg22 : memref<!tpu.dma_semaphore, #tpu.memory_space<semaphore_mem>>)
    "tpu.region"() ({
      %run_scoped3A = tpu.sem_alloc : memref<!tpu.dma_semaphore, #tpu.memory_space<semaphore_mem>>
      %dma_start3A_44 = arith.constant 0 : i32
      %dma_start3A_45 = tpu.memref_slice %arg24[%mul3A_2, %dma_start3A_44] : memref<10240x128xf32, #tpu.memory_space<vmem_shared>> -> memref<640x128xf32, #tpu.memory_space<vmem_shared>>
      tpu.enqueue_dma source(%arg5 : memref<640x128xf32, #tpu.memory_space<hbm>>) target(%dma_start3A_45 : memref<640x128xf32, #tpu.memory_space<vmem_shared>>) target_semaphore(%run_scoped3A : memref<!tpu.dma_semaphore, #tpu.memory_space<semaphore_mem>>)
      %dma_wait3A = arith.constant 0 : i32
      %dma_wait3A_46 = tpu.memref_slice %arg24[%mul3A_2, %dma_wait3A] : memref<10240x128xf32, #tpu.memory_space<vmem_shared>> -> memref<640x128xf32, #tpu.memory_space<vmem_shared>>
      tpu.wait_dma2 semaphore(%run_scoped3A : memref<!tpu.dma_semaphore, #tpu.memory_space<semaphore_mem>>) src(%arg5 : memref<640x128xf32, #tpu.memory_space<hbm>>) dst(%dma_wait3A_46 : memref<640x128xf32, #tpu.memory_space<vmem_shared>>)
      tpu.yield
    }) : () -> ()
    %barrier3A = arith.constant 0 : index
    tpu.barrier barrier_id(%barrier3A)
    %scan3A = arith.constant 0 : i32
    %scan3A_38 = arith.constant 0 : i32
    %scan3A_39 = arith.constant 40 : i32
    %scan3A_40 = arith.addi %scan3A_38, %scan3A_39 : i32
    %scan3A_41 = arith.constant 1 : i32
    scf.for %scan3A_44 = %scan3A_38 to %scan3A_40 step %scan3A_41  : i32 {
      %mul3A_45 = arith.constant 4 : i32
      %mul3A_46 = arith.muli %mul3A_45, %scan3A_44 : i32
      %add3A_47 = arith.constant 0 : i32
      %add3A_48 = arith.addi %mul3A_46, %add3A_47 : i32
      %add3A_49 = arith.constant 4 : i32
      %add3A_50 = arith.addi %add3A_48, %add3A_49 : i32
      %sub3A = arith.constant 1 : i32
      %sub3A_51 = arith.subi %add3A_50, %sub3A : i32
      %lt3A = arith.constant 160 : i32
      %lt3A_52 = arith.cmpi slt, %sub3A_51, %lt3A : i32
      %convert_element_type3A = arith.extui %lt3A_52 : i1 to i32
      %cond3A = arith.constant 0 : i32
      %cond3A_53 = arith.cmpi ne, %convert_element_type3A, %cond3A : i32
      scf.if %cond3A_53 {
        %mul3A_140 = arith.constant 64 : i32
        %mul3A_141 = arith.muli %sub3A_51, %mul3A_140 : i32
        %dma_start3A_142 = tpu.memref_slice %arg7[%mul3A_141] : memref<10240xi32, #tpu.memory_space<vmem>> -> memref<64xi32, #tpu.memory_space<vmem>>
        %dma_start3A_143 = arith.constant 0 : i32
        %dma_start3A_144 = arith.constant 0 : i32
        %dma_start3A_145 = tpu.memref_slice %arg2[%dma_start3A_143, %dma_start3A_144] : memref<10000x128xf32, #tpu.memory_space<hbm>> -> memref<10000x128xf32, #tpu.memory_space<hbm>>
        tpu.enqueue_indirect_dma source(%dma_start3A_145 : memref<10000x128xf32, #tpu.memory_space<hbm>>) target(%arg15 : memref<64x128xf32, #tpu.memory_space<vmem>>) offsets(%dma_start3A_142 : memref<64xi32, #tpu.memory_space<vmem>>) semaphore(%arg19 : memref<!tpu.dma_semaphore, #tpu.memory_space<semaphore_mem>>)
        %dma_start3A_146 = arith.constant 0 : i32
        %dma_start3A_147 = tpu.memref_slice %arg4[%add3A, %sub3A_51, %dma_start3A_146] : memref<32x160x64xi32, #tpu.memory_space<hbm>> -> memref<1x1x64xi32, #tpu.memory_space<hbm>>
        %dma_start3A_148 = tpu.memref_squeeze %dma_start3A_147 : memref<1x1x64xi32, #tpu.memory_space<hbm>> -> memref<64xi32, #tpu.memory_space<hbm>>
        %dma_start3A_149 = arith.constant 0 : i32
        %dma_start3A_150 = tpu.memref_slice %arg4[%add3A, %sub3A_51, %dma_start3A_149] : memref<32x160x64xi32, #tpu.memory_space<hbm>> -> memref<1x1x64xi32, #tpu.memory_space<hbm>>
        %dma_start3A_151 = tpu.memref_squeeze %dma_start3A_150 : memref<1x1x64xi32, #tpu.memory_space<hbm>> -> memref<64xi32, #tpu.memory_space<hbm>>
        tpu.enqueue_dma source(%dma_start3A_151 : memref<64xi32, #tpu.memory_space<hbm>>) target(%arg11 : memref<64xi32, #tpu.memory_space<vmem>>) target_semaphore(%arg23 : memref<!tpu.dma_semaphore, #tpu.memory_space<semaphore_mem>>)
      } else {
      }
      %mul3A_54 = arith.constant 64 : i32
      %mul3A_55 = arith.muli %add3A_48, %mul3A_54 : i32
      %dma_wait3A = tpu.memref_slice %arg7[%mul3A_55] : memref<10240xi32, #tpu.memory_space<vmem>> -> memref<64xi32, #tpu.memory_space<vmem>>
      %dma_wait3A_56 = arith.constant 0 : i32
      %dma_wait3A_57 = arith.constant 0 : i32
      %dma_wait3A_58 = tpu.memref_slice %arg2[%dma_wait3A_56, %dma_wait3A_57] : memref<10000x128xf32, #tpu.memory_space<hbm>> -> memref<10000x128xf32, #tpu.memory_space<hbm>>
      tpu.wait_indirect_dma semaphore(%arg16 : memref<!tpu.dma_semaphore, #tpu.memory_space<semaphore_mem>>) src(%dma_wait3A_58 : memref<10000x128xf32, #tpu.memory_space<hbm>>) dst(%arg12 : memref<64x128xf32, #tpu.memory_space<vmem>>)
      %dma_wait3A_59 = arith.constant 0 : i32
      %dma_wait3A_60 = tpu.memref_slice %arg4[%add3A, %add3A_48, %dma_wait3A_59] : memref<32x160x64xi32, #tpu.memory_space<hbm>> -> memref<1x1x64xi32, #tpu.memory_space<hbm>>
      %dma_wait3A_61 = tpu.memref_squeeze %dma_wait3A_60 : memref<1x1x64xi32, #tpu.memory_space<hbm>> -> memref<64xi32, #tpu.memory_space<hbm>>
      %dma_wait3A_62 = arith.constant 0 : i32
      %dma_wait3A_63 = tpu.memref_slice %arg4[%add3A, %add3A_48, %dma_wait3A_62] : memref<32x160x64xi32, #tpu.memory_space<hbm>> -> memref<1x1x64xi32, #tpu.memory_space<hbm>>
      %dma_wait3A_64 = tpu.memref_squeeze %dma_wait3A_63 : memref<1x1x64xi32, #tpu.memory_space<hbm>> -> memref<64xi32, #tpu.memory_space<hbm>>
      tpu.wait_dma2 semaphore(%arg20 : memref<!tpu.dma_semaphore, #tpu.memory_space<semaphore_mem>>) src(%dma_wait3A_64 : memref<64xi32, #tpu.memory_space<hbm>>) dst(%arg8 : memref<64xi32, #tpu.memory_space<vmem>>)
      "tpu.region"() ({
        %run_scoped3A = tpu.sem_alloc : memref<!tpu.dma_semaphore, #tpu.memory_space<semaphore_mem>>
        %dma_start3A_140 = arith.constant 0 : i32
        %dma_start3A_141 = arith.constant 0 : i32
        %dma_start3A_142 = tpu.memref_slice %arg24[%dma_start3A_140, %dma_start3A_141] : memref<10240x128xf32, #tpu.memory_space<vmem_shared>> -> memref<10240x128xf32, #tpu.memory_space<vmem_shared>>
        tpu.enqueue_indirect_dma source(%arg12 : memref<64x128xf32, #tpu.memory_space<vmem>>) target(%dma_start3A_142 : memref<10240x128xf32, #tpu.memory_space<vmem_shared>>) offsets(%arg8 : memref<64xi32, #tpu.memory_space<vmem>>) semaphore(%run_scoped3A : memref<!tpu.dma_semaphore, #tpu.memory_space<semaphore_mem>>) {add = true}
        %dma_wait3A_143 = arith.constant 0 : i32
        %dma_wait3A_144 = arith.constant 0 : i32
        %dma_wait3A_145 = tpu.memref_slice %arg24[%dma_wait3A_143, %dma_wait3A_144] : memref<10240x128xf32, #tpu.memory_space<vmem_shared>> -> memref<10240x128xf32, #tpu.memory_space<vmem_shared>>
        tpu.wait_indirect_dma semaphore(%run_scoped3A : memref<!tpu.dma_semaphore, #tpu.memory_space<semaphore_mem>>) src(%arg12 : memref<64x128xf32, #tpu.memory_space<vmem>>) dst(%dma_wait3A_145 : memref<10240x128xf32, #tpu.memory_space<vmem_shared>>)
        tpu.yield
      }) : () -> ()
      %mul3A_65 = arith.constant 4 : i32
      %mul3A_66 = arith.muli %mul3A_65, %scan3A_44 : i32
      %add3A_67 = arith.constant 1 : i32
      %add3A_68 = arith.addi %mul3A_66, %add3A_67 : i32
      %add3A_69 = arith.constant 4 : i32
      %add3A_70 = arith.addi %add3A_68, %add3A_69 : i32
      %sub3A_71 = arith.constant 1 : i32
      %sub3A_72 = arith.subi %add3A_70, %sub3A_71 : i32
      %lt3A_73 = arith.constant 160 : i32
      %lt3A_74 = arith.cmpi slt, %sub3A_72, %lt3A_73 : i32
      %convert_element_type3A_75 = arith.extui %lt3A_74 : i1 to i32
      %cond3A_76 = arith.constant 0 : i32
      %cond3A_77 = arith.cmpi ne, %convert_element_type3A_75, %cond3A_76 : i32
      scf.if %cond3A_77 {
        %mul3A_140 = arith.constant 64 : i32
        %mul3A_141 = arith.muli %sub3A_72, %mul3A_140 : i32
        %dma_start3A_142 = tpu.memref_slice %arg7[%mul3A_141] : memref<10240xi32, #tpu.memory_space<vmem>> -> memref<64xi32, #tpu.memory_space<vmem>>
        %dma_start3A_143 = arith.constant 0 : i32
        %dma_start3A_144 = arith.constant 0 : i32
        %dma_start3A_145 = tpu.memref_slice %arg2[%dma_start3A_143, %dma_start3A_144] : memref<10000x128xf32, #tpu.memory_space<hbm>> -> memref<10000x128xf32, #tpu.memory_space<hbm>>
        tpu.enqueue_indirect_dma source(%dma_start3A_145 : memref<10000x128xf32, #tpu.memory_space<hbm>>) target(%arg12 : memref<64x128xf32, #tpu.memory_space<vmem>>) offsets(%dma_start3A_142 : memref<64xi32, #tpu.memory_space<vmem>>) semaphore(%arg16 : memref<!tpu.dma_semaphore, #tpu.memory_space<semaphore_mem>>)
        %dma_start3A_146 = arith.constant 0 : i32
        %dma_start3A_147 = tpu.memref_slice %arg4[%add3A, %sub3A_72, %dma_start3A_146] : memref<32x160x64xi32, #tpu.memory_space<hbm>> -> memref<1x1x64xi32, #tpu.memory_space<hbm>>
        %dma_start3A_148 = tpu.memref_squeeze %dma_start3A_147 : memref<1x1x64xi32, #tpu.memory_space<hbm>> -> memref<64xi32, #tpu.memory_space<hbm>>
        %dma_start3A_149 = arith.constant 0 : i32
        %dma_start3A_150 = tpu.memref_slice %arg4[%add3A, %sub3A_72, %dma_start3A_149] : memref<32x160x64xi32, #tpu.memory_space<hbm>> -> memref<1x1x64xi32, #tpu.memory_space<hbm>>
        %dma_start3A_151 = tpu.memref_squeeze %dma_start3A_150 : memref<1x1x64xi32, #tpu.memory_space<hbm>> -> memref<64xi32, #tpu.memory_space<hbm>>
        tpu.enqueue_dma source(%dma_start3A_151 : memref<64xi32, #tpu.memory_space<hbm>>) target(%arg8 : memref<64xi32, #tpu.memory_space<vmem>>) target_semaphore(%arg20 : memref<!tpu.dma_semaphore, #tpu.memory_space<semaphore_mem>>)
      } else {
      }
      %mul3A_78 = arith.constant 64 : i32
      %mul3A_79 = arith.muli %add3A_68, %mul3A_78 : i32
      %dma_wait3A_80 = tpu.memref_slice %arg7[%mul3A_79] : memref<10240xi32, #tpu.memory_space<vmem>> -> memref<64xi32, #tpu.memory_space<vmem>>
      %dma_wait3A_81 = arith.constant 0 : i32
      %dma_wait3A_82 = arith.constant 0 : i32
      %dma_wait3A_83 = tpu.memref_slice %arg2[%dma_wait3A_81, %dma_wait3A_82] : memref<10000x128xf32, #tpu.memory_space<hbm>> -> memref<10000x128xf32, #tpu.memory_space<hbm>>
      tpu.wait_indirect_dma semaphore(%arg17 : memref<!tpu.dma_semaphore, #tpu.memory_space<semaphore_mem>>) src(%dma_wait3A_83 : memref<10000x128xf32, #tpu.memory_space<hbm>>) dst(%arg13 : memref<64x128xf32, #tpu.memory_space<vmem>>)
      %dma_wait3A_84 = arith.constant 0 : i32
      %dma_wait3A_85 = tpu.memref_slice %arg4[%add3A, %add3A_68, %dma_wait3A_84] : memref<32x160x64xi32, #tpu.memory_space<hbm>> -> memref<1x1x64xi32, #tpu.memory_space<hbm>>
      %dma_wait3A_86 = tpu.memref_squeeze %dma_wait3A_85 : memref<1x1x64xi32, #tpu.memory_space<hbm>> -> memref<64xi32, #tpu.memory_space<hbm>>
      %dma_wait3A_87 = arith.constant 0 : i32
      %dma_wait3A_88 = tpu.memref_slice %arg4[%add3A, %add3A_68, %dma_wait3A_87] : memref<32x160x64xi32, #tpu.memory_space<hbm>> -> memref<1x1x64xi32, #tpu.memory_space<hbm>>
      %dma_wait3A_89 = tpu.memref_squeeze %dma_wait3A_88 : memref<1x1x64xi32, #tpu.memory_space<hbm>> -> memref<64xi32, #tpu.memory_space<hbm>>
      tpu.wait_dma2 semaphore(%arg21 : memref<!tpu.dma_semaphore, #tpu.memory_space<semaphore_mem>>) src(%dma_wait3A_89 : memref<64xi32, #tpu.memory_space<hbm>>) dst(%arg9 : memref<64xi32, #tpu.memory_space<vmem>>)
      "tpu.region"() ({
        %run_scoped3A = tpu.sem_alloc : memref<!tpu.dma_semaphore, #tpu.memory_space<semaphore_mem>>
        %dma_start3A_140 = arith.constant 0 : i32
        %dma_start3A_141 = arith.constant 0 : i32
        %dma_start3A_142 = tpu.memref_slice %arg24[%dma_start3A_140, %dma_start3A_141] : memref<10240x128xf32, #tpu.memory_space<vmem_shared>> -> memref<10240x128xf32, #tpu.memory_space<vmem_shared>>
        tpu.enqueue_indirect_dma source(%arg13 : memref<64x128xf32, #tpu.memory_space<vmem>>) target(%dma_start3A_142 : memref<10240x128xf32, #tpu.memory_space<vmem_shared>>) offsets(%arg9 : memref<64xi32, #tpu.memory_space<vmem>>) semaphore(%run_scoped3A : memref<!tpu.dma_semaphore, #tpu.memory_space<semaphore_mem>>) {add = true}
        %dma_wait3A_143 = arith.constant 0 : i32
        %dma_wait3A_144 = arith.constant 0 : i32
        %dma_wait3A_145 = tpu.memref_slice %arg24[%dma_wait3A_143, %dma_wait3A_144] : memref<10240x128xf32, #tpu.memory_space<vmem_shared>> -> memref<10240x128xf32, #tpu.memory_space<vmem_shared>>
        tpu.wait_indirect_dma semaphore(%run_scoped3A : memref<!tpu.dma_semaphore, #tpu.memory_space<semaphore_mem>>) src(%arg13 : memref<64x128xf32, #tpu.memory_space<vmem>>) dst(%dma_wait3A_145 : memref<10240x128xf32, #tpu.memory_space<vmem_shared>>)
        tpu.yield
      }) : () -> ()
      %mul3A_90 = arith.constant 4 : i32
      %mul3A_91 = arith.muli %mul3A_90, %scan3A_44 : i32
      %add3A_92 = arith.constant 2 : i32
      %add3A_93 = arith.addi %mul3A_91, %add3A_92 : i32
      %add3A_94 = arith.constant 4 : i32
      %add3A_95 = arith.addi %add3A_93, %add3A_94 : i32
      %sub3A_96 = arith.constant 1 : i32
      %sub3A_97 = arith.subi %add3A_95, %sub3A_96 : i32
      %lt3A_98 = arith.constant 160 : i32
      %lt3A_99 = arith.cmpi slt, %sub3A_97, %lt3A_98 : i32
      %convert_element_type3A_100 = arith.extui %lt3A_99 : i1 to i32
      %cond3A_101 = arith.constant 0 : i32
      %cond3A_102 = arith.cmpi ne, %convert_element_type3A_100, %cond3A_101 : i32
      scf.if %cond3A_102 {
        %mul3A_140 = arith.constant 64 : i32
        %mul3A_141 = arith.muli %sub3A_97, %mul3A_140 : i32
        %dma_start3A_142 = tpu.memref_slice %arg7[%mul3A_141] : memref<10240xi32, #tpu.memory_space<vmem>> -> memref<64xi32, #tpu.memory_space<vmem>>
        %dma_start3A_143 = arith.constant 0 : i32
        %dma_start3A_144 = arith.constant 0 : i32
        %dma_start3A_145 = tpu.memref_slice %arg2[%dma_start3A_143, %dma_start3A_144] : memref<10000x128xf32, #tpu.memory_space<hbm>> -> memref<10000x128xf32, #tpu.memory_space<hbm>>
        tpu.enqueue_indirect_dma source(%dma_start3A_145 : memref<10000x128xf32, #tpu.memory_space<hbm>>) target(%arg13 : memref<64x128xf32, #tpu.memory_space<vmem>>) offsets(%dma_start3A_142 : memref<64xi32, #tpu.memory_space<vmem>>) semaphore(%arg17 : memref<!tpu.dma_semaphore, #tpu.memory_space<semaphore_mem>>)
        %dma_start3A_146 = arith.constant 0 : i32
        %dma_start3A_147 = tpu.memref_slice %arg4[%add3A, %sub3A_97, %dma_start3A_146] : memref<32x160x64xi32, #tpu.memory_space<hbm>> -> memref<1x1x64xi32, #tpu.memory_space<hbm>>
        %dma_start3A_148 = tpu.memref_squeeze %dma_start3A_147 : memref<1x1x64xi32, #tpu.memory_space<hbm>> -> memref<64xi32, #tpu.memory_space<hbm>>
        %dma_start3A_149 = arith.constant 0 : i32
        %dma_start3A_150 = tpu.memref_slice %arg4[%add3A, %sub3A_97, %dma_start3A_149] : memref<32x160x64xi32, #tpu.memory_space<hbm>> -> memref<1x1x64xi32, #tpu.memory_space<hbm>>
        %dma_start3A_151 = tpu.memref_squeeze %dma_start3A_150 : memref<1x1x64xi32, #tpu.memory_space<hbm>> -> memref<64xi32, #tpu.memory_space<hbm>>
        tpu.enqueue_dma source(%dma_start3A_151 : memref<64xi32, #tpu.memory_space<hbm>>) target(%arg9 : memref<64xi32, #tpu.memory_space<vmem>>) target_semaphore(%arg21 : memref<!tpu.dma_semaphore, #tpu.memory_space<semaphore_mem>>)
      } else {
      }
      %mul3A_103 = arith.constant 64 : i32
      %mul3A_104 = arith.muli %add3A_93, %mul3A_103 : i32
      %dma_wait3A_105 = tpu.memref_slice %arg7[%mul3A_104] : memref<10240xi32, #tpu.memory_space<vmem>> -> memref<64xi32, #tpu.memory_space<vmem>>
      %dma_wait3A_106 = arith.constant 0 : i32
      %dma_wait3A_107 = arith.constant 0 : i32
      %dma_wait3A_108 = tpu.memref_slice %arg2[%dma_wait3A_106, %dma_wait3A_107] : memref<10000x128xf32, #tpu.memory_space<hbm>> -> memref<10000x128xf32, #tpu.memory_space<hbm>>
      tpu.wait_indirect_dma semaphore(%arg18 : memref<!tpu.dma_semaphore, #tpu.memory_space<semaphore_mem>>) src(%dma_wait3A_108 : memref<10000x128xf32, #tpu.memory_space<hbm>>) dst(%arg14 : memref<64x128xf32, #tpu.memory_space<vmem>>)
      %dma_wait3A_109 = arith.constant 0 : i32
      %dma_wait3A_110 = tpu.memref_slice %arg4[%add3A, %add3A_93, %dma_wait3A_109] : memref<32x160x64xi32, #tpu.memory_space<hbm>> -> memref<1x1x64xi32, #tpu.memory_space<hbm>>
      %dma_wait3A_111 = tpu.memref_squeeze %dma_wait3A_110 : memref<1x1x64xi32, #tpu.memory_space<hbm>> -> memref<64xi32, #tpu.memory_space<hbm>>
      %dma_wait3A_112 = arith.constant 0 : i32
      %dma_wait3A_113 = tpu.memref_slice %arg4[%add3A, %add3A_93, %dma_wait3A_112] : memref<32x160x64xi32, #tpu.memory_space<hbm>> -> memref<1x1x64xi32, #tpu.memory_space<hbm>>
      %dma_wait3A_114 = tpu.memref_squeeze %dma_wait3A_113 : memref<1x1x64xi32, #tpu.memory_space<hbm>> -> memref<64xi32, #tpu.memory_space<hbm>>
      tpu.wait_dma2 semaphore(%arg22 : memref<!tpu.dma_semaphore, #tpu.memory_space<semaphore_mem>>) src(%dma_wait3A_114 : memref<64xi32, #tpu.memory_space<hbm>>) dst(%arg10 : memref<64xi32, #tpu.memory_space<vmem>>)
      "tpu.region"() ({
        %run_scoped3A = tpu.sem_alloc : memref<!tpu.dma_semaphore, #tpu.memory_space<semaphore_mem>>
        %dma_start3A_140 = arith.constant 0 : i32
        %dma_start3A_141 = arith.constant 0 : i32
        %dma_start3A_142 = tpu.memref_slice %arg24[%dma_start3A_140, %dma_start3A_141] : memref<10240x128xf32, #tpu.memory_space<vmem_shared>> -> memref<10240x128xf32, #tpu.memory_space<vmem_shared>>
        tpu.enqueue_indirect_dma source(%arg14 : memref<64x128xf32, #tpu.memory_space<vmem>>) target(%dma_start3A_142 : memref<10240x128xf32, #tpu.memory_space<vmem_shared>>) offsets(%arg10 : memref<64xi32, #tpu.memory_space<vmem>>) semaphore(%run_scoped3A : memref<!tpu.dma_semaphore, #tpu.memory_space<semaphore_mem>>) {add = true}
        %dma_wait3A_143 = arith.constant 0 : i32
        %dma_wait3A_144 = arith.constant 0 : i32
        %dma_wait3A_145 = tpu.memref_slice %arg24[%dma_wait3A_143, %dma_wait3A_144] : memref<10240x128xf32, #tpu.memory_space<vmem_shared>> -> memref<10240x128xf32, #tpu.memory_space<vmem_shared>>
        tpu.wait_indirect_dma semaphore(%run_scoped3A : memref<!tpu.dma_semaphore, #tpu.memory_space<semaphore_mem>>) src(%arg14 : memref<64x128xf32, #tpu.memory_space<vmem>>) dst(%dma_wait3A_145 : memref<10240x128xf32, #tpu.memory_space<vmem_shared>>)
        tpu.yield
      }) : () -> ()
      %mul3A_115 = arith.constant 4 : i32
      %mul3A_116 = arith.muli %mul3A_115, %scan3A_44 : i32
      %add3A_117 = arith.constant 3 : i32
      %add3A_118 = arith.addi %mul3A_116, %add3A_117 : i32
      %add3A_119 = arith.constant 4 : i32
      %add3A_120 = arith.addi %add3A_118, %add3A_119 : i32
      %sub3A_121 = arith.constant 1 : i32
      %sub3A_122 = arith.subi %add3A_120, %sub3A_121 : i32
      %lt3A_123 = arith.constant 160 : i32
      %lt3A_124 = arith.cmpi slt, %sub3A_122, %lt3A_123 : i32
      %convert_element_type3A_125 = arith.extui %lt3A_124 : i1 to i32
      %cond3A_126 = arith.constant 0 : i32
      %cond3A_127 = arith.cmpi ne, %convert_element_type3A_125, %cond3A_126 : i32
      scf.if %cond3A_127 {
        %mul3A_140 = arith.constant 64 : i32
        %mul3A_141 = arith.muli %sub3A_122, %mul3A_140 : i32
        %dma_start3A_142 = tpu.memref_slice %arg7[%mul3A_141] : memref<10240xi32, #tpu.memory_space<vmem>> -> memref<64xi32, #tpu.memory_space<vmem>>
        %dma_start3A_143 = arith.constant 0 : i32
        %dma_start3A_144 = arith.constant 0 : i32
        %dma_start3A_145 = tpu.memref_slice %arg2[%dma_start3A_143, %dma_start3A_144] : memref<10000x128xf32, #tpu.memory_space<hbm>> -> memref<10000x128xf32, #tpu.memory_space<hbm>>
        tpu.enqueue_indirect_dma source(%dma_start3A_145 : memref<10000x128xf32, #tpu.memory_space<hbm>>) target(%arg14 : memref<64x128xf32, #tpu.memory_space<vmem>>) offsets(%dma_start3A_142 : memref<64xi32, #tpu.memory_space<vmem>>) semaphore(%arg18 : memref<!tpu.dma_semaphore, #tpu.memory_space<semaphore_mem>>)
        %dma_start3A_146 = arith.constant 0 : i32
        %dma_start3A_147 = tpu.memref_slice %arg4[%add3A, %sub3A_122, %dma_start3A_146] : memref<32x160x64xi32, #tpu.memory_space<hbm>> -> memref<1x1x64xi32, #tpu.memory_space<hbm>>
        %dma_start3A_148 = tpu.memref_squeeze %dma_start3A_147 : memref<1x1x64xi32, #tpu.memory_space<hbm>> -> memref<64xi32, #tpu.memory_space<hbm>>
        %dma_start3A_149 = arith.constant 0 : i32
        %dma_start3A_150 = tpu.memref_slice %arg4[%add3A, %sub3A_122, %dma_start3A_149] : memref<32x160x64xi32, #tpu.memory_space<hbm>> -> memref<1x1x64xi32, #tpu.memory_space<hbm>>
        %dma_start3A_151 = tpu.memref_squeeze %dma_start3A_150 : memref<1x1x64xi32, #tpu.memory_space<hbm>> -> memref<64xi32, #tpu.memory_space<hbm>>
        tpu.enqueue_dma source(%dma_start3A_151 : memref<64xi32, #tpu.memory_space<hbm>>) target(%arg10 : memref<64xi32, #tpu.memory_space<vmem>>) target_semaphore(%arg22 : memref<!tpu.dma_semaphore, #tpu.memory_space<semaphore_mem>>)
      } else {
      }
      %mul3A_128 = arith.constant 64 : i32
      %mul3A_129 = arith.muli %add3A_118, %mul3A_128 : i32
      %dma_wait3A_130 = tpu.memref_slice %arg7[%mul3A_129] : memref<10240xi32, #tpu.memory_space<vmem>> -> memref<64xi32, #tpu.memory_space<vmem>>
      %dma_wait3A_131 = arith.constant 0 : i32
      %dma_wait3A_132 = arith.constant 0 : i32
      %dma_wait3A_133 = tpu.memref_slice %arg2[%dma_wait3A_131, %dma_wait3A_132] : memref<10000x128xf32, #tpu.memory_space<hbm>> -> memref<10000x128xf32, #tpu.memory_space<hbm>>
      tpu.wait_indirect_dma semaphore(%arg19 : memref<!tpu.dma_semaphore, #tpu.memory_space<semaphore_mem>>) src(%dma_wait3A_133 : memref<10000x128xf32, #tpu.memory_space<hbm>>) dst(%arg15 : memref<64x128xf32, #tpu.memory_space<vmem>>)
      %dma_wait3A_134 = arith.constant 0 : i32
      %dma_wait3A_135 = tpu.memref_slice %arg4[%add3A, %add3A_118, %dma_wait3A_134] : memref<32x160x64xi32, #tpu.memory_space<hbm>> -> memref<1x1x64xi32, #tpu.memory_space<hbm>>
      %dma_wait3A_136 = tpu.memref_squeeze %dma_wait3A_135 : memref<1x1x64xi32, #tpu.memory_space<hbm>> -> memref<64xi32, #tpu.memory_space<hbm>>
      %dma_wait3A_137 = arith.constant 0 : i32
      %dma_wait3A_138 = tpu.memref_slice %arg4[%add3A, %add3A_118, %dma_wait3A_137] : memref<32x160x64xi32, #tpu.memory_space<hbm>> -> memref<1x1x64xi32, #tpu.memory_space<hbm>>
      %dma_wait3A_139 = tpu.memref_squeeze %dma_wait3A_138 : memref<1x1x64xi32, #tpu.memory_space<hbm>> -> memref<64xi32, #tpu.memory_space<hbm>>
      tpu.wait_dma2 semaphore(%arg23 : memref<!tpu.dma_semaphore, #tpu.memory_space<semaphore_mem>>) src(%dma_wait3A_139 : memref<64xi32, #tpu.memory_space<hbm>>) dst(%arg11 : memref<64xi32, #tpu.memory_space<vmem>>)
      "tpu.region"() ({
        %run_scoped3A = tpu.sem_alloc : memref<!tpu.dma_semaphore, #tpu.memory_space<semaphore_mem>>
        %dma_start3A_140 = arith.constant 0 : i32
        %dma_start3A_141 = arith.constant 0 : i32
        %dma_start3A_142 = tpu.memref_slice %arg24[%dma_start3A_140, %dma_start3A_141] : memref<10240x128xf32, #tpu.memory_space<vmem_shared>> -> memref<10240x128xf32, #tpu.memory_space<vmem_shared>>
        tpu.enqueue_indirect_dma source(%arg15 : memref<64x128xf32, #tpu.memory_space<vmem>>) target(%dma_start3A_142 : memref<10240x128xf32, #tpu.memory_space<vmem_shared>>) offsets(%arg11 : memref<64xi32, #tpu.memory_space<vmem>>) semaphore(%run_scoped3A : memref<!tpu.dma_semaphore, #tpu.memory_space<semaphore_mem>>) {add = true}
        %dma_wait3A_143 = arith.constant 0 : i32
        %dma_wait3A_144 = arith.constant 0 : i32
        %dma_wait3A_145 = tpu.memref_slice %arg24[%dma_wait3A_143, %dma_wait3A_144] : memref<10240x128xf32, #tpu.memory_space<vmem_shared>> -> memref<10240x128xf32, #tpu.memory_space<vmem_shared>>
        tpu.wait_indirect_dma semaphore(%run_scoped3A : memref<!tpu.dma_semaphore, #tpu.memory_space<semaphore_mem>>) src(%arg15 : memref<64x128xf32, #tpu.memory_space<vmem>>) dst(%dma_wait3A_145 : memref<10240x128xf32, #tpu.memory_space<vmem_shared>>)
        tpu.yield
      }) : () -> ()
    }
    %scan3A_42 = arith.constant 40 : i32
    %barrier3A_43 = arith.constant 0 : index
    tpu.barrier barrier_id(%barrier3A_43)
    "tpu.region"() ({
      %run_scoped3A = tpu.sem_alloc : memref<!tpu.dma_semaphore, #tpu.memory_space<semaphore_mem>>
      %dma_start3A_44 = arith.constant 0 : i32
      %dma_start3A_45 = tpu.memref_slice %arg6[%arg0, %mul3A_2, %dma_start3A_44] : memref<2x10240x128xf32, #tpu.memory_space<hbm>> -> memref<1x640x128xf32, #tpu.memory_space<hbm>>
      %dma_start3A_46 = tpu.memref_squeeze %dma_start3A_45 : memref<1x640x128xf32, #tpu.memory_space<hbm>> -> memref<640x128xf32, #tpu.memory_space<hbm>>
      %dma_start3A_47 = arith.constant 0 : i32
      %dma_start3A_48 = tpu.memref_slice %arg24[%mul3A_2, %dma_start3A_47] : memref<10240x128xf32, #tpu.memory_space<vmem_shared>> -> memref<640x128xf32, #tpu.memory_space<vmem_shared>>
      tpu.enqueue_dma source(%dma_start3A_48 : memref<640x128xf32, #tpu.memory_space<vmem_shared>>) target(%dma_start3A_46 : memref<640x128xf32, #tpu.memory_space<hbm>>) target_semaphore(%run_scoped3A : memref<!tpu.dma_semaphore, #tpu.memory_space<semaphore_mem>>)
      %dma_wait3A = arith.constant 0 : i32
      %dma_wait3A_49 = tpu.memref_slice %arg6[%arg0, %mul3A_2, %dma_wait3A] : memref<2x10240x128xf32, #tpu.memory_space<hbm>> -> memref<1x640x128xf32, #tpu.memory_space<hbm>>
      %dma_wait3A_50 = tpu.memref_squeeze %dma_wait3A_49 : memref<1x640x128xf32, #tpu.memory_space<hbm>> -> memref<640x128xf32, #tpu.memory_space<hbm>>
      %dma_wait3A_51 = arith.constant 0 : i32
      %dma_wait3A_52 = tpu.memref_slice %arg24[%mul3A_2, %dma_wait3A_51] : memref<10240x128xf32, #tpu.memory_space<vmem_shared>> -> memref<640x128xf32, #tpu.memory_space<vmem_shared>>
      tpu.wait_dma2 semaphore(%run_scoped3A : memref<!tpu.dma_semaphore, #tpu.memory_space<semaphore_mem>>) src(%dma_wait3A_52 : memref<640x128xf32, #tpu.memory_space<vmem_shared>>) dst(%dma_wait3A_50 : memref<640x128xf32, #tpu.memory_space<hbm>>)
      tpu.yield
    }) : () -> ()
    return
  }
}

#map = affine_map<(d0, d1) -> (0, 0)>
#map1 = affine_map<(d0, d1) -> (0, 0, 0)>
#map2 = affine_map<(d0, d1) -> (0)>
module attributes {stable_mosaic.version = 14 : i64} {
  func.func @_sc_agg_body(%arg0: i32, %arg1: i32, %arg2: memref<10000x128xf32, #tpu.memory_space<hbm>>, %arg3: memref<32x10240xi32, #tpu.memory_space<hbm>>, %arg4: memref<32x160x64xi32, #tpu.memory_space<hbm>>, %arg5: memref<640x128xf32, #tpu.memory_space<hbm>>, %arg6: memref<10240xf32, #tpu.memory_space<hbm>>, %arg7: memref<64xf32, #tpu.memory_space<hbm>>, %arg8: memref<2x10240x128xf32, #tpu.memory_space<hbm>>, %arg9: memref<2x10240xf32, #tpu.memory_space<hbm>>, %arg10: memref<10240xi32, #tpu.memory_space<vmem>>, %arg11: memref<64xi32, #tpu.memory_space<vmem>>, %arg12: memref<64xi32, #tpu.memory_space<vmem>>, %arg13: memref<64xi32, #tpu.memory_space<vmem>>, %arg14: memref<64xi32, #tpu.memory_space<vmem>>, %arg15: memref<64x128xf32, #tpu.memory_space<vmem>>, %arg16: memref<64x128xf32, #tpu.memory_space<vmem>>, %arg17: memref<64x128xf32, #tpu.memory_space<vmem>>, %arg18: memref<64x128xf32, #tpu.memory_space<vmem>>, %arg19: memref<64xf32, #tpu.memory_space<vmem>>, %arg20: memref<!tpu.dma_semaphore, #tpu.memory_space<semaphore_mem>>, %arg21: memref<!tpu.dma_semaphore, #tpu.memory_space<semaphore_mem>>, %arg22: memref<!tpu.dma_semaphore, #tpu.memory_space<semaphore_mem>>, %arg23: memref<!tpu.dma_semaphore, #tpu.memory_space<semaphore_mem>>, %arg24: memref<!tpu.dma_semaphore, #tpu.memory_space<semaphore_mem>>, %arg25: memref<!tpu.dma_semaphore, #tpu.memory_space<semaphore_mem>>, %arg26: memref<!tpu.dma_semaphore, #tpu.memory_space<semaphore_mem>>, %arg27: memref<!tpu.dma_semaphore, #tpu.memory_space<semaphore_mem>>, %arg28: memref<10240x128xf32, #tpu.memory_space<vmem_shared>>, %arg29: memref<10240xf32, #tpu.memory_space<vmem_shared>>) attributes {dimension_semantics = [#tpu.dimension_semantics<core_parallel>, #tpu.dimension_semantics<subcore_parallel>], iteration_bounds = array<i64: 2, 16>, scalar_prefetch = 0 : i64, scratch_operands = 20 : i64, tpu.core_type = #tpu.core_type<sc_vector_subcore>, window_params = [{transform_indices = #map}, {transform_indices = #map}, {transform_indices = #map1}, {transform_indices = #map}, {transform_indices = #map2}, {transform_indices = #map2}, {transform_indices = #map1}, {transform_indices = #map}]} {
    %mul3A = arith.constant 16 : i32
    %mul3A_0 = arith.muli %arg0, %mul3A : i32
    %add3A = arith.addi %mul3A_0, %arg1 : i32
    %mul3A_1 = arith.constant 640 : i32
    %mul3A_2 = arith.muli %arg1, %mul3A_1 : i32
    "tpu.region"() ({
      %run_scoped3A = tpu.sem_alloc : memref<!tpu.dma_semaphore, #tpu.memory_space<semaphore_mem>>
      %dma_start3A_44 = arith.constant 0 : i32
      %dma_start3A_45 = tpu.memref_slice %arg3[%add3A, %dma_start3A_44] : memref<32x10240xi32, #tpu.memory_space<hbm>> -> memref<1x10240xi32, #tpu.memory_space<hbm>>
      %dma_start3A_46 = tpu.memref_squeeze %dma_start3A_45 : memref<1x10240xi32, #tpu.memory_space<hbm>> -> memref<10240xi32, #tpu.memory_space<hbm>>
      %dma_start3A_47 = arith.constant 0 : i32
      %dma_start3A_48 = tpu.memref_slice %arg3[%add3A, %dma_start3A_47] : memref<32x10240xi32, #tpu.memory_space<hbm>> -> memref<1x10240xi32, #tpu.memory_space<hbm>>
      %dma_start3A_49 = tpu.memref_squeeze %dma_start3A_48 : memref<1x10240xi32, #tpu.memory_space<hbm>> -> memref<10240xi32, #tpu.memory_space<hbm>>
      tpu.enqueue_dma source(%dma_start3A_49 : memref<10240xi32, #tpu.memory_space<hbm>>) target(%arg10 : memref<10240xi32, #tpu.memory_space<vmem>>) target_semaphore(%run_scoped3A : memref<!tpu.dma_semaphore, #tpu.memory_space<semaphore_mem>>)
      %dma_wait3A = arith.constant 0 : i32
      %dma_wait3A_50 = tpu.memref_slice %arg3[%add3A, %dma_wait3A] : memref<32x10240xi32, #tpu.memory_space<hbm>> -> memref<1x10240xi32, #tpu.memory_space<hbm>>
      %dma_wait3A_51 = tpu.memref_squeeze %dma_wait3A_50 : memref<1x10240xi32, #tpu.memory_space<hbm>> -> memref<10240xi32, #tpu.memory_space<hbm>>
      %dma_wait3A_52 = arith.constant 0 : i32
      %dma_wait3A_53 = tpu.memref_slice %arg3[%add3A, %dma_wait3A_52] : memref<32x10240xi32, #tpu.memory_space<hbm>> -> memref<1x10240xi32, #tpu.memory_space<hbm>>
      %dma_wait3A_54 = tpu.memref_squeeze %dma_wait3A_53 : memref<1x10240xi32, #tpu.memory_space<hbm>> -> memref<10240xi32, #tpu.memory_space<hbm>>
      tpu.wait_dma2 semaphore(%run_scoped3A : memref<!tpu.dma_semaphore, #tpu.memory_space<semaphore_mem>>) src(%dma_wait3A_54 : memref<10240xi32, #tpu.memory_space<hbm>>) dst(%arg10 : memref<10240xi32, #tpu.memory_space<vmem>>)
      tpu.yield
    }) : () -> ()
    %dma_start3A = arith.constant 0 : i32
    %dma_start3A_3 = tpu.memref_slice %arg10[%dma_start3A] : memref<10240xi32, #tpu.memory_space<vmem>> -> memref<64xi32, #tpu.memory_space<vmem>>
    %dma_start3A_4 = arith.constant 0 : i32
    %dma_start3A_5 = arith.constant 0 : i32
    %dma_start3A_6 = tpu.memref_slice %arg2[%dma_start3A_4, %dma_start3A_5] : memref<10000x128xf32, #tpu.memory_space<hbm>> -> memref<10000x128xf32, #tpu.memory_space<hbm>>
    tpu.enqueue_indirect_dma source(%dma_start3A_6 : memref<10000x128xf32, #tpu.memory_space<hbm>>) target(%arg15 : memref<64x128xf32, #tpu.memory_space<vmem>>) offsets(%dma_start3A_3 : memref<64xi32, #tpu.memory_space<vmem>>) semaphore(%arg20 : memref<!tpu.dma_semaphore, #tpu.memory_space<semaphore_mem>>)
    %dma_start3A_7 = arith.constant 0 : i32
    %dma_start3A_8 = arith.constant 0 : i32
    %dma_start3A_9 = tpu.memref_slice %arg4[%add3A, %dma_start3A_7, %dma_start3A_8] : memref<32x160x64xi32, #tpu.memory_space<hbm>> -> memref<1x1x64xi32, #tpu.memory_space<hbm>>
    %dma_start3A_10 = tpu.memref_squeeze %dma_start3A_9 : memref<1x1x64xi32, #tpu.memory_space<hbm>> -> memref<64xi32, #tpu.memory_space<hbm>>
    %dma_start3A_11 = arith.constant 0 : i32
    %dma_start3A_12 = tpu.memref_slice %arg4[%add3A, %dma_start3A_7, %dma_start3A_11] : memref<32x160x64xi32, #tpu.memory_space<hbm>> -> memref<1x1x64xi32, #tpu.memory_space<hbm>>
    %dma_start3A_13 = tpu.memref_squeeze %dma_start3A_12 : memref<1x1x64xi32, #tpu.memory_space<hbm>> -> memref<64xi32, #tpu.memory_space<hbm>>
    tpu.enqueue_dma source(%dma_start3A_13 : memref<64xi32, #tpu.memory_space<hbm>>) target(%arg11 : memref<64xi32, #tpu.memory_space<vmem>>) target_semaphore(%arg24 : memref<!tpu.dma_semaphore, #tpu.memory_space<semaphore_mem>>)
    %dma_start3A_14 = arith.constant 64 : i32
    %dma_start3A_15 = tpu.memref_slice %arg10[%dma_start3A_14] : memref<10240xi32, #tpu.memory_space<vmem>> -> memref<64xi32, #tpu.memory_space<vmem>>
    %dma_start3A_16 = arith.constant 0 : i32
    %dma_start3A_17 = arith.constant 0 : i32
    %dma_start3A_18 = tpu.memref_slice %arg2[%dma_start3A_16, %dma_start3A_17] : memref<10000x128xf32, #tpu.memory_space<hbm>> -> memref<10000x128xf32, #tpu.memory_space<hbm>>
    tpu.enqueue_indirect_dma source(%dma_start3A_18 : memref<10000x128xf32, #tpu.memory_space<hbm>>) target(%arg16 : memref<64x128xf32, #tpu.memory_space<vmem>>) offsets(%dma_start3A_15 : memref<64xi32, #tpu.memory_space<vmem>>) semaphore(%arg21 : memref<!tpu.dma_semaphore, #tpu.memory_space<semaphore_mem>>)
    %dma_start3A_19 = arith.constant 1 : i32
    %dma_start3A_20 = arith.constant 0 : i32
    %dma_start3A_21 = tpu.memref_slice %arg4[%add3A, %dma_start3A_19, %dma_start3A_20] : memref<32x160x64xi32, #tpu.memory_space<hbm>> -> memref<1x1x64xi32, #tpu.memory_space<hbm>>
    %dma_start3A_22 = tpu.memref_squeeze %dma_start3A_21 : memref<1x1x64xi32, #tpu.memory_space<hbm>> -> memref<64xi32, #tpu.memory_space<hbm>>
    %dma_start3A_23 = arith.constant 0 : i32
    %dma_start3A_24 = tpu.memref_slice %arg4[%add3A, %dma_start3A_19, %dma_start3A_23] : memref<32x160x64xi32, #tpu.memory_space<hbm>> -> memref<1x1x64xi32, #tpu.memory_space<hbm>>
    %dma_start3A_25 = tpu.memref_squeeze %dma_start3A_24 : memref<1x1x64xi32, #tpu.memory_space<hbm>> -> memref<64xi32, #tpu.memory_space<hbm>>
    tpu.enqueue_dma source(%dma_start3A_25 : memref<64xi32, #tpu.memory_space<hbm>>) target(%arg12 : memref<64xi32, #tpu.memory_space<vmem>>) target_semaphore(%arg25 : memref<!tpu.dma_semaphore, #tpu.memory_space<semaphore_mem>>)
    %dma_start3A_26 = arith.constant 128 : i32
    %dma_start3A_27 = tpu.memref_slice %arg10[%dma_start3A_26] : memref<10240xi32, #tpu.memory_space<vmem>> -> memref<64xi32, #tpu.memory_space<vmem>>
    %dma_start3A_28 = arith.constant 0 : i32
    %dma_start3A_29 = arith.constant 0 : i32
    %dma_start3A_30 = tpu.memref_slice %arg2[%dma_start3A_28, %dma_start3A_29] : memref<10000x128xf32, #tpu.memory_space<hbm>> -> memref<10000x128xf32, #tpu.memory_space<hbm>>
    tpu.enqueue_indirect_dma source(%dma_start3A_30 : memref<10000x128xf32, #tpu.memory_space<hbm>>) target(%arg17 : memref<64x128xf32, #tpu.memory_space<vmem>>) offsets(%dma_start3A_27 : memref<64xi32, #tpu.memory_space<vmem>>) semaphore(%arg22 : memref<!tpu.dma_semaphore, #tpu.memory_space<semaphore_mem>>)
    %dma_start3A_31 = arith.constant 2 : i32
    %dma_start3A_32 = arith.constant 0 : i32
    %dma_start3A_33 = tpu.memref_slice %arg4[%add3A, %dma_start3A_31, %dma_start3A_32] : memref<32x160x64xi32, #tpu.memory_space<hbm>> -> memref<1x1x64xi32, #tpu.memory_space<hbm>>
    %dma_start3A_34 = tpu.memref_squeeze %dma_start3A_33 : memref<1x1x64xi32, #tpu.memory_space<hbm>> -> memref<64xi32, #tpu.memory_space<hbm>>
    %dma_start3A_35 = arith.constant 0 : i32
    %dma_start3A_36 = tpu.memref_slice %arg4[%add3A, %dma_start3A_31, %dma_start3A_35] : memref<32x160x64xi32, #tpu.memory_space<hbm>> -> memref<1x1x64xi32, #tpu.memory_space<hbm>>
    %dma_start3A_37 = tpu.memref_squeeze %dma_start3A_36 : memref<1x1x64xi32, #tpu.memory_space<hbm>> -> memref<64xi32, #tpu.memory_space<hbm>>
    tpu.enqueue_dma source(%dma_start3A_37 : memref<64xi32, #tpu.memory_space<hbm>>) target(%arg13 : memref<64xi32, #tpu.memory_space<vmem>>) target_semaphore(%arg26 : memref<!tpu.dma_semaphore, #tpu.memory_space<semaphore_mem>>)
    "tpu.region"() ({
      %run_scoped3A = tpu.sem_alloc : memref<!tpu.dma_semaphore, #tpu.memory_space<semaphore_mem>>
      %dma_start3A_44 = arith.constant 0 : i32
      %dma_start3A_45 = tpu.memref_slice %arg28[%mul3A_2, %dma_start3A_44] : memref<10240x128xf32, #tpu.memory_space<vmem_shared>> -> memref<640x128xf32, #tpu.memory_space<vmem_shared>>
      tpu.enqueue_dma source(%arg5 : memref<640x128xf32, #tpu.memory_space<hbm>>) target(%dma_start3A_45 : memref<640x128xf32, #tpu.memory_space<vmem_shared>>) target_semaphore(%run_scoped3A : memref<!tpu.dma_semaphore, #tpu.memory_space<semaphore_mem>>)
      %dma_wait3A = arith.constant 0 : i32
      %dma_wait3A_46 = tpu.memref_slice %arg28[%mul3A_2, %dma_wait3A] : memref<10240x128xf32, #tpu.memory_space<vmem_shared>> -> memref<640x128xf32, #tpu.memory_space<vmem_shared>>
      tpu.wait_dma2 semaphore(%run_scoped3A : memref<!tpu.dma_semaphore, #tpu.memory_space<semaphore_mem>>) src(%arg5 : memref<640x128xf32, #tpu.memory_space<hbm>>) dst(%dma_wait3A_46 : memref<640x128xf32, #tpu.memory_space<vmem_shared>>)
      tpu.yield
    }) : () -> ()
    "tpu.region"() ({
      %run_scoped3A = tpu.sem_alloc : memref<!tpu.dma_semaphore, #tpu.memory_space<semaphore_mem>>
      %dma_start3A_44 = tpu.memref_slice %arg29[%mul3A_2] : memref<10240xf32, #tpu.memory_space<vmem_shared>> -> memref<640xf32, #tpu.memory_space<vmem_shared>>
      %dma_start3A_45 = tpu.memref_slice %arg6[%mul3A_2] : memref<10240xf32, #tpu.memory_space<hbm>> -> memref<640xf32, #tpu.memory_space<hbm>>
      tpu.enqueue_dma source(%dma_start3A_45 : memref<640xf32, #tpu.memory_space<hbm>>) target(%dma_start3A_44 : memref<640xf32, #tpu.memory_space<vmem_shared>>) target_semaphore(%run_scoped3A : memref<!tpu.dma_semaphore, #tpu.memory_space<semaphore_mem>>)
      %dma_wait3A = tpu.memref_slice %arg29[%mul3A_2] : memref<10240xf32, #tpu.memory_space<vmem_shared>> -> memref<640xf32, #tpu.memory_space<vmem_shared>>
      %dma_wait3A_46 = tpu.memref_slice %arg6[%mul3A_2] : memref<10240xf32, #tpu.memory_space<hbm>> -> memref<640xf32, #tpu.memory_space<hbm>>
      tpu.wait_dma2 semaphore(%run_scoped3A : memref<!tpu.dma_semaphore, #tpu.memory_space<semaphore_mem>>) src(%dma_wait3A_46 : memref<640xf32, #tpu.memory_space<hbm>>) dst(%dma_wait3A : memref<640xf32, #tpu.memory_space<vmem_shared>>)
      tpu.yield
    }) : () -> ()
    "tpu.region"() ({
      %run_scoped3A = tpu.sem_alloc : memref<!tpu.dma_semaphore, #tpu.memory_space<semaphore_mem>>
      tpu.enqueue_dma source(%arg7 : memref<64xf32, #tpu.memory_space<hbm>>) target(%arg19 : memref<64xf32, #tpu.memory_space<vmem>>) target_semaphore(%run_scoped3A : memref<!tpu.dma_semaphore, #tpu.memory_space<semaphore_mem>>)
      tpu.wait_dma2 semaphore(%run_scoped3A : memref<!tpu.dma_semaphore, #tpu.memory_space<semaphore_mem>>) src(%arg7 : memref<64xf32, #tpu.memory_space<hbm>>) dst(%arg19 : memref<64xf32, #tpu.memory_space<vmem>>)
      tpu.yield
    }) : () -> ()
    %barrier3A = arith.constant 0 : index
    tpu.barrier barrier_id(%barrier3A)
    %scan3A = arith.constant 0 : i32
    %scan3A_38 = arith.constant 0 : i32
    %scan3A_39 = arith.constant 40 : i32
    %scan3A_40 = arith.addi %scan3A_38, %scan3A_39 : i32
    %scan3A_41 = arith.constant 1 : i32
    scf.for %scan3A_44 = %scan3A_38 to %scan3A_40 step %scan3A_41  : i32 {
      %mul3A_45 = arith.constant 4 : i32
      %mul3A_46 = arith.muli %mul3A_45, %scan3A_44 : i32
      %add3A_47 = arith.constant 0 : i32
      %add3A_48 = arith.addi %mul3A_46, %add3A_47 : i32
      %add3A_49 = arith.constant 4 : i32
      %add3A_50 = arith.addi %add3A_48, %add3A_49 : i32
      %sub3A = arith.constant 1 : i32
      %sub3A_51 = arith.subi %add3A_50, %sub3A : i32
      %lt3A = arith.constant 160 : i32
      %lt3A_52 = arith.cmpi slt, %sub3A_51, %lt3A : i32
      %convert_element_type3A = arith.extui %lt3A_52 : i1 to i32
      %cond3A = arith.constant 0 : i32
      %cond3A_53 = arith.cmpi ne, %convert_element_type3A, %cond3A : i32
      scf.if %cond3A_53 {
        %mul3A_140 = arith.constant 64 : i32
        %mul3A_141 = arith.muli %sub3A_51, %mul3A_140 : i32
        %dma_start3A_142 = tpu.memref_slice %arg10[%mul3A_141] : memref<10240xi32, #tpu.memory_space<vmem>> -> memref<64xi32, #tpu.memory_space<vmem>>
        %dma_start3A_143 = arith.constant 0 : i32
        %dma_start3A_144 = arith.constant 0 : i32
        %dma_start3A_145 = tpu.memref_slice %arg2[%dma_start3A_143, %dma_start3A_144] : memref<10000x128xf32, #tpu.memory_space<hbm>> -> memref<10000x128xf32, #tpu.memory_space<hbm>>
        tpu.enqueue_indirect_dma source(%dma_start3A_145 : memref<10000x128xf32, #tpu.memory_space<hbm>>) target(%arg18 : memref<64x128xf32, #tpu.memory_space<vmem>>) offsets(%dma_start3A_142 : memref<64xi32, #tpu.memory_space<vmem>>) semaphore(%arg23 : memref<!tpu.dma_semaphore, #tpu.memory_space<semaphore_mem>>)
        %dma_start3A_146 = arith.constant 0 : i32
        %dma_start3A_147 = tpu.memref_slice %arg4[%add3A, %sub3A_51, %dma_start3A_146] : memref<32x160x64xi32, #tpu.memory_space<hbm>> -> memref<1x1x64xi32, #tpu.memory_space<hbm>>
        %dma_start3A_148 = tpu.memref_squeeze %dma_start3A_147 : memref<1x1x64xi32, #tpu.memory_space<hbm>> -> memref<64xi32, #tpu.memory_space<hbm>>
        %dma_start3A_149 = arith.constant 0 : i32
        %dma_start3A_150 = tpu.memref_slice %arg4[%add3A, %sub3A_51, %dma_start3A_149] : memref<32x160x64xi32, #tpu.memory_space<hbm>> -> memref<1x1x64xi32, #tpu.memory_space<hbm>>
        %dma_start3A_151 = tpu.memref_squeeze %dma_start3A_150 : memref<1x1x64xi32, #tpu.memory_space<hbm>> -> memref<64xi32, #tpu.memory_space<hbm>>
        tpu.enqueue_dma source(%dma_start3A_151 : memref<64xi32, #tpu.memory_space<hbm>>) target(%arg14 : memref<64xi32, #tpu.memory_space<vmem>>) target_semaphore(%arg27 : memref<!tpu.dma_semaphore, #tpu.memory_space<semaphore_mem>>)
      } else {
      }
      %mul3A_54 = arith.constant 64 : i32
      %mul3A_55 = arith.muli %add3A_48, %mul3A_54 : i32
      %dma_wait3A = tpu.memref_slice %arg10[%mul3A_55] : memref<10240xi32, #tpu.memory_space<vmem>> -> memref<64xi32, #tpu.memory_space<vmem>>
      %dma_wait3A_56 = arith.constant 0 : i32
      %dma_wait3A_57 = arith.constant 0 : i32
      %dma_wait3A_58 = tpu.memref_slice %arg2[%dma_wait3A_56, %dma_wait3A_57] : memref<10000x128xf32, #tpu.memory_space<hbm>> -> memref<10000x128xf32, #tpu.memory_space<hbm>>
      tpu.wait_indirect_dma semaphore(%arg20 : memref<!tpu.dma_semaphore, #tpu.memory_space<semaphore_mem>>) src(%dma_wait3A_58 : memref<10000x128xf32, #tpu.memory_space<hbm>>) dst(%arg15 : memref<64x128xf32, #tpu.memory_space<vmem>>)
      %dma_wait3A_59 = arith.constant 0 : i32
      %dma_wait3A_60 = tpu.memref_slice %arg4[%add3A, %add3A_48, %dma_wait3A_59] : memref<32x160x64xi32, #tpu.memory_space<hbm>> -> memref<1x1x64xi32, #tpu.memory_space<hbm>>
      %dma_wait3A_61 = tpu.memref_squeeze %dma_wait3A_60 : memref<1x1x64xi32, #tpu.memory_space<hbm>> -> memref<64xi32, #tpu.memory_space<hbm>>
      %dma_wait3A_62 = arith.constant 0 : i32
      %dma_wait3A_63 = tpu.memref_slice %arg4[%add3A, %add3A_48, %dma_wait3A_62] : memref<32x160x64xi32, #tpu.memory_space<hbm>> -> memref<1x1x64xi32, #tpu.memory_space<hbm>>
      %dma_wait3A_64 = tpu.memref_squeeze %dma_wait3A_63 : memref<1x1x64xi32, #tpu.memory_space<hbm>> -> memref<64xi32, #tpu.memory_space<hbm>>
      tpu.wait_dma2 semaphore(%arg24 : memref<!tpu.dma_semaphore, #tpu.memory_space<semaphore_mem>>) src(%dma_wait3A_64 : memref<64xi32, #tpu.memory_space<hbm>>) dst(%arg11 : memref<64xi32, #tpu.memory_space<vmem>>)
      "tpu.region"() ({
        %run_scoped3A = tpu.sem_alloc : memref<!tpu.dma_semaphore, #tpu.memory_space<semaphore_mem>>
        %dma_start3A_140 = arith.constant 0 : i32
        %dma_start3A_141 = arith.constant 0 : i32
        %dma_start3A_142 = tpu.memref_slice %arg28[%dma_start3A_140, %dma_start3A_141] : memref<10240x128xf32, #tpu.memory_space<vmem_shared>> -> memref<10240x128xf32, #tpu.memory_space<vmem_shared>>
        tpu.enqueue_indirect_dma source(%arg15 : memref<64x128xf32, #tpu.memory_space<vmem>>) target(%dma_start3A_142 : memref<10240x128xf32, #tpu.memory_space<vmem_shared>>) offsets(%arg11 : memref<64xi32, #tpu.memory_space<vmem>>) semaphore(%run_scoped3A : memref<!tpu.dma_semaphore, #tpu.memory_space<semaphore_mem>>) {add = true}
        %dma_wait3A_143 = arith.constant 0 : i32
        %dma_wait3A_144 = arith.constant 0 : i32
        %dma_wait3A_145 = tpu.memref_slice %arg28[%dma_wait3A_143, %dma_wait3A_144] : memref<10240x128xf32, #tpu.memory_space<vmem_shared>> -> memref<10240x128xf32, #tpu.memory_space<vmem_shared>>
        tpu.wait_indirect_dma semaphore(%run_scoped3A : memref<!tpu.dma_semaphore, #tpu.memory_space<semaphore_mem>>) src(%arg15 : memref<64x128xf32, #tpu.memory_space<vmem>>) dst(%dma_wait3A_145 : memref<10240x128xf32, #tpu.memory_space<vmem_shared>>)
        tpu.yield
      }) : () -> ()
      "tpu.region"() ({
        %run_scoped3A = tpu.sem_alloc : memref<!tpu.dma_semaphore, #tpu.memory_space<semaphore_mem>>
        %dma_start3A_140 = arith.constant 0 : i32
        %dma_start3A_141 = tpu.memref_slice %arg29[%dma_start3A_140] : memref<10240xf32, #tpu.memory_space<vmem_shared>> -> memref<10240xf32, #tpu.memory_space<vmem_shared>>
        tpu.enqueue_indirect_dma source(%arg19 : memref<64xf32, #tpu.memory_space<vmem>>) target(%dma_start3A_141 : memref<10240xf32, #tpu.memory_space<vmem_shared>>) offsets(%arg11 : memref<64xi32, #tpu.memory_space<vmem>>) semaphore(%run_scoped3A : memref<!tpu.dma_semaphore, #tpu.memory_space<semaphore_mem>>) {add = true}
        %dma_wait3A_142 = arith.constant 0 : i32
        %dma_wait3A_143 = tpu.memref_slice %arg29[%dma_wait3A_142] : memref<10240xf32, #tpu.memory_space<vmem_shared>> -> memref<10240xf32, #tpu.memory_space<vmem_shared>>
        tpu.wait_indirect_dma semaphore(%run_scoped3A : memref<!tpu.dma_semaphore, #tpu.memory_space<semaphore_mem>>) src(%arg19 : memref<64xf32, #tpu.memory_space<vmem>>) dst(%dma_wait3A_143 : memref<10240xf32, #tpu.memory_space<vmem_shared>>)
        tpu.yield
      }) : () -> ()
      %mul3A_65 = arith.constant 4 : i32
      %mul3A_66 = arith.muli %mul3A_65, %scan3A_44 : i32
      %add3A_67 = arith.constant 1 : i32
      %add3A_68 = arith.addi %mul3A_66, %add3A_67 : i32
      %add3A_69 = arith.constant 4 : i32
      %add3A_70 = arith.addi %add3A_68, %add3A_69 : i32
      %sub3A_71 = arith.constant 1 : i32
      %sub3A_72 = arith.subi %add3A_70, %sub3A_71 : i32
      %lt3A_73 = arith.constant 160 : i32
      %lt3A_74 = arith.cmpi slt, %sub3A_72, %lt3A_73 : i32
      %convert_element_type3A_75 = arith.extui %lt3A_74 : i1 to i32
      %cond3A_76 = arith.constant 0 : i32
      %cond3A_77 = arith.cmpi ne, %convert_element_type3A_75, %cond3A_76 : i32
      scf.if %cond3A_77 {
        %mul3A_140 = arith.constant 64 : i32
        %mul3A_141 = arith.muli %sub3A_72, %mul3A_140 : i32
        %dma_start3A_142 = tpu.memref_slice %arg10[%mul3A_141] : memref<10240xi32, #tpu.memory_space<vmem>> -> memref<64xi32, #tpu.memory_space<vmem>>
        %dma_start3A_143 = arith.constant 0 : i32
        %dma_start3A_144 = arith.constant 0 : i32
        %dma_start3A_145 = tpu.memref_slice %arg2[%dma_start3A_143, %dma_start3A_144] : memref<10000x128xf32, #tpu.memory_space<hbm>> -> memref<10000x128xf32, #tpu.memory_space<hbm>>
        tpu.enqueue_indirect_dma source(%dma_start3A_145 : memref<10000x128xf32, #tpu.memory_space<hbm>>) target(%arg15 : memref<64x128xf32, #tpu.memory_space<vmem>>) offsets(%dma_start3A_142 : memref<64xi32, #tpu.memory_space<vmem>>) semaphore(%arg20 : memref<!tpu.dma_semaphore, #tpu.memory_space<semaphore_mem>>)
        %dma_start3A_146 = arith.constant 0 : i32
        %dma_start3A_147 = tpu.memref_slice %arg4[%add3A, %sub3A_72, %dma_start3A_146] : memref<32x160x64xi32, #tpu.memory_space<hbm>> -> memref<1x1x64xi32, #tpu.memory_space<hbm>>
        %dma_start3A_148 = tpu.memref_squeeze %dma_start3A_147 : memref<1x1x64xi32, #tpu.memory_space<hbm>> -> memref<64xi32, #tpu.memory_space<hbm>>
        %dma_start3A_149 = arith.constant 0 : i32
        %dma_start3A_150 = tpu.memref_slice %arg4[%add3A, %sub3A_72, %dma_start3A_149] : memref<32x160x64xi32, #tpu.memory_space<hbm>> -> memref<1x1x64xi32, #tpu.memory_space<hbm>>
        %dma_start3A_151 = tpu.memref_squeeze %dma_start3A_150 : memref<1x1x64xi32, #tpu.memory_space<hbm>> -> memref<64xi32, #tpu.memory_space<hbm>>
        tpu.enqueue_dma source(%dma_start3A_151 : memref<64xi32, #tpu.memory_space<hbm>>) target(%arg11 : memref<64xi32, #tpu.memory_space<vmem>>) target_semaphore(%arg24 : memref<!tpu.dma_semaphore, #tpu.memory_space<semaphore_mem>>)
      } else {
      }
      %mul3A_78 = arith.constant 64 : i32
      %mul3A_79 = arith.muli %add3A_68, %mul3A_78 : i32
      %dma_wait3A_80 = tpu.memref_slice %arg10[%mul3A_79] : memref<10240xi32, #tpu.memory_space<vmem>> -> memref<64xi32, #tpu.memory_space<vmem>>
      %dma_wait3A_81 = arith.constant 0 : i32
      %dma_wait3A_82 = arith.constant 0 : i32
      %dma_wait3A_83 = tpu.memref_slice %arg2[%dma_wait3A_81, %dma_wait3A_82] : memref<10000x128xf32, #tpu.memory_space<hbm>> -> memref<10000x128xf32, #tpu.memory_space<hbm>>
      tpu.wait_indirect_dma semaphore(%arg21 : memref<!tpu.dma_semaphore, #tpu.memory_space<semaphore_mem>>) src(%dma_wait3A_83 : memref<10000x128xf32, #tpu.memory_space<hbm>>) dst(%arg16 : memref<64x128xf32, #tpu.memory_space<vmem>>)
      %dma_wait3A_84 = arith.constant 0 : i32
      %dma_wait3A_85 = tpu.memref_slice %arg4[%add3A, %add3A_68, %dma_wait3A_84] : memref<32x160x64xi32, #tpu.memory_space<hbm>> -> memref<1x1x64xi32, #tpu.memory_space<hbm>>
      %dma_wait3A_86 = tpu.memref_squeeze %dma_wait3A_85 : memref<1x1x64xi32, #tpu.memory_space<hbm>> -> memref<64xi32, #tpu.memory_space<hbm>>
      %dma_wait3A_87 = arith.constant 0 : i32
      %dma_wait3A_88 = tpu.memref_slice %arg4[%add3A, %add3A_68, %dma_wait3A_87] : memref<32x160x64xi32, #tpu.memory_space<hbm>> -> memref<1x1x64xi32, #tpu.memory_space<hbm>>
      %dma_wait3A_89 = tpu.memref_squeeze %dma_wait3A_88 : memref<1x1x64xi32, #tpu.memory_space<hbm>> -> memref<64xi32, #tpu.memory_space<hbm>>
      tpu.wait_dma2 semaphore(%arg25 : memref<!tpu.dma_semaphore, #tpu.memory_space<semaphore_mem>>) src(%dma_wait3A_89 : memref<64xi32, #tpu.memory_space<hbm>>) dst(%arg12 : memref<64xi32, #tpu.memory_space<vmem>>)
      "tpu.region"() ({
        %run_scoped3A = tpu.sem_alloc : memref<!tpu.dma_semaphore, #tpu.memory_space<semaphore_mem>>
        %dma_start3A_140 = arith.constant 0 : i32
        %dma_start3A_141 = arith.constant 0 : i32
        %dma_start3A_142 = tpu.memref_slice %arg28[%dma_start3A_140, %dma_start3A_141] : memref<10240x128xf32, #tpu.memory_space<vmem_shared>> -> memref<10240x128xf32, #tpu.memory_space<vmem_shared>>
        tpu.enqueue_indirect_dma source(%arg16 : memref<64x128xf32, #tpu.memory_space<vmem>>) target(%dma_start3A_142 : memref<10240x128xf32, #tpu.memory_space<vmem_shared>>) offsets(%arg12 : memref<64xi32, #tpu.memory_space<vmem>>) semaphore(%run_scoped3A : memref<!tpu.dma_semaphore, #tpu.memory_space<semaphore_mem>>) {add = true}
        %dma_wait3A_143 = arith.constant 0 : i32
        %dma_wait3A_144 = arith.constant 0 : i32
        %dma_wait3A_145 = tpu.memref_slice %arg28[%dma_wait3A_143, %dma_wait3A_144] : memref<10240x128xf32, #tpu.memory_space<vmem_shared>> -> memref<10240x128xf32, #tpu.memory_space<vmem_shared>>
        tpu.wait_indirect_dma semaphore(%run_scoped3A : memref<!tpu.dma_semaphore, #tpu.memory_space<semaphore_mem>>) src(%arg16 : memref<64x128xf32, #tpu.memory_space<vmem>>) dst(%dma_wait3A_145 : memref<10240x128xf32, #tpu.memory_space<vmem_shared>>)
        tpu.yield
      }) : () -> ()
      "tpu.region"() ({
        %run_scoped3A = tpu.sem_alloc : memref<!tpu.dma_semaphore, #tpu.memory_space<semaphore_mem>>
        %dma_start3A_140 = arith.constant 0 : i32
        %dma_start3A_141 = tpu.memref_slice %arg29[%dma_start3A_140] : memref<10240xf32, #tpu.memory_space<vmem_shared>> -> memref<10240xf32, #tpu.memory_space<vmem_shared>>
        tpu.enqueue_indirect_dma source(%arg19 : memref<64xf32, #tpu.memory_space<vmem>>) target(%dma_start3A_141 : memref<10240xf32, #tpu.memory_space<vmem_shared>>) offsets(%arg12 : memref<64xi32, #tpu.memory_space<vmem>>) semaphore(%run_scoped3A : memref<!tpu.dma_semaphore, #tpu.memory_space<semaphore_mem>>) {add = true}
        %dma_wait3A_142 = arith.constant 0 : i32
        %dma_wait3A_143 = tpu.memref_slice %arg29[%dma_wait3A_142] : memref<10240xf32, #tpu.memory_space<vmem_shared>> -> memref<10240xf32, #tpu.memory_space<vmem_shared>>
        tpu.wait_indirect_dma semaphore(%run_scoped3A : memref<!tpu.dma_semaphore, #tpu.memory_space<semaphore_mem>>) src(%arg19 : memref<64xf32, #tpu.memory_space<vmem>>) dst(%dma_wait3A_143 : memref<10240xf32, #tpu.memory_space<vmem_shared>>)
        tpu.yield
      }) : () -> ()
      %mul3A_90 = arith.constant 4 : i32
      %mul3A_91 = arith.muli %mul3A_90, %scan3A_44 : i32
      %add3A_92 = arith.constant 2 : i32
      %add3A_93 = arith.addi %mul3A_91, %add3A_92 : i32
      %add3A_94 = arith.constant 4 : i32
      %add3A_95 = arith.addi %add3A_93, %add3A_94 : i32
      %sub3A_96 = arith.constant 1 : i32
      %sub3A_97 = arith.subi %add3A_95, %sub3A_96 : i32
      %lt3A_98 = arith.constant 160 : i32
      %lt3A_99 = arith.cmpi slt, %sub3A_97, %lt3A_98 : i32
      %convert_element_type3A_100 = arith.extui %lt3A_99 : i1 to i32
      %cond3A_101 = arith.constant 0 : i32
      %cond3A_102 = arith.cmpi ne, %convert_element_type3A_100, %cond3A_101 : i32
      scf.if %cond3A_102 {
        %mul3A_140 = arith.constant 64 : i32
        %mul3A_141 = arith.muli %sub3A_97, %mul3A_140 : i32
        %dma_start3A_142 = tpu.memref_slice %arg10[%mul3A_141] : memref<10240xi32, #tpu.memory_space<vmem>> -> memref<64xi32, #tpu.memory_space<vmem>>
        %dma_start3A_143 = arith.constant 0 : i32
        %dma_start3A_144 = arith.constant 0 : i32
        %dma_start3A_145 = tpu.memref_slice %arg2[%dma_start3A_143, %dma_start3A_144] : memref<10000x128xf32, #tpu.memory_space<hbm>> -> memref<10000x128xf32, #tpu.memory_space<hbm>>
        tpu.enqueue_indirect_dma source(%dma_start3A_145 : memref<10000x128xf32, #tpu.memory_space<hbm>>) target(%arg16 : memref<64x128xf32, #tpu.memory_space<vmem>>) offsets(%dma_start3A_142 : memref<64xi32, #tpu.memory_space<vmem>>) semaphore(%arg21 : memref<!tpu.dma_semaphore, #tpu.memory_space<semaphore_mem>>)
        %dma_start3A_146 = arith.constant 0 : i32
        %dma_start3A_147 = tpu.memref_slice %arg4[%add3A, %sub3A_97, %dma_start3A_146] : memref<32x160x64xi32, #tpu.memory_space<hbm>> -> memref<1x1x64xi32, #tpu.memory_space<hbm>>
        %dma_start3A_148 = tpu.memref_squeeze %dma_start3A_147 : memref<1x1x64xi32, #tpu.memory_space<hbm>> -> memref<64xi32, #tpu.memory_space<hbm>>
        %dma_start3A_149 = arith.constant 0 : i32
        %dma_start3A_150 = tpu.memref_slice %arg4[%add3A, %sub3A_97, %dma_start3A_149] : memref<32x160x64xi32, #tpu.memory_space<hbm>> -> memref<1x1x64xi32, #tpu.memory_space<hbm>>
        %dma_start3A_151 = tpu.memref_squeeze %dma_start3A_150 : memref<1x1x64xi32, #tpu.memory_space<hbm>> -> memref<64xi32, #tpu.memory_space<hbm>>
        tpu.enqueue_dma source(%dma_start3A_151 : memref<64xi32, #tpu.memory_space<hbm>>) target(%arg12 : memref<64xi32, #tpu.memory_space<vmem>>) target_semaphore(%arg25 : memref<!tpu.dma_semaphore, #tpu.memory_space<semaphore_mem>>)
      } else {
      }
      %mul3A_103 = arith.constant 64 : i32
      %mul3A_104 = arith.muli %add3A_93, %mul3A_103 : i32
      %dma_wait3A_105 = tpu.memref_slice %arg10[%mul3A_104] : memref<10240xi32, #tpu.memory_space<vmem>> -> memref<64xi32, #tpu.memory_space<vmem>>
      %dma_wait3A_106 = arith.constant 0 : i32
      %dma_wait3A_107 = arith.constant 0 : i32
      %dma_wait3A_108 = tpu.memref_slice %arg2[%dma_wait3A_106, %dma_wait3A_107] : memref<10000x128xf32, #tpu.memory_space<hbm>> -> memref<10000x128xf32, #tpu.memory_space<hbm>>
      tpu.wait_indirect_dma semaphore(%arg22 : memref<!tpu.dma_semaphore, #tpu.memory_space<semaphore_mem>>) src(%dma_wait3A_108 : memref<10000x128xf32, #tpu.memory_space<hbm>>) dst(%arg17 : memref<64x128xf32, #tpu.memory_space<vmem>>)
      %dma_wait3A_109 = arith.constant 0 : i32
      %dma_wait3A_110 = tpu.memref_slice %arg4[%add3A, %add3A_93, %dma_wait3A_109] : memref<32x160x64xi32, #tpu.memory_space<hbm>> -> memref<1x1x64xi32, #tpu.memory_space<hbm>>
      %dma_wait3A_111 = tpu.memref_squeeze %dma_wait3A_110 : memref<1x1x64xi32, #tpu.memory_space<hbm>> -> memref<64xi32, #tpu.memory_space<hbm>>
      %dma_wait3A_112 = arith.constant 0 : i32
      %dma_wait3A_113 = tpu.memref_slice %arg4[%add3A, %add3A_93, %dma_wait3A_112] : memref<32x160x64xi32, #tpu.memory_space<hbm>> -> memref<1x1x64xi32, #tpu.memory_space<hbm>>
      %dma_wait3A_114 = tpu.memref_squeeze %dma_wait3A_113 : memref<1x1x64xi32, #tpu.memory_space<hbm>> -> memref<64xi32, #tpu.memory_space<hbm>>
      tpu.wait_dma2 semaphore(%arg26 : memref<!tpu.dma_semaphore, #tpu.memory_space<semaphore_mem>>) src(%dma_wait3A_114 : memref<64xi32, #tpu.memory_space<hbm>>) dst(%arg13 : memref<64xi32, #tpu.memory_space<vmem>>)
      "tpu.region"() ({
        %run_scoped3A = tpu.sem_alloc : memref<!tpu.dma_semaphore, #tpu.memory_space<semaphore_mem>>
        %dma_start3A_140 = arith.constant 0 : i32
        %dma_start3A_141 = arith.constant 0 : i32
        %dma_start3A_142 = tpu.memref_slice %arg28[%dma_start3A_140, %dma_start3A_141] : memref<10240x128xf32, #tpu.memory_space<vmem_shared>> -> memref<10240x128xf32, #tpu.memory_space<vmem_shared>>
        tpu.enqueue_indirect_dma source(%arg17 : memref<64x128xf32, #tpu.memory_space<vmem>>) target(%dma_start3A_142 : memref<10240x128xf32, #tpu.memory_space<vmem_shared>>) offsets(%arg13 : memref<64xi32, #tpu.memory_space<vmem>>) semaphore(%run_scoped3A : memref<!tpu.dma_semaphore, #tpu.memory_space<semaphore_mem>>) {add = true}
        %dma_wait3A_143 = arith.constant 0 : i32
        %dma_wait3A_144 = arith.constant 0 : i32
        %dma_wait3A_145 = tpu.memref_slice %arg28[%dma_wait3A_143, %dma_wait3A_144] : memref<10240x128xf32, #tpu.memory_space<vmem_shared>> -> memref<10240x128xf32, #tpu.memory_space<vmem_shared>>
        tpu.wait_indirect_dma semaphore(%run_scoped3A : memref<!tpu.dma_semaphore, #tpu.memory_space<semaphore_mem>>) src(%arg17 : memref<64x128xf32, #tpu.memory_space<vmem>>) dst(%dma_wait3A_145 : memref<10240x128xf32, #tpu.memory_space<vmem_shared>>)
        tpu.yield
      }) : () -> ()
      "tpu.region"() ({
        %run_scoped3A = tpu.sem_alloc : memref<!tpu.dma_semaphore, #tpu.memory_space<semaphore_mem>>
        %dma_start3A_140 = arith.constant 0 : i32
        %dma_start3A_141 = tpu.memref_slice %arg29[%dma_start3A_140] : memref<10240xf32, #tpu.memory_space<vmem_shared>> -> memref<10240xf32, #tpu.memory_space<vmem_shared>>
        tpu.enqueue_indirect_dma source(%arg19 : memref<64xf32, #tpu.memory_space<vmem>>) target(%dma_start3A_141 : memref<10240xf32, #tpu.memory_space<vmem_shared>>) offsets(%arg13 : memref<64xi32, #tpu.memory_space<vmem>>) semaphore(%run_scoped3A : memref<!tpu.dma_semaphore, #tpu.memory_space<semaphore_mem>>) {add = true}
        %dma_wait3A_142 = arith.constant 0 : i32
        %dma_wait3A_143 = tpu.memref_slice %arg29[%dma_wait3A_142] : memref<10240xf32, #tpu.memory_space<vmem_shared>> -> memref<10240xf32, #tpu.memory_space<vmem_shared>>
        tpu.wait_indirect_dma semaphore(%run_scoped3A : memref<!tpu.dma_semaphore, #tpu.memory_space<semaphore_mem>>) src(%arg19 : memref<64xf32, #tpu.memory_space<vmem>>) dst(%dma_wait3A_143 : memref<10240xf32, #tpu.memory_space<vmem_shared>>)
        tpu.yield
      }) : () -> ()
      %mul3A_115 = arith.constant 4 : i32
      %mul3A_116 = arith.muli %mul3A_115, %scan3A_44 : i32
      %add3A_117 = arith.constant 3 : i32
      %add3A_118 = arith.addi %mul3A_116, %add3A_117 : i32
      %add3A_119 = arith.constant 4 : i32
      %add3A_120 = arith.addi %add3A_118, %add3A_119 : i32
      %sub3A_121 = arith.constant 1 : i32
      %sub3A_122 = arith.subi %add3A_120, %sub3A_121 : i32
      %lt3A_123 = arith.constant 160 : i32
      %lt3A_124 = arith.cmpi slt, %sub3A_122, %lt3A_123 : i32
      %convert_element_type3A_125 = arith.extui %lt3A_124 : i1 to i32
      %cond3A_126 = arith.constant 0 : i32
      %cond3A_127 = arith.cmpi ne, %convert_element_type3A_125, %cond3A_126 : i32
      scf.if %cond3A_127 {
        %mul3A_140 = arith.constant 64 : i32
        %mul3A_141 = arith.muli %sub3A_122, %mul3A_140 : i32
        %dma_start3A_142 = tpu.memref_slice %arg10[%mul3A_141] : memref<10240xi32, #tpu.memory_space<vmem>> -> memref<64xi32, #tpu.memory_space<vmem>>
        %dma_start3A_143 = arith.constant 0 : i32
        %dma_start3A_144 = arith.constant 0 : i32
        %dma_start3A_145 = tpu.memref_slice %arg2[%dma_start3A_143, %dma_start3A_144] : memref<10000x128xf32, #tpu.memory_space<hbm>> -> memref<10000x128xf32, #tpu.memory_space<hbm>>
        tpu.enqueue_indirect_dma source(%dma_start3A_145 : memref<10000x128xf32, #tpu.memory_space<hbm>>) target(%arg17 : memref<64x128xf32, #tpu.memory_space<vmem>>) offsets(%dma_start3A_142 : memref<64xi32, #tpu.memory_space<vmem>>) semaphore(%arg22 : memref<!tpu.dma_semaphore, #tpu.memory_space<semaphore_mem>>)
        %dma_start3A_146 = arith.constant 0 : i32
        %dma_start3A_147 = tpu.memref_slice %arg4[%add3A, %sub3A_122, %dma_start3A_146] : memref<32x160x64xi32, #tpu.memory_space<hbm>> -> memref<1x1x64xi32, #tpu.memory_space<hbm>>
        %dma_start3A_148 = tpu.memref_squeeze %dma_start3A_147 : memref<1x1x64xi32, #tpu.memory_space<hbm>> -> memref<64xi32, #tpu.memory_space<hbm>>
        %dma_start3A_149 = arith.constant 0 : i32
        %dma_start3A_150 = tpu.memref_slice %arg4[%add3A, %sub3A_122, %dma_start3A_149] : memref<32x160x64xi32, #tpu.memory_space<hbm>> -> memref<1x1x64xi32, #tpu.memory_space<hbm>>
        %dma_start3A_151 = tpu.memref_squeeze %dma_start3A_150 : memref<1x1x64xi32, #tpu.memory_space<hbm>> -> memref<64xi32, #tpu.memory_space<hbm>>
        tpu.enqueue_dma source(%dma_start3A_151 : memref<64xi32, #tpu.memory_space<hbm>>) target(%arg13 : memref<64xi32, #tpu.memory_space<vmem>>) target_semaphore(%arg26 : memref<!tpu.dma_semaphore, #tpu.memory_space<semaphore_mem>>)
      } else {
      }
      %mul3A_128 = arith.constant 64 : i32
      %mul3A_129 = arith.muli %add3A_118, %mul3A_128 : i32
      %dma_wait3A_130 = tpu.memref_slice %arg10[%mul3A_129] : memref<10240xi32, #tpu.memory_space<vmem>> -> memref<64xi32, #tpu.memory_space<vmem>>
      %dma_wait3A_131 = arith.constant 0 : i32
      %dma_wait3A_132 = arith.constant 0 : i32
      %dma_wait3A_133 = tpu.memref_slice %arg2[%dma_wait3A_131, %dma_wait3A_132] : memref<10000x128xf32, #tpu.memory_space<hbm>> -> memref<10000x128xf32, #tpu.memory_space<hbm>>
      tpu.wait_indirect_dma semaphore(%arg23 : memref<!tpu.dma_semaphore, #tpu.memory_space<semaphore_mem>>) src(%dma_wait3A_133 : memref<10000x128xf32, #tpu.memory_space<hbm>>) dst(%arg18 : memref<64x128xf32, #tpu.memory_space<vmem>>)
      %dma_wait3A_134 = arith.constant 0 : i32
      %dma_wait3A_135 = tpu.memref_slice %arg4[%add3A, %add3A_118, %dma_wait3A_134] : memref<32x160x64xi32, #tpu.memory_space<hbm>> -> memref<1x1x64xi32, #tpu.memory_space<hbm>>
      %dma_wait3A_136 = tpu.memref_squeeze %dma_wait3A_135 : memref<1x1x64xi32, #tpu.memory_space<hbm>> -> memref<64xi32, #tpu.memory_space<hbm>>
      %dma_wait3A_137 = arith.constant 0 : i32
      %dma_wait3A_138 = tpu.memref_slice %arg4[%add3A, %add3A_118, %dma_wait3A_137] : memref<32x160x64xi32, #tpu.memory_space<hbm>> -> memref<1x1x64xi32, #tpu.memory_space<hbm>>
      %dma_wait3A_139 = tpu.memref_squeeze %dma_wait3A_138 : memref<1x1x64xi32, #tpu.memory_space<hbm>> -> memref<64xi32, #tpu.memory_space<hbm>>
      tpu.wait_dma2 semaphore(%arg27 : memref<!tpu.dma_semaphore, #tpu.memory_space<semaphore_mem>>) src(%dma_wait3A_139 : memref<64xi32, #tpu.memory_space<hbm>>) dst(%arg14 : memref<64xi32, #tpu.memory_space<vmem>>)
      "tpu.region"() ({
        %run_scoped3A = tpu.sem_alloc : memref<!tpu.dma_semaphore, #tpu.memory_space<semaphore_mem>>
        %dma_start3A_140 = arith.constant 0 : i32
        %dma_start3A_141 = arith.constant 0 : i32
        %dma_start3A_142 = tpu.memref_slice %arg28[%dma_start3A_140, %dma_start3A_141] : memref<10240x128xf32, #tpu.memory_space<vmem_shared>> -> memref<10240x128xf32, #tpu.memory_space<vmem_shared>>
        tpu.enqueue_indirect_dma source(%arg18 : memref<64x128xf32, #tpu.memory_space<vmem>>) target(%dma_start3A_142 : memref<10240x128xf32, #tpu.memory_space<vmem_shared>>) offsets(%arg14 : memref<64xi32, #tpu.memory_space<vmem>>) semaphore(%run_scoped3A : memref<!tpu.dma_semaphore, #tpu.memory_space<semaphore_mem>>) {add = true}
        %dma_wait3A_143 = arith.constant 0 : i32
        %dma_wait3A_144 = arith.constant 0 : i32
        %dma_wait3A_145 = tpu.memref_slice %arg28[%dma_wait3A_143, %dma_wait3A_144] : memref<10240x128xf32, #tpu.memory_space<vmem_shared>> -> memref<10240x128xf32, #tpu.memory_space<vmem_shared>>
        tpu.wait_indirect_dma semaphore(%run_scoped3A : memref<!tpu.dma_semaphore, #tpu.memory_space<semaphore_mem>>) src(%arg18 : memref<64x128xf32, #tpu.memory_space<vmem>>) dst(%dma_wait3A_145 : memref<10240x128xf32, #tpu.memory_space<vmem_shared>>)
        tpu.yield
      }) : () -> ()
      "tpu.region"() ({
        %run_scoped3A = tpu.sem_alloc : memref<!tpu.dma_semaphore, #tpu.memory_space<semaphore_mem>>
        %dma_start3A_140 = arith.constant 0 : i32
        %dma_start3A_141 = tpu.memref_slice %arg29[%dma_start3A_140] : memref<10240xf32, #tpu.memory_space<vmem_shared>> -> memref<10240xf32, #tpu.memory_space<vmem_shared>>
        tpu.enqueue_indirect_dma source(%arg19 : memref<64xf32, #tpu.memory_space<vmem>>) target(%dma_start3A_141 : memref<10240xf32, #tpu.memory_space<vmem_shared>>) offsets(%arg14 : memref<64xi32, #tpu.memory_space<vmem>>) semaphore(%run_scoped3A : memref<!tpu.dma_semaphore, #tpu.memory_space<semaphore_mem>>) {add = true}
        %dma_wait3A_142 = arith.constant 0 : i32
        %dma_wait3A_143 = tpu.memref_slice %arg29[%dma_wait3A_142] : memref<10240xf32, #tpu.memory_space<vmem_shared>> -> memref<10240xf32, #tpu.memory_space<vmem_shared>>
        tpu.wait_indirect_dma semaphore(%run_scoped3A : memref<!tpu.dma_semaphore, #tpu.memory_space<semaphore_mem>>) src(%arg19 : memref<64xf32, #tpu.memory_space<vmem>>) dst(%dma_wait3A_143 : memref<10240xf32, #tpu.memory_space<vmem_shared>>)
        tpu.yield
      }) : () -> ()
    }
    %scan3A_42 = arith.constant 40 : i32
    %barrier3A_43 = arith.constant 0 : index
    tpu.barrier barrier_id(%barrier3A_43)
    "tpu.region"() ({
      %run_scoped3A = tpu.sem_alloc : memref<!tpu.dma_semaphore, #tpu.memory_space<semaphore_mem>>
      %dma_start3A_44 = arith.constant 0 : i32
      %dma_start3A_45 = tpu.memref_slice %arg8[%arg0, %mul3A_2, %dma_start3A_44] : memref<2x10240x128xf32, #tpu.memory_space<hbm>> -> memref<1x640x128xf32, #tpu.memory_space<hbm>>
      %dma_start3A_46 = tpu.memref_squeeze %dma_start3A_45 : memref<1x640x128xf32, #tpu.memory_space<hbm>> -> memref<640x128xf32, #tpu.memory_space<hbm>>
      %dma_start3A_47 = arith.constant 0 : i32
      %dma_start3A_48 = tpu.memref_slice %arg28[%mul3A_2, %dma_start3A_47] : memref<10240x128xf32, #tpu.memory_space<vmem_shared>> -> memref<640x128xf32, #tpu.memory_space<vmem_shared>>
      tpu.enqueue_dma source(%dma_start3A_48 : memref<640x128xf32, #tpu.memory_space<vmem_shared>>) target(%dma_start3A_46 : memref<640x128xf32, #tpu.memory_space<hbm>>) target_semaphore(%run_scoped3A : memref<!tpu.dma_semaphore, #tpu.memory_space<semaphore_mem>>)
      %dma_wait3A = arith.constant 0 : i32
      %dma_wait3A_49 = tpu.memref_slice %arg8[%arg0, %mul3A_2, %dma_wait3A] : memref<2x10240x128xf32, #tpu.memory_space<hbm>> -> memref<1x640x128xf32, #tpu.memory_space<hbm>>
      %dma_wait3A_50 = tpu.memref_squeeze %dma_wait3A_49 : memref<1x640x128xf32, #tpu.memory_space<hbm>> -> memref<640x128xf32, #tpu.memory_space<hbm>>
      %dma_wait3A_51 = arith.constant 0 : i32
      %dma_wait3A_52 = tpu.memref_slice %arg28[%mul3A_2, %dma_wait3A_51] : memref<10240x128xf32, #tpu.memory_space<vmem_shared>> -> memref<640x128xf32, #tpu.memory_space<vmem_shared>>
      tpu.wait_dma2 semaphore(%run_scoped3A : memref<!tpu.dma_semaphore, #tpu.memory_space<semaphore_mem>>) src(%dma_wait3A_52 : memref<640x128xf32, #tpu.memory_space<vmem_shared>>) dst(%dma_wait3A_50 : memref<640x128xf32, #tpu.memory_space<hbm>>)
      tpu.yield
    }) : () -> ()
    "tpu.region"() ({
      %run_scoped3A = tpu.sem_alloc : memref<!tpu.dma_semaphore, #tpu.memory_space<semaphore_mem>>
      %dma_start3A_44 = tpu.memref_slice %arg9[%arg0, %mul3A_2] : memref<2x10240xf32, #tpu.memory_space<hbm>> -> memref<1x640xf32, #tpu.memory_space<hbm>>
      %dma_start3A_45 = tpu.memref_squeeze %dma_start3A_44 : memref<1x640xf32, #tpu.memory_space<hbm>> -> memref<640xf32, #tpu.memory_space<hbm>>
      %dma_start3A_46 = tpu.memref_slice %arg29[%mul3A_2] : memref<10240xf32, #tpu.memory_space<vmem_shared>> -> memref<640xf32, #tpu.memory_space<vmem_shared>>
      tpu.enqueue_dma source(%dma_start3A_46 : memref<640xf32, #tpu.memory_space<vmem_shared>>) target(%dma_start3A_45 : memref<640xf32, #tpu.memory_space<hbm>>) target_semaphore(%run_scoped3A : memref<!tpu.dma_semaphore, #tpu.memory_space<semaphore_mem>>)
      %dma_wait3A = tpu.memref_slice %arg9[%arg0, %mul3A_2] : memref<2x10240xf32, #tpu.memory_space<hbm>> -> memref<1x640xf32, #tpu.memory_space<hbm>>
      %dma_wait3A_47 = tpu.memref_squeeze %dma_wait3A : memref<1x640xf32, #tpu.memory_space<hbm>> -> memref<640xf32, #tpu.memory_space<hbm>>
      %dma_wait3A_48 = tpu.memref_slice %arg29[%mul3A_2] : memref<10240xf32, #tpu.memory_space<vmem_shared>> -> memref<640xf32, #tpu.memory_space<vmem_shared>>
      tpu.wait_dma2 semaphore(%run_scoped3A : memref<!tpu.dma_semaphore, #tpu.memory_space<semaphore_mem>>) src(%dma_wait3A_48 : memref<640xf32, #tpu.memory_space<vmem_shared>>) dst(%dma_wait3A_47 : memref<640xf32, #tpu.memory_space<hbm>>)
      tpu.yield
    }) : () -> ()
    return
  }
}

#map = affine_map<(d0, d1) -> (0, 0)>
#map1 = affine_map<(d0, d1) -> (0, 0, 0)>
module attributes {stable_mosaic.version = 14 : i64} {
  func.func @_sc_agg_body(%arg0: i32, %arg1: i32, %arg2: memref<10000x128xf32, #tpu.memory_space<hbm>>, %arg3: memref<32x10240xi32, #tpu.memory_space<hbm>>, %arg4: memref<32x160x64xi32, #tpu.memory_space<hbm>>, %arg5: memref<640x128xf32, #tpu.memory_space<hbm>>, %arg6: memref<2x10240x128xf32, #tpu.memory_space<hbm>>, %arg7: memref<10240xi32, #tpu.memory_space<vmem>>, %arg8: memref<64xi32, #tpu.memory_space<vmem>>, %arg9: memref<64xi32, #tpu.memory_space<vmem>>, %arg10: memref<64xi32, #tpu.memory_space<vmem>>, %arg11: memref<64xi32, #tpu.memory_space<vmem>>, %arg12: memref<64x128xf32, #tpu.memory_space<vmem>>, %arg13: memref<64x128xf32, #tpu.memory_space<vmem>>, %arg14: memref<64x128xf32, #tpu.memory_space<vmem>>, %arg15: memref<64x128xf32, #tpu.memory_space<vmem>>, %arg16: memref<!tpu.dma_semaphore, #tpu.memory_space<semaphore_mem>>, %arg17: memref<!tpu.dma_semaphore, #tpu.memory_space<semaphore_mem>>, %arg18: memref<!tpu.dma_semaphore, #tpu.memory_space<semaphore_mem>>, %arg19: memref<!tpu.dma_semaphore, #tpu.memory_space<semaphore_mem>>, %arg20: memref<!tpu.dma_semaphore, #tpu.memory_space<semaphore_mem>>, %arg21: memref<!tpu.dma_semaphore, #tpu.memory_space<semaphore_mem>>, %arg22: memref<!tpu.dma_semaphore, #tpu.memory_space<semaphore_mem>>, %arg23: memref<!tpu.dma_semaphore, #tpu.memory_space<semaphore_mem>>, %arg24: memref<10240x128xf32, #tpu.memory_space<vmem_shared>>) attributes {dimension_semantics = [#tpu.dimension_semantics<core_parallel>, #tpu.dimension_semantics<subcore_parallel>], iteration_bounds = array<i64: 2, 16>, scalar_prefetch = 0 : i64, scratch_operands = 18 : i64, tpu.core_type = #tpu.core_type<sc_vector_subcore>, window_params = [{transform_indices = #map}, {transform_indices = #map}, {transform_indices = #map1}, {transform_indices = #map}, {transform_indices = #map1}]} {
    %mul3A = arith.constant 16 : i32
    %mul3A_0 = arith.muli %arg0, %mul3A : i32
    %add3A = arith.addi %mul3A_0, %arg1 : i32
    %mul3A_1 = arith.constant 640 : i32
    %mul3A_2 = arith.muli %arg1, %mul3A_1 : i32
    "tpu.region"() ({
      %run_scoped3A = tpu.sem_alloc : memref<!tpu.dma_semaphore, #tpu.memory_space<semaphore_mem>>
      %dma_start3A_44 = arith.constant 0 : i32
      %dma_start3A_45 = tpu.memref_slice %arg3[%add3A, %dma_start3A_44] : memref<32x10240xi32, #tpu.memory_space<hbm>> -> memref<1x10240xi32, #tpu.memory_space<hbm>>
      %dma_start3A_46 = tpu.memref_squeeze %dma_start3A_45 : memref<1x10240xi32, #tpu.memory_space<hbm>> -> memref<10240xi32, #tpu.memory_space<hbm>>
      %dma_start3A_47 = arith.constant 0 : i32
      %dma_start3A_48 = tpu.memref_slice %arg3[%add3A, %dma_start3A_47] : memref<32x10240xi32, #tpu.memory_space<hbm>> -> memref<1x10240xi32, #tpu.memory_space<hbm>>
      %dma_start3A_49 = tpu.memref_squeeze %dma_start3A_48 : memref<1x10240xi32, #tpu.memory_space<hbm>> -> memref<10240xi32, #tpu.memory_space<hbm>>
      tpu.enqueue_dma source(%dma_start3A_49 : memref<10240xi32, #tpu.memory_space<hbm>>) target(%arg7 : memref<10240xi32, #tpu.memory_space<vmem>>) target_semaphore(%run_scoped3A : memref<!tpu.dma_semaphore, #tpu.memory_space<semaphore_mem>>)
      %dma_wait3A = arith.constant 0 : i32
      %dma_wait3A_50 = tpu.memref_slice %arg3[%add3A, %dma_wait3A] : memref<32x10240xi32, #tpu.memory_space<hbm>> -> memref<1x10240xi32, #tpu.memory_space<hbm>>
      %dma_wait3A_51 = tpu.memref_squeeze %dma_wait3A_50 : memref<1x10240xi32, #tpu.memory_space<hbm>> -> memref<10240xi32, #tpu.memory_space<hbm>>
      %dma_wait3A_52 = arith.constant 0 : i32
      %dma_wait3A_53 = tpu.memref_slice %arg3[%add3A, %dma_wait3A_52] : memref<32x10240xi32, #tpu.memory_space<hbm>> -> memref<1x10240xi32, #tpu.memory_space<hbm>>
      %dma_wait3A_54 = tpu.memref_squeeze %dma_wait3A_53 : memref<1x10240xi32, #tpu.memory_space<hbm>> -> memref<10240xi32, #tpu.memory_space<hbm>>
      tpu.wait_dma2 semaphore(%run_scoped3A : memref<!tpu.dma_semaphore, #tpu.memory_space<semaphore_mem>>) src(%dma_wait3A_54 : memref<10240xi32, #tpu.memory_space<hbm>>) dst(%arg7 : memref<10240xi32, #tpu.memory_space<vmem>>)
      tpu.yield
    }) : () -> ()
    %dma_start3A = arith.constant 0 : i32
    %dma_start3A_3 = tpu.memref_slice %arg7[%dma_start3A] : memref<10240xi32, #tpu.memory_space<vmem>> -> memref<64xi32, #tpu.memory_space<vmem>>
    %dma_start3A_4 = arith.constant 0 : i32
    %dma_start3A_5 = arith.constant 0 : i32
    %dma_start3A_6 = tpu.memref_slice %arg2[%dma_start3A_4, %dma_start3A_5] : memref<10000x128xf32, #tpu.memory_space<hbm>> -> memref<10000x128xf32, #tpu.memory_space<hbm>>
    tpu.enqueue_indirect_dma source(%dma_start3A_6 : memref<10000x128xf32, #tpu.memory_space<hbm>>) target(%arg12 : memref<64x128xf32, #tpu.memory_space<vmem>>) offsets(%dma_start3A_3 : memref<64xi32, #tpu.memory_space<vmem>>) semaphore(%arg16 : memref<!tpu.dma_semaphore, #tpu.memory_space<semaphore_mem>>)
    %dma_start3A_7 = arith.constant 0 : i32
    %dma_start3A_8 = arith.constant 0 : i32
    %dma_start3A_9 = tpu.memref_slice %arg4[%add3A, %dma_start3A_7, %dma_start3A_8] : memref<32x160x64xi32, #tpu.memory_space<hbm>> -> memref<1x1x64xi32, #tpu.memory_space<hbm>>
    %dma_start3A_10 = tpu.memref_squeeze %dma_start3A_9 : memref<1x1x64xi32, #tpu.memory_space<hbm>> -> memref<64xi32, #tpu.memory_space<hbm>>
    %dma_start3A_11 = arith.constant 0 : i32
    %dma_start3A_12 = tpu.memref_slice %arg4[%add3A, %dma_start3A_7, %dma_start3A_11] : memref<32x160x64xi32, #tpu.memory_space<hbm>> -> memref<1x1x64xi32, #tpu.memory_space<hbm>>
    %dma_start3A_13 = tpu.memref_squeeze %dma_start3A_12 : memref<1x1x64xi32, #tpu.memory_space<hbm>> -> memref<64xi32, #tpu.memory_space<hbm>>
    tpu.enqueue_dma source(%dma_start3A_13 : memref<64xi32, #tpu.memory_space<hbm>>) target(%arg8 : memref<64xi32, #tpu.memory_space<vmem>>) target_semaphore(%arg20 : memref<!tpu.dma_semaphore, #tpu.memory_space<semaphore_mem>>)
    %dma_start3A_14 = arith.constant 64 : i32
    %dma_start3A_15 = tpu.memref_slice %arg7[%dma_start3A_14] : memref<10240xi32, #tpu.memory_space<vmem>> -> memref<64xi32, #tpu.memory_space<vmem>>
    %dma_start3A_16 = arith.constant 0 : i32
    %dma_start3A_17 = arith.constant 0 : i32
    %dma_start3A_18 = tpu.memref_slice %arg2[%dma_start3A_16, %dma_start3A_17] : memref<10000x128xf32, #tpu.memory_space<hbm>> -> memref<10000x128xf32, #tpu.memory_space<hbm>>
    tpu.enqueue_indirect_dma source(%dma_start3A_18 : memref<10000x128xf32, #tpu.memory_space<hbm>>) target(%arg13 : memref<64x128xf32, #tpu.memory_space<vmem>>) offsets(%dma_start3A_15 : memref<64xi32, #tpu.memory_space<vmem>>) semaphore(%arg17 : memref<!tpu.dma_semaphore, #tpu.memory_space<semaphore_mem>>)
    %dma_start3A_19 = arith.constant 1 : i32
    %dma_start3A_20 = arith.constant 0 : i32
    %dma_start3A_21 = tpu.memref_slice %arg4[%add3A, %dma_start3A_19, %dma_start3A_20] : memref<32x160x64xi32, #tpu.memory_space<hbm>> -> memref<1x1x64xi32, #tpu.memory_space<hbm>>
    %dma_start3A_22 = tpu.memref_squeeze %dma_start3A_21 : memref<1x1x64xi32, #tpu.memory_space<hbm>> -> memref<64xi32, #tpu.memory_space<hbm>>
    %dma_start3A_23 = arith.constant 0 : i32
    %dma_start3A_24 = tpu.memref_slice %arg4[%add3A, %dma_start3A_19, %dma_start3A_23] : memref<32x160x64xi32, #tpu.memory_space<hbm>> -> memref<1x1x64xi32, #tpu.memory_space<hbm>>
    %dma_start3A_25 = tpu.memref_squeeze %dma_start3A_24 : memref<1x1x64xi32, #tpu.memory_space<hbm>> -> memref<64xi32, #tpu.memory_space<hbm>>
    tpu.enqueue_dma source(%dma_start3A_25 : memref<64xi32, #tpu.memory_space<hbm>>) target(%arg9 : memref<64xi32, #tpu.memory_space<vmem>>) target_semaphore(%arg21 : memref<!tpu.dma_semaphore, #tpu.memory_space<semaphore_mem>>)
    %dma_start3A_26 = arith.constant 128 : i32
    %dma_start3A_27 = tpu.memref_slice %arg7[%dma_start3A_26] : memref<10240xi32, #tpu.memory_space<vmem>> -> memref<64xi32, #tpu.memory_space<vmem>>
    %dma_start3A_28 = arith.constant 0 : i32
    %dma_start3A_29 = arith.constant 0 : i32
    %dma_start3A_30 = tpu.memref_slice %arg2[%dma_start3A_28, %dma_start3A_29] : memref<10000x128xf32, #tpu.memory_space<hbm>> -> memref<10000x128xf32, #tpu.memory_space<hbm>>
    tpu.enqueue_indirect_dma source(%dma_start3A_30 : memref<10000x128xf32, #tpu.memory_space<hbm>>) target(%arg14 : memref<64x128xf32, #tpu.memory_space<vmem>>) offsets(%dma_start3A_27 : memref<64xi32, #tpu.memory_space<vmem>>) semaphore(%arg18 : memref<!tpu.dma_semaphore, #tpu.memory_space<semaphore_mem>>)
    %dma_start3A_31 = arith.constant 2 : i32
    %dma_start3A_32 = arith.constant 0 : i32
    %dma_start3A_33 = tpu.memref_slice %arg4[%add3A, %dma_start3A_31, %dma_start3A_32] : memref<32x160x64xi32, #tpu.memory_space<hbm>> -> memref<1x1x64xi32, #tpu.memory_space<hbm>>
    %dma_start3A_34 = tpu.memref_squeeze %dma_start3A_33 : memref<1x1x64xi32, #tpu.memory_space<hbm>> -> memref<64xi32, #tpu.memory_space<hbm>>
    %dma_start3A_35 = arith.constant 0 : i32
    %dma_start3A_36 = tpu.memref_slice %arg4[%add3A, %dma_start3A_31, %dma_start3A_35] : memref<32x160x64xi32, #tpu.memory_space<hbm>> -> memref<1x1x64xi32, #tpu.memory_space<hbm>>
    %dma_start3A_37 = tpu.memref_squeeze %dma_start3A_36 : memref<1x1x64xi32, #tpu.memory_space<hbm>> -> memref<64xi32, #tpu.memory_space<hbm>>
    tpu.enqueue_dma source(%dma_start3A_37 : memref<64xi32, #tpu.memory_space<hbm>>) target(%arg10 : memref<64xi32, #tpu.memory_space<vmem>>) target_semaphore(%arg22 : memref<!tpu.dma_semaphore, #tpu.memory_space<semaphore_mem>>)
    "tpu.region"() ({
      %run_scoped3A = tpu.sem_alloc : memref<!tpu.dma_semaphore, #tpu.memory_space<semaphore_mem>>
      %dma_start3A_44 = arith.constant 0 : i32
      %dma_start3A_45 = tpu.memref_slice %arg24[%mul3A_2, %dma_start3A_44] : memref<10240x128xf32, #tpu.memory_space<vmem_shared>> -> memref<640x128xf32, #tpu.memory_space<vmem_shared>>
      tpu.enqueue_dma source(%arg5 : memref<640x128xf32, #tpu.memory_space<hbm>>) target(%dma_start3A_45 : memref<640x128xf32, #tpu.memory_space<vmem_shared>>) target_semaphore(%run_scoped3A : memref<!tpu.dma_semaphore, #tpu.memory_space<semaphore_mem>>)
      %dma_wait3A = arith.constant 0 : i32
      %dma_wait3A_46 = tpu.memref_slice %arg24[%mul3A_2, %dma_wait3A] : memref<10240x128xf32, #tpu.memory_space<vmem_shared>> -> memref<640x128xf32, #tpu.memory_space<vmem_shared>>
      tpu.wait_dma2 semaphore(%run_scoped3A : memref<!tpu.dma_semaphore, #tpu.memory_space<semaphore_mem>>) src(%arg5 : memref<640x128xf32, #tpu.memory_space<hbm>>) dst(%dma_wait3A_46 : memref<640x128xf32, #tpu.memory_space<vmem_shared>>)
      tpu.yield
    }) : () -> ()
    %barrier3A = arith.constant 0 : index
    tpu.barrier barrier_id(%barrier3A)
    %scan3A = arith.constant 0 : i32
    %scan3A_38 = arith.constant 0 : i32
    %scan3A_39 = arith.constant 40 : i32
    %scan3A_40 = arith.addi %scan3A_38, %scan3A_39 : i32
    %scan3A_41 = arith.constant 1 : i32
    scf.for %scan3A_44 = %scan3A_38 to %scan3A_40 step %scan3A_41  : i32 {
      %mul3A_45 = arith.constant 4 : i32
      %mul3A_46 = arith.muli %mul3A_45, %scan3A_44 : i32
      %add3A_47 = arith.constant 0 : i32
      %add3A_48 = arith.addi %mul3A_46, %add3A_47 : i32
      %add3A_49 = arith.constant 4 : i32
      %add3A_50 = arith.addi %add3A_48, %add3A_49 : i32
      %sub3A = arith.constant 1 : i32
      %sub3A_51 = arith.subi %add3A_50, %sub3A : i32
      %lt3A = arith.constant 160 : i32
      %lt3A_52 = arith.cmpi slt, %sub3A_51, %lt3A : i32
      %convert_element_type3A = arith.extui %lt3A_52 : i1 to i32
      %cond3A = arith.constant 0 : i32
      %cond3A_53 = arith.cmpi ne, %convert_element_type3A, %cond3A : i32
      scf.if %cond3A_53 {
        %mul3A_140 = arith.constant 64 : i32
        %mul3A_141 = arith.muli %sub3A_51, %mul3A_140 : i32
        %dma_start3A_142 = tpu.memref_slice %arg7[%mul3A_141] : memref<10240xi32, #tpu.memory_space<vmem>> -> memref<64xi32, #tpu.memory_space<vmem>>
        %dma_start3A_143 = arith.constant 0 : i32
        %dma_start3A_144 = arith.constant 0 : i32
        %dma_start3A_145 = tpu.memref_slice %arg2[%dma_start3A_143, %dma_start3A_144] : memref<10000x128xf32, #tpu.memory_space<hbm>> -> memref<10000x128xf32, #tpu.memory_space<hbm>>
        tpu.enqueue_indirect_dma source(%dma_start3A_145 : memref<10000x128xf32, #tpu.memory_space<hbm>>) target(%arg15 : memref<64x128xf32, #tpu.memory_space<vmem>>) offsets(%dma_start3A_142 : memref<64xi32, #tpu.memory_space<vmem>>) semaphore(%arg19 : memref<!tpu.dma_semaphore, #tpu.memory_space<semaphore_mem>>)
        %dma_start3A_146 = arith.constant 0 : i32
        %dma_start3A_147 = tpu.memref_slice %arg4[%add3A, %sub3A_51, %dma_start3A_146] : memref<32x160x64xi32, #tpu.memory_space<hbm>> -> memref<1x1x64xi32, #tpu.memory_space<hbm>>
        %dma_start3A_148 = tpu.memref_squeeze %dma_start3A_147 : memref<1x1x64xi32, #tpu.memory_space<hbm>> -> memref<64xi32, #tpu.memory_space<hbm>>
        %dma_start3A_149 = arith.constant 0 : i32
        %dma_start3A_150 = tpu.memref_slice %arg4[%add3A, %sub3A_51, %dma_start3A_149] : memref<32x160x64xi32, #tpu.memory_space<hbm>> -> memref<1x1x64xi32, #tpu.memory_space<hbm>>
        %dma_start3A_151 = tpu.memref_squeeze %dma_start3A_150 : memref<1x1x64xi32, #tpu.memory_space<hbm>> -> memref<64xi32, #tpu.memory_space<hbm>>
        tpu.enqueue_dma source(%dma_start3A_151 : memref<64xi32, #tpu.memory_space<hbm>>) target(%arg11 : memref<64xi32, #tpu.memory_space<vmem>>) target_semaphore(%arg23 : memref<!tpu.dma_semaphore, #tpu.memory_space<semaphore_mem>>)
      } else {
      }
      %mul3A_54 = arith.constant 64 : i32
      %mul3A_55 = arith.muli %add3A_48, %mul3A_54 : i32
      %dma_wait3A = tpu.memref_slice %arg7[%mul3A_55] : memref<10240xi32, #tpu.memory_space<vmem>> -> memref<64xi32, #tpu.memory_space<vmem>>
      %dma_wait3A_56 = arith.constant 0 : i32
      %dma_wait3A_57 = arith.constant 0 : i32
      %dma_wait3A_58 = tpu.memref_slice %arg2[%dma_wait3A_56, %dma_wait3A_57] : memref<10000x128xf32, #tpu.memory_space<hbm>> -> memref<10000x128xf32, #tpu.memory_space<hbm>>
      tpu.wait_indirect_dma semaphore(%arg16 : memref<!tpu.dma_semaphore, #tpu.memory_space<semaphore_mem>>) src(%dma_wait3A_58 : memref<10000x128xf32, #tpu.memory_space<hbm>>) dst(%arg12 : memref<64x128xf32, #tpu.memory_space<vmem>>)
      %dma_wait3A_59 = arith.constant 0 : i32
      %dma_wait3A_60 = tpu.memref_slice %arg4[%add3A, %add3A_48, %dma_wait3A_59] : memref<32x160x64xi32, #tpu.memory_space<hbm>> -> memref<1x1x64xi32, #tpu.memory_space<hbm>>
      %dma_wait3A_61 = tpu.memref_squeeze %dma_wait3A_60 : memref<1x1x64xi32, #tpu.memory_space<hbm>> -> memref<64xi32, #tpu.memory_space<hbm>>
      %dma_wait3A_62 = arith.constant 0 : i32
      %dma_wait3A_63 = tpu.memref_slice %arg4[%add3A, %add3A_48, %dma_wait3A_62] : memref<32x160x64xi32, #tpu.memory_space<hbm>> -> memref<1x1x64xi32, #tpu.memory_space<hbm>>
      %dma_wait3A_64 = tpu.memref_squeeze %dma_wait3A_63 : memref<1x1x64xi32, #tpu.memory_space<hbm>> -> memref<64xi32, #tpu.memory_space<hbm>>
      tpu.wait_dma2 semaphore(%arg20 : memref<!tpu.dma_semaphore, #tpu.memory_space<semaphore_mem>>) src(%dma_wait3A_64 : memref<64xi32, #tpu.memory_space<hbm>>) dst(%arg8 : memref<64xi32, #tpu.memory_space<vmem>>)
      "tpu.region"() ({
        %run_scoped3A = tpu.sem_alloc : memref<!tpu.dma_semaphore, #tpu.memory_space<semaphore_mem>>
        %dma_start3A_140 = arith.constant 0 : i32
        %dma_start3A_141 = arith.constant 0 : i32
        %dma_start3A_142 = tpu.memref_slice %arg24[%dma_start3A_140, %dma_start3A_141] : memref<10240x128xf32, #tpu.memory_space<vmem_shared>> -> memref<10240x128xf32, #tpu.memory_space<vmem_shared>>
        tpu.enqueue_indirect_dma source(%arg12 : memref<64x128xf32, #tpu.memory_space<vmem>>) target(%dma_start3A_142 : memref<10240x128xf32, #tpu.memory_space<vmem_shared>>) offsets(%arg8 : memref<64xi32, #tpu.memory_space<vmem>>) semaphore(%run_scoped3A : memref<!tpu.dma_semaphore, #tpu.memory_space<semaphore_mem>>) {add = true}
        %dma_wait3A_143 = arith.constant 0 : i32
        %dma_wait3A_144 = arith.constant 0 : i32
        %dma_wait3A_145 = tpu.memref_slice %arg24[%dma_wait3A_143, %dma_wait3A_144] : memref<10240x128xf32, #tpu.memory_space<vmem_shared>> -> memref<10240x128xf32, #tpu.memory_space<vmem_shared>>
        tpu.wait_indirect_dma semaphore(%run_scoped3A : memref<!tpu.dma_semaphore, #tpu.memory_space<semaphore_mem>>) src(%arg12 : memref<64x128xf32, #tpu.memory_space<vmem>>) dst(%dma_wait3A_145 : memref<10240x128xf32, #tpu.memory_space<vmem_shared>>)
        tpu.yield
      }) : () -> ()
      %mul3A_65 = arith.constant 4 : i32
      %mul3A_66 = arith.muli %mul3A_65, %scan3A_44 : i32
      %add3A_67 = arith.constant 1 : i32
      %add3A_68 = arith.addi %mul3A_66, %add3A_67 : i32
      %add3A_69 = arith.constant 4 : i32
      %add3A_70 = arith.addi %add3A_68, %add3A_69 : i32
      %sub3A_71 = arith.constant 1 : i32
      %sub3A_72 = arith.subi %add3A_70, %sub3A_71 : i32
      %lt3A_73 = arith.constant 160 : i32
      %lt3A_74 = arith.cmpi slt, %sub3A_72, %lt3A_73 : i32
      %convert_element_type3A_75 = arith.extui %lt3A_74 : i1 to i32
      %cond3A_76 = arith.constant 0 : i32
      %cond3A_77 = arith.cmpi ne, %convert_element_type3A_75, %cond3A_76 : i32
      scf.if %cond3A_77 {
        %mul3A_140 = arith.constant 64 : i32
        %mul3A_141 = arith.muli %sub3A_72, %mul3A_140 : i32
        %dma_start3A_142 = tpu.memref_slice %arg7[%mul3A_141] : memref<10240xi32, #tpu.memory_space<vmem>> -> memref<64xi32, #tpu.memory_space<vmem>>
        %dma_start3A_143 = arith.constant 0 : i32
        %dma_start3A_144 = arith.constant 0 : i32
        %dma_start3A_145 = tpu.memref_slice %arg2[%dma_start3A_143, %dma_start3A_144] : memref<10000x128xf32, #tpu.memory_space<hbm>> -> memref<10000x128xf32, #tpu.memory_space<hbm>>
        tpu.enqueue_indirect_dma source(%dma_start3A_145 : memref<10000x128xf32, #tpu.memory_space<hbm>>) target(%arg12 : memref<64x128xf32, #tpu.memory_space<vmem>>) offsets(%dma_start3A_142 : memref<64xi32, #tpu.memory_space<vmem>>) semaphore(%arg16 : memref<!tpu.dma_semaphore, #tpu.memory_space<semaphore_mem>>)
        %dma_start3A_146 = arith.constant 0 : i32
        %dma_start3A_147 = tpu.memref_slice %arg4[%add3A, %sub3A_72, %dma_start3A_146] : memref<32x160x64xi32, #tpu.memory_space<hbm>> -> memref<1x1x64xi32, #tpu.memory_space<hbm>>
        %dma_start3A_148 = tpu.memref_squeeze %dma_start3A_147 : memref<1x1x64xi32, #tpu.memory_space<hbm>> -> memref<64xi32, #tpu.memory_space<hbm>>
        %dma_start3A_149 = arith.constant 0 : i32
        %dma_start3A_150 = tpu.memref_slice %arg4[%add3A, %sub3A_72, %dma_start3A_149] : memref<32x160x64xi32, #tpu.memory_space<hbm>> -> memref<1x1x64xi32, #tpu.memory_space<hbm>>
        %dma_start3A_151 = tpu.memref_squeeze %dma_start3A_150 : memref<1x1x64xi32, #tpu.memory_space<hbm>> -> memref<64xi32, #tpu.memory_space<hbm>>
        tpu.enqueue_dma source(%dma_start3A_151 : memref<64xi32, #tpu.memory_space<hbm>>) target(%arg8 : memref<64xi32, #tpu.memory_space<vmem>>) target_semaphore(%arg20 : memref<!tpu.dma_semaphore, #tpu.memory_space<semaphore_mem>>)
      } else {
      }
      %mul3A_78 = arith.constant 64 : i32
      %mul3A_79 = arith.muli %add3A_68, %mul3A_78 : i32
      %dma_wait3A_80 = tpu.memref_slice %arg7[%mul3A_79] : memref<10240xi32, #tpu.memory_space<vmem>> -> memref<64xi32, #tpu.memory_space<vmem>>
      %dma_wait3A_81 = arith.constant 0 : i32
      %dma_wait3A_82 = arith.constant 0 : i32
      %dma_wait3A_83 = tpu.memref_slice %arg2[%dma_wait3A_81, %dma_wait3A_82] : memref<10000x128xf32, #tpu.memory_space<hbm>> -> memref<10000x128xf32, #tpu.memory_space<hbm>>
      tpu.wait_indirect_dma semaphore(%arg17 : memref<!tpu.dma_semaphore, #tpu.memory_space<semaphore_mem>>) src(%dma_wait3A_83 : memref<10000x128xf32, #tpu.memory_space<hbm>>) dst(%arg13 : memref<64x128xf32, #tpu.memory_space<vmem>>)
      %dma_wait3A_84 = arith.constant 0 : i32
      %dma_wait3A_85 = tpu.memref_slice %arg4[%add3A, %add3A_68, %dma_wait3A_84] : memref<32x160x64xi32, #tpu.memory_space<hbm>> -> memref<1x1x64xi32, #tpu.memory_space<hbm>>
      %dma_wait3A_86 = tpu.memref_squeeze %dma_wait3A_85 : memref<1x1x64xi32, #tpu.memory_space<hbm>> -> memref<64xi32, #tpu.memory_space<hbm>>
      %dma_wait3A_87 = arith.constant 0 : i32
      %dma_wait3A_88 = tpu.memref_slice %arg4[%add3A, %add3A_68, %dma_wait3A_87] : memref<32x160x64xi32, #tpu.memory_space<hbm>> -> memref<1x1x64xi32, #tpu.memory_space<hbm>>
      %dma_wait3A_89 = tpu.memref_squeeze %dma_wait3A_88 : memref<1x1x64xi32, #tpu.memory_space<hbm>> -> memref<64xi32, #tpu.memory_space<hbm>>
      tpu.wait_dma2 semaphore(%arg21 : memref<!tpu.dma_semaphore, #tpu.memory_space<semaphore_mem>>) src(%dma_wait3A_89 : memref<64xi32, #tpu.memory_space<hbm>>) dst(%arg9 : memref<64xi32, #tpu.memory_space<vmem>>)
      "tpu.region"() ({
        %run_scoped3A = tpu.sem_alloc : memref<!tpu.dma_semaphore, #tpu.memory_space<semaphore_mem>>
        %dma_start3A_140 = arith.constant 0 : i32
        %dma_start3A_141 = arith.constant 0 : i32
        %dma_start3A_142 = tpu.memref_slice %arg24[%dma_start3A_140, %dma_start3A_141] : memref<10240x128xf32, #tpu.memory_space<vmem_shared>> -> memref<10240x128xf32, #tpu.memory_space<vmem_shared>>
        tpu.enqueue_indirect_dma source(%arg13 : memref<64x128xf32, #tpu.memory_space<vmem>>) target(%dma_start3A_142 : memref<10240x128xf32, #tpu.memory_space<vmem_shared>>) offsets(%arg9 : memref<64xi32, #tpu.memory_space<vmem>>) semaphore(%run_scoped3A : memref<!tpu.dma_semaphore, #tpu.memory_space<semaphore_mem>>) {add = true}
        %dma_wait3A_143 = arith.constant 0 : i32
        %dma_wait3A_144 = arith.constant 0 : i32
        %dma_wait3A_145 = tpu.memref_slice %arg24[%dma_wait3A_143, %dma_wait3A_144] : memref<10240x128xf32, #tpu.memory_space<vmem_shared>> -> memref<10240x128xf32, #tpu.memory_space<vmem_shared>>
        tpu.wait_indirect_dma semaphore(%run_scoped3A : memref<!tpu.dma_semaphore, #tpu.memory_space<semaphore_mem>>) src(%arg13 : memref<64x128xf32, #tpu.memory_space<vmem>>) dst(%dma_wait3A_145 : memref<10240x128xf32, #tpu.memory_space<vmem_shared>>)
        tpu.yield
      }) : () -> ()
      %mul3A_90 = arith.constant 4 : i32
      %mul3A_91 = arith.muli %mul3A_90, %scan3A_44 : i32
      %add3A_92 = arith.constant 2 : i32
      %add3A_93 = arith.addi %mul3A_91, %add3A_92 : i32
      %add3A_94 = arith.constant 4 : i32
      %add3A_95 = arith.addi %add3A_93, %add3A_94 : i32
      %sub3A_96 = arith.constant 1 : i32
      %sub3A_97 = arith.subi %add3A_95, %sub3A_96 : i32
      %lt3A_98 = arith.constant 160 : i32
      %lt3A_99 = arith.cmpi slt, %sub3A_97, %lt3A_98 : i32
      %convert_element_type3A_100 = arith.extui %lt3A_99 : i1 to i32
      %cond3A_101 = arith.constant 0 : i32
      %cond3A_102 = arith.cmpi ne, %convert_element_type3A_100, %cond3A_101 : i32
      scf.if %cond3A_102 {
        %mul3A_140 = arith.constant 64 : i32
        %mul3A_141 = arith.muli %sub3A_97, %mul3A_140 : i32
        %dma_start3A_142 = tpu.memref_slice %arg7[%mul3A_141] : memref<10240xi32, #tpu.memory_space<vmem>> -> memref<64xi32, #tpu.memory_space<vmem>>
        %dma_start3A_143 = arith.constant 0 : i32
        %dma_start3A_144 = arith.constant 0 : i32
        %dma_start3A_145 = tpu.memref_slice %arg2[%dma_start3A_143, %dma_start3A_144] : memref<10000x128xf32, #tpu.memory_space<hbm>> -> memref<10000x128xf32, #tpu.memory_space<hbm>>
        tpu.enqueue_indirect_dma source(%dma_start3A_145 : memref<10000x128xf32, #tpu.memory_space<hbm>>) target(%arg13 : memref<64x128xf32, #tpu.memory_space<vmem>>) offsets(%dma_start3A_142 : memref<64xi32, #tpu.memory_space<vmem>>) semaphore(%arg17 : memref<!tpu.dma_semaphore, #tpu.memory_space<semaphore_mem>>)
        %dma_start3A_146 = arith.constant 0 : i32
        %dma_start3A_147 = tpu.memref_slice %arg4[%add3A, %sub3A_97, %dma_start3A_146] : memref<32x160x64xi32, #tpu.memory_space<hbm>> -> memref<1x1x64xi32, #tpu.memory_space<hbm>>
        %dma_start3A_148 = tpu.memref_squeeze %dma_start3A_147 : memref<1x1x64xi32, #tpu.memory_space<hbm>> -> memref<64xi32, #tpu.memory_space<hbm>>
        %dma_start3A_149 = arith.constant 0 : i32
        %dma_start3A_150 = tpu.memref_slice %arg4[%add3A, %sub3A_97, %dma_start3A_149] : memref<32x160x64xi32, #tpu.memory_space<hbm>> -> memref<1x1x64xi32, #tpu.memory_space<hbm>>
        %dma_start3A_151 = tpu.memref_squeeze %dma_start3A_150 : memref<1x1x64xi32, #tpu.memory_space<hbm>> -> memref<64xi32, #tpu.memory_space<hbm>>
        tpu.enqueue_dma source(%dma_start3A_151 : memref<64xi32, #tpu.memory_space<hbm>>) target(%arg9 : memref<64xi32, #tpu.memory_space<vmem>>) target_semaphore(%arg21 : memref<!tpu.dma_semaphore, #tpu.memory_space<semaphore_mem>>)
      } else {
      }
      %mul3A_103 = arith.constant 64 : i32
      %mul3A_104 = arith.muli %add3A_93, %mul3A_103 : i32
      %dma_wait3A_105 = tpu.memref_slice %arg7[%mul3A_104] : memref<10240xi32, #tpu.memory_space<vmem>> -> memref<64xi32, #tpu.memory_space<vmem>>
      %dma_wait3A_106 = arith.constant 0 : i32
      %dma_wait3A_107 = arith.constant 0 : i32
      %dma_wait3A_108 = tpu.memref_slice %arg2[%dma_wait3A_106, %dma_wait3A_107] : memref<10000x128xf32, #tpu.memory_space<hbm>> -> memref<10000x128xf32, #tpu.memory_space<hbm>>
      tpu.wait_indirect_dma semaphore(%arg18 : memref<!tpu.dma_semaphore, #tpu.memory_space<semaphore_mem>>) src(%dma_wait3A_108 : memref<10000x128xf32, #tpu.memory_space<hbm>>) dst(%arg14 : memref<64x128xf32, #tpu.memory_space<vmem>>)
      %dma_wait3A_109 = arith.constant 0 : i32
      %dma_wait3A_110 = tpu.memref_slice %arg4[%add3A, %add3A_93, %dma_wait3A_109] : memref<32x160x64xi32, #tpu.memory_space<hbm>> -> memref<1x1x64xi32, #tpu.memory_space<hbm>>
      %dma_wait3A_111 = tpu.memref_squeeze %dma_wait3A_110 : memref<1x1x64xi32, #tpu.memory_space<hbm>> -> memref<64xi32, #tpu.memory_space<hbm>>
      %dma_wait3A_112 = arith.constant 0 : i32
      %dma_wait3A_113 = tpu.memref_slice %arg4[%add3A, %add3A_93, %dma_wait3A_112] : memref<32x160x64xi32, #tpu.memory_space<hbm>> -> memref<1x1x64xi32, #tpu.memory_space<hbm>>
      %dma_wait3A_114 = tpu.memref_squeeze %dma_wait3A_113 : memref<1x1x64xi32, #tpu.memory_space<hbm>> -> memref<64xi32, #tpu.memory_space<hbm>>
      tpu.wait_dma2 semaphore(%arg22 : memref<!tpu.dma_semaphore, #tpu.memory_space<semaphore_mem>>) src(%dma_wait3A_114 : memref<64xi32, #tpu.memory_space<hbm>>) dst(%arg10 : memref<64xi32, #tpu.memory_space<vmem>>)
      "tpu.region"() ({
        %run_scoped3A = tpu.sem_alloc : memref<!tpu.dma_semaphore, #tpu.memory_space<semaphore_mem>>
        %dma_start3A_140 = arith.constant 0 : i32
        %dma_start3A_141 = arith.constant 0 : i32
        %dma_start3A_142 = tpu.memref_slice %arg24[%dma_start3A_140, %dma_start3A_141] : memref<10240x128xf32, #tpu.memory_space<vmem_shared>> -> memref<10240x128xf32, #tpu.memory_space<vmem_shared>>
        tpu.enqueue_indirect_dma source(%arg14 : memref<64x128xf32, #tpu.memory_space<vmem>>) target(%dma_start3A_142 : memref<10240x128xf32, #tpu.memory_space<vmem_shared>>) offsets(%arg10 : memref<64xi32, #tpu.memory_space<vmem>>) semaphore(%run_scoped3A : memref<!tpu.dma_semaphore, #tpu.memory_space<semaphore_mem>>) {add = true}
        %dma_wait3A_143 = arith.constant 0 : i32
        %dma_wait3A_144 = arith.constant 0 : i32
        %dma_wait3A_145 = tpu.memref_slice %arg24[%dma_wait3A_143, %dma_wait3A_144] : memref<10240x128xf32, #tpu.memory_space<vmem_shared>> -> memref<10240x128xf32, #tpu.memory_space<vmem_shared>>
        tpu.wait_indirect_dma semaphore(%run_scoped3A : memref<!tpu.dma_semaphore, #tpu.memory_space<semaphore_mem>>) src(%arg14 : memref<64x128xf32, #tpu.memory_space<vmem>>) dst(%dma_wait3A_145 : memref<10240x128xf32, #tpu.memory_space<vmem_shared>>)
        tpu.yield
      }) : () -> ()
      %mul3A_115 = arith.constant 4 : i32
      %mul3A_116 = arith.muli %mul3A_115, %scan3A_44 : i32
      %add3A_117 = arith.constant 3 : i32
      %add3A_118 = arith.addi %mul3A_116, %add3A_117 : i32
      %add3A_119 = arith.constant 4 : i32
      %add3A_120 = arith.addi %add3A_118, %add3A_119 : i32
      %sub3A_121 = arith.constant 1 : i32
      %sub3A_122 = arith.subi %add3A_120, %sub3A_121 : i32
      %lt3A_123 = arith.constant 160 : i32
      %lt3A_124 = arith.cmpi slt, %sub3A_122, %lt3A_123 : i32
      %convert_element_type3A_125 = arith.extui %lt3A_124 : i1 to i32
      %cond3A_126 = arith.constant 0 : i32
      %cond3A_127 = arith.cmpi ne, %convert_element_type3A_125, %cond3A_126 : i32
      scf.if %cond3A_127 {
        %mul3A_140 = arith.constant 64 : i32
        %mul3A_141 = arith.muli %sub3A_122, %mul3A_140 : i32
        %dma_start3A_142 = tpu.memref_slice %arg7[%mul3A_141] : memref<10240xi32, #tpu.memory_space<vmem>> -> memref<64xi32, #tpu.memory_space<vmem>>
        %dma_start3A_143 = arith.constant 0 : i32
        %dma_start3A_144 = arith.constant 0 : i32
        %dma_start3A_145 = tpu.memref_slice %arg2[%dma_start3A_143, %dma_start3A_144] : memref<10000x128xf32, #tpu.memory_space<hbm>> -> memref<10000x128xf32, #tpu.memory_space<hbm>>
        tpu.enqueue_indirect_dma source(%dma_start3A_145 : memref<10000x128xf32, #tpu.memory_space<hbm>>) target(%arg14 : memref<64x128xf32, #tpu.memory_space<vmem>>) offsets(%dma_start3A_142 : memref<64xi32, #tpu.memory_space<vmem>>) semaphore(%arg18 : memref<!tpu.dma_semaphore, #tpu.memory_space<semaphore_mem>>)
        %dma_start3A_146 = arith.constant 0 : i32
        %dma_start3A_147 = tpu.memref_slice %arg4[%add3A, %sub3A_122, %dma_start3A_146] : memref<32x160x64xi32, #tpu.memory_space<hbm>> -> memref<1x1x64xi32, #tpu.memory_space<hbm>>
        %dma_start3A_148 = tpu.memref_squeeze %dma_start3A_147 : memref<1x1x64xi32, #tpu.memory_space<hbm>> -> memref<64xi32, #tpu.memory_space<hbm>>
        %dma_start3A_149 = arith.constant 0 : i32
        %dma_start3A_150 = tpu.memref_slice %arg4[%add3A, %sub3A_122, %dma_start3A_149] : memref<32x160x64xi32, #tpu.memory_space<hbm>> -> memref<1x1x64xi32, #tpu.memory_space<hbm>>
        %dma_start3A_151 = tpu.memref_squeeze %dma_start3A_150 : memref<1x1x64xi32, #tpu.memory_space<hbm>> -> memref<64xi32, #tpu.memory_space<hbm>>
        tpu.enqueue_dma source(%dma_start3A_151 : memref<64xi32, #tpu.memory_space<hbm>>) target(%arg10 : memref<64xi32, #tpu.memory_space<vmem>>) target_semaphore(%arg22 : memref<!tpu.dma_semaphore, #tpu.memory_space<semaphore_mem>>)
      } else {
      }
      %mul3A_128 = arith.constant 64 : i32
      %mul3A_129 = arith.muli %add3A_118, %mul3A_128 : i32
      %dma_wait3A_130 = tpu.memref_slice %arg7[%mul3A_129] : memref<10240xi32, #tpu.memory_space<vmem>> -> memref<64xi32, #tpu.memory_space<vmem>>
      %dma_wait3A_131 = arith.constant 0 : i32
      %dma_wait3A_132 = arith.constant 0 : i32
      %dma_wait3A_133 = tpu.memref_slice %arg2[%dma_wait3A_131, %dma_wait3A_132] : memref<10000x128xf32, #tpu.memory_space<hbm>> -> memref<10000x128xf32, #tpu.memory_space<hbm>>
      tpu.wait_indirect_dma semaphore(%arg19 : memref<!tpu.dma_semaphore, #tpu.memory_space<semaphore_mem>>) src(%dma_wait3A_133 : memref<10000x128xf32, #tpu.memory_space<hbm>>) dst(%arg15 : memref<64x128xf32, #tpu.memory_space<vmem>>)
      %dma_wait3A_134 = arith.constant 0 : i32
      %dma_wait3A_135 = tpu.memref_slice %arg4[%add3A, %add3A_118, %dma_wait3A_134] : memref<32x160x64xi32, #tpu.memory_space<hbm>> -> memref<1x1x64xi32, #tpu.memory_space<hbm>>
      %dma_wait3A_136 = tpu.memref_squeeze %dma_wait3A_135 : memref<1x1x64xi32, #tpu.memory_space<hbm>> -> memref<64xi32, #tpu.memory_space<hbm>>
      %dma_wait3A_137 = arith.constant 0 : i32
      %dma_wait3A_138 = tpu.memref_slice %arg4[%add3A, %add3A_118, %dma_wait3A_137] : memref<32x160x64xi32, #tpu.memory_space<hbm>> -> memref<1x1x64xi32, #tpu.memory_space<hbm>>
      %dma_wait3A_139 = tpu.memref_squeeze %dma_wait3A_138 : memref<1x1x64xi32, #tpu.memory_space<hbm>> -> memref<64xi32, #tpu.memory_space<hbm>>
      tpu.wait_dma2 semaphore(%arg23 : memref<!tpu.dma_semaphore, #tpu.memory_space<semaphore_mem>>) src(%dma_wait3A_139 : memref<64xi32, #tpu.memory_space<hbm>>) dst(%arg11 : memref<64xi32, #tpu.memory_space<vmem>>)
      "tpu.region"() ({
        %run_scoped3A = tpu.sem_alloc : memref<!tpu.dma_semaphore, #tpu.memory_space<semaphore_mem>>
        %dma_start3A_140 = arith.constant 0 : i32
        %dma_start3A_141 = arith.constant 0 : i32
        %dma_start3A_142 = tpu.memref_slice %arg24[%dma_start3A_140, %dma_start3A_141] : memref<10240x128xf32, #tpu.memory_space<vmem_shared>> -> memref<10240x128xf32, #tpu.memory_space<vmem_shared>>
        tpu.enqueue_indirect_dma source(%arg15 : memref<64x128xf32, #tpu.memory_space<vmem>>) target(%dma_start3A_142 : memref<10240x128xf32, #tpu.memory_space<vmem_shared>>) offsets(%arg11 : memref<64xi32, #tpu.memory_space<vmem>>) semaphore(%run_scoped3A : memref<!tpu.dma_semaphore, #tpu.memory_space<semaphore_mem>>) {add = true}
        %dma_wait3A_143 = arith.constant 0 : i32
        %dma_wait3A_144 = arith.constant 0 : i32
        %dma_wait3A_145 = tpu.memref_slice %arg24[%dma_wait3A_143, %dma_wait3A_144] : memref<10240x128xf32, #tpu.memory_space<vmem_shared>> -> memref<10240x128xf32, #tpu.memory_space<vmem_shared>>
        tpu.wait_indirect_dma semaphore(%run_scoped3A : memref<!tpu.dma_semaphore, #tpu.memory_space<semaphore_mem>>) src(%arg15 : memref<64x128xf32, #tpu.memory_space<vmem>>) dst(%dma_wait3A_145 : memref<10240x128xf32, #tpu.memory_space<vmem_shared>>)
        tpu.yield
      }) : () -> ()
    }
    %scan3A_42 = arith.constant 40 : i32
    %barrier3A_43 = arith.constant 0 : index
    tpu.barrier barrier_id(%barrier3A_43)
    "tpu.region"() ({
      %run_scoped3A = tpu.sem_alloc : memref<!tpu.dma_semaphore, #tpu.memory_space<semaphore_mem>>
      %dma_start3A_44 = arith.constant 0 : i32
      %dma_start3A_45 = tpu.memref_slice %arg6[%arg0, %mul3A_2, %dma_start3A_44] : memref<2x10240x128xf32, #tpu.memory_space<hbm>> -> memref<1x640x128xf32, #tpu.memory_space<hbm>>
      %dma_start3A_46 = tpu.memref_squeeze %dma_start3A_45 : memref<1x640x128xf32, #tpu.memory_space<hbm>> -> memref<640x128xf32, #tpu.memory_space<hbm>>
      %dma_start3A_47 = arith.constant 0 : i32
      %dma_start3A_48 = tpu.memref_slice %arg24[%mul3A_2, %dma_start3A_47] : memref<10240x128xf32, #tpu.memory_space<vmem_shared>> -> memref<640x128xf32, #tpu.memory_space<vmem_shared>>
      tpu.enqueue_dma source(%dma_start3A_48 : memref<640x128xf32, #tpu.memory_space<vmem_shared>>) target(%dma_start3A_46 : memref<640x128xf32, #tpu.memory_space<hbm>>) target_semaphore(%run_scoped3A : memref<!tpu.dma_semaphore, #tpu.memory_space<semaphore_mem>>)
      %dma_wait3A = arith.constant 0 : i32
      %dma_wait3A_49 = tpu.memref_slice %arg6[%arg0, %mul3A_2, %dma_wait3A] : memref<2x10240x128xf32, #tpu.memory_space<hbm>> -> memref<1x640x128xf32, #tpu.memory_space<hbm>>
      %dma_wait3A_50 = tpu.memref_squeeze %dma_wait3A_49 : memref<1x640x128xf32, #tpu.memory_space<hbm>> -> memref<640x128xf32, #tpu.memory_space<hbm>>
      %dma_wait3A_51 = arith.constant 0 : i32
      %dma_wait3A_52 = tpu.memref_slice %arg24[%mul3A_2, %dma_wait3A_51] : memref<10240x128xf32, #tpu.memory_space<vmem_shared>> -> memref<640x128xf32, #tpu.memory_space<vmem_shared>>
      tpu.wait_dma2 semaphore(%run_scoped3A : memref<!tpu.dma_semaphore, #tpu.memory_space<semaphore_mem>>) src(%dma_wait3A_52 : memref<640x128xf32, #tpu.memory_space<vmem_shared>>) dst(%dma_wait3A_50 : memref<640x128xf32, #tpu.memory_space<hbm>>)
      tpu.yield
    }) : () -> ()
    return
  }
}

module attributes {stable_mosaic.version = 14 : i64} {
  func.func @_tc_layer_body(%arg0: i32, %arg1: memref<2x1000x128xf32, #tpu.memory_space<vmem>>, %arg2: memref<2x1000x1xf32, #tpu.memory_space<vmem>>, %arg3: memref<1000x128xf32, #tpu.memory_space<vmem>>, %arg4: memref<128x128xf32, #tpu.memory_space<vmem>>, %arg5: memref<1x128xf32, #tpu.memory_space<vmem>>, %arg6: memref<128x128xf32, #tpu.memory_space<vmem>>, %arg7: memref<1x128xf32, #tpu.memory_space<vmem>>, %arg8: memref<1x128xf32, #tpu.memory_space<vmem>>, %arg9: memref<1000x128xf32, #tpu.memory_space<vmem>>) attributes {dimension_semantics = [#tpu.dimension_semantics<arbitrary>], iteration_bounds = array<i64: 10>, scalar_prefetch = 0 : i64, scratch_operands = 0 : i64, tpu.core_type = #tpu.core_type<tc>, window_params = [{transform_indices = @transform_0, window_bounds = array<i64: 2, 1000, 128>}, {transform_indices = @transform_1, window_bounds = array<i64: 2, 1000, 1>}, {transform_indices = @transform_2, window_bounds = array<i64: 1000, 128>}, {pipeline_mode = #tpu.pipeline_mode<synchronous>, transform_indices = @transform_3, window_bounds = array<i64: 128, 128>}, {pipeline_mode = #tpu.pipeline_mode<synchronous>, transform_indices = @transform_4, window_bounds = array<i64: 1, 128>}, {pipeline_mode = #tpu.pipeline_mode<synchronous>, transform_indices = @transform_5, window_bounds = array<i64: 128, 128>}, {pipeline_mode = #tpu.pipeline_mode<synchronous>, transform_indices = @transform_6, window_bounds = array<i64: 1, 128>}, {pipeline_mode = #tpu.pipeline_mode<synchronous>, transform_indices = @transform_7, window_bounds = array<i64: 1, 128>}, {transform_indices = @transform_8, window_bounds = array<i64: 1000, 128>}]} {
    %get3A = arith.constant 0 : index
    %get3A_0 = arith.constant 0 : index
    %get3A_1 = arith.constant 0 : index
    %get3A_2 = vector.load %arg2[%get3A, %get3A_0, %get3A_1] : memref<2x1000x1xf32, #tpu.memory_space<vmem>>, vector<1x1000x1xf32>
    %get3A_3 = vector.shape_cast %get3A_2 : vector<1x1000x1xf32> to vector<1000x1xf32>
    %get3A_4 = arith.constant 1 : index
    %get3A_5 = arith.constant 0 : index
    %get3A_6 = arith.constant 0 : index
    %get3A_7 = vector.load %arg2[%get3A_4, %get3A_5, %get3A_6] : memref<2x1000x1xf32, #tpu.memory_space<vmem>>, vector<1x1000x1xf32>
    %get3A_8 = vector.shape_cast %get3A_7 : vector<1x1000x1xf32> to vector<1000x1xf32>
    %add3A = arith.addf %get3A_3, %get3A_8 : vector<1000x1xf32>
    %max3A = arith.constant 1.000000e+00 : f32
    %max3A_9 = vector.broadcast %max3A : f32 to vector<1000x1xf32>
    %max3A_10 = arith.maximumf %add3A, %max3A_9 : vector<1000x1xf32>
    %div3A = arith.constant 1.000000e+00 : f32
    %div3A_11 = vector.broadcast %div3A : f32 to vector<1000x1xf32>
    %div3A_12 = arith.divf %div3A_11, %max3A_10 : vector<1000x1xf32>
    %get3A_13 = arith.constant 0 : index
    %get3A_14 = arith.constant 0 : index
    %get3A_15 = arith.constant 0 : index
    %get3A_16 = vector.load %arg1[%get3A_13, %get3A_14, %get3A_15] : memref<2x1000x128xf32, #tpu.memory_space<vmem>>, vector<1x1000x128xf32>
    %get3A_17 = vector.shape_cast %get3A_16 : vector<1x1000x128xf32> to vector<1000x128xf32>
    %get3A_18 = arith.constant 1 : index
    %get3A_19 = arith.constant 0 : index
    %get3A_20 = arith.constant 0 : index
    %get3A_21 = vector.load %arg1[%get3A_18, %get3A_19, %get3A_20] : memref<2x1000x128xf32, #tpu.memory_space<vmem>>, vector<1x1000x128xf32>
    %get3A_22 = vector.shape_cast %get3A_21 : vector<1x1000x128xf32> to vector<1000x128xf32>
    %add3A_23 = arith.addf %get3A_17, %get3A_22 : vector<1000x128xf32>
    %mul3A = vector.broadcast %div3A_12 : vector<1000x1xf32> to vector<1000x128xf32>
    %mul3A_24 = arith.mulf %add3A_23, %mul3A : vector<1000x128xf32>
    %get3A_25 = arith.constant 0 : index
    %get3A_26 = arith.constant 0 : index
    %get3A_27 = vector.load %arg4[%get3A_25, %get3A_26] : memref<128x128xf32, #tpu.memory_space<vmem>>, vector<128x128xf32>
    %dot_general3A = arith.constant dense<0.000000e+00> : vector<1000x128xf32>
    %dot_general3A_28 = tpu.matmul %mul3A_24, %get3A_27, %dot_general3A {dimension_numbers = #tpu.dot_dimension_numbers<[1], [0], [0], [1], [0, 0, 1, 1], [], []>, transpose_lhs_hint = false} : vector<1000x128xf32>, vector<128x128xf32>, vector<1000x128xf32> -> vector<1000x128xf32>
    %get3A_29 = arith.constant 0 : index
    %get3A_30 = arith.constant 0 : index
    %get3A_31 = vector.load %arg3[%get3A_29, %get3A_30] : memref<1000x128xf32, #tpu.memory_space<vmem>>, vector<1000x128xf32>
    %get3A_32 = arith.constant 0 : index
    %get3A_33 = arith.constant 0 : index
    %get3A_34 = vector.load %arg6[%get3A_32, %get3A_33] : memref<128x128xf32, #tpu.memory_space<vmem>>, vector<128x128xf32>
    %dot_general3A_35 = arith.constant dense<0.000000e+00> : vector<1000x128xf32>
    %dot_general3A_36 = tpu.matmul %get3A_31, %get3A_34, %dot_general3A_35 {dimension_numbers = #tpu.dot_dimension_numbers<[1], [0], [0], [1], [0, 0, 1, 1], [], []>, transpose_lhs_hint = false} : vector<1000x128xf32>, vector<128x128xf32>, vector<1000x128xf32> -> vector<1000x128xf32>
    %add3A_37 = arith.addf %dot_general3A_28, %dot_general3A_36 : vector<1000x128xf32>
    %get3A_38 = arith.constant 0 : index
    %get3A_39 = arith.constant 0 : index
    %get3A_40 = vector.load %arg5[%get3A_38, %get3A_39] : memref<1x128xf32, #tpu.memory_space<vmem>>, vector<1x128xf32>
    %add3A_41 = vector.broadcast %get3A_40 : vector<1x128xf32> to vector<1000x128xf32>
    %add3A_42 = arith.addf %add3A_37, %add3A_41 : vector<1000x128xf32>
    %mul3A_43 = arith.mulf %add3A_42, %add3A_42 : vector<1000x128xf32>
    %reduce_sum3A = arith.constant dense<0.000000e+00> : vector<1000xf32>
    %reduce_sum3A_44 = vector.multi_reduction <add>, %mul3A_43, %reduce_sum3A [1] : vector<1000x128xf32> to vector<1000xf32>
    %broadcast_in_dim3A = vector.shape_cast %reduce_sum3A_44 : vector<1000xf32> to vector<1000x1xf32>
    %sqrt3A = math.sqrt %broadcast_in_dim3A : vector<1000x1xf32>
    %max3A_45 = arith.constant 9.99999996E-13 : f32
    %max3A_46 = vector.broadcast %max3A_45 : f32 to vector<1000x1xf32>
    %max3A_47 = arith.maximumf %sqrt3A, %max3A_46 : vector<1000x1xf32>
    %div3A_48 = vector.broadcast %max3A_47 : vector<1000x1xf32> to vector<1000x128xf32>
    %div3A_49 = arith.divf %add3A_42, %div3A_48 : vector<1000x128xf32>
    %mul3A_50 = arith.constant 0.999994993 : f32
    %mul3A_51 = vector.broadcast %mul3A_50 : f32 to vector<1000x128xf32>
    %mul3A_52 = arith.mulf %div3A_49, %mul3A_51 : vector<1000x128xf32>
    %get3A_53 = arith.constant 0 : index
    %get3A_54 = arith.constant 0 : index
    %get3A_55 = vector.load %arg7[%get3A_53, %get3A_54] : memref<1x128xf32, #tpu.memory_space<vmem>>, vector<1x128xf32>
    %mul3A_56 = vector.broadcast %get3A_55 : vector<1x128xf32> to vector<1000x128xf32>
    %mul3A_57 = arith.mulf %mul3A_52, %mul3A_56 : vector<1000x128xf32>
    %get3A_58 = arith.constant 0 : index
    %get3A_59 = arith.constant 0 : index
    %get3A_60 = vector.load %arg8[%get3A_58, %get3A_59] : memref<1x128xf32, #tpu.memory_space<vmem>>, vector<1x128xf32>
    %add3A_61 = vector.broadcast %get3A_60 : vector<1x128xf32> to vector<1000x128xf32>
    %add3A_62 = arith.addf %mul3A_57, %add3A_61 : vector<1000x128xf32>
    %max3A_63 = arith.constant 0.000000e+00 : f32
    %max3A_64 = vector.broadcast %max3A_63 : f32 to vector<1000x128xf32>
    %max3A_65 = arith.maximumf %add3A_62, %max3A_64 : vector<1000x128xf32>
    %swap3A = arith.constant 0 : index
    %swap3A_66 = arith.constant 0 : index
    %swap3A_67 = vector.load %arg9[%swap3A, %swap3A_66] : memref<1000x128xf32, #tpu.memory_space<vmem>>, vector<1000x128xf32>
    tpu.vector_store %arg9[%swap3A, %swap3A_66], %max3A_65 {strides = array<i32>} : memref<1000x128xf32, #tpu.memory_space<vmem>>, vector<1000x128xf32>,
    return
  }
  func.func @transform_0(%arg0: i32) -> (i32, i32, i32) {
    %c0_i32 = arith.constant 0 : i32
    %c0_i32_0 = arith.constant 0 : i32
    %c0_i32_1 = arith.constant 0 : i32
    return %c0_i32, %arg0, %c0_i32_0 : i32, i32, i32
  }
  func.func @transform_1(%arg0: i32) -> (i32, i32, i32) {
    %c0_i32 = arith.constant 0 : i32
    %c0_i32_0 = arith.constant 0 : i32
    %c0_i32_1 = arith.constant 0 : i32
    return %c0_i32, %arg0, %c0_i32_0 : i32, i32, i32
  }
  func.func @transform_2(%arg0: i32) -> (i32, i32) {
    %c0_i32 = arith.constant 0 : i32
    %c0_i32_0 = arith.constant 0 : i32
    return %arg0, %c0_i32 : i32, i32
  }
  func.func @transform_3(%arg0: i32) -> (i32, i32) {
    %c0_i32 = arith.constant 0 : i32
    %c0_i32_0 = arith.constant 0 : i32
    %c0_i32_1 = arith.constant 0 : i32
    return %c0_i32, %c0_i32_0 : i32, i32
  }
  func.func @transform_4(%arg0: i32) -> (i32, i32) {
    %c0_i32 = arith.constant 0 : i32
    %c0_i32_0 = arith.constant 0 : i32
    %c0_i32_1 = arith.constant 0 : i32
    return %c0_i32, %c0_i32_0 : i32, i32
  }
  func.func @transform_5(%arg0: i32) -> (i32, i32) {
    %c0_i32 = arith.constant 0 : i32
    %c0_i32_0 = arith.constant 0 : i32
    %c0_i32_1 = arith.constant 0 : i32
    return %c0_i32, %c0_i32_0 : i32, i32
  }
  func.func @transform_6(%arg0: i32) -> (i32, i32) {
    %c0_i32 = arith.constant 0 : i32
    %c0_i32_0 = arith.constant 0 : i32
    %c0_i32_1 = arith.constant 0 : i32
    return %c0_i32, %c0_i32_0 : i32, i32
  }
  func.func @transform_7(%arg0: i32) -> (i32, i32) {
    %c0_i32 = arith.constant 0 : i32
    %c0_i32_0 = arith.constant 0 : i32
    %c0_i32_1 = arith.constant 0 : i32
    return %c0_i32, %c0_i32_0 : i32, i32
  }
  func.func @transform_8(%arg0: i32) -> (i32, i32) {
    %c0_i32 = arith.constant 0 : i32
    %c0_i32_0 = arith.constant 0 : i32
    return %arg0, %c0_i32 : i32, i32
  }
}

module attributes {stable_mosaic.version = 14 : i64} {
  func.func @_tc_final_body(%arg0: i32, %arg1: memref<2x1000x128xf32, #tpu.memory_space<vmem>>, %arg2: memref<2x1000x1xf32, #tpu.memory_space<vmem>>, %arg3: memref<1000x128xf32, #tpu.memory_space<vmem>>, %arg4: memref<128x128xf32, #tpu.memory_space<vmem>>, %arg5: memref<1x128xf32, #tpu.memory_space<vmem>>, %arg6: memref<128x128xf32, #tpu.memory_space<vmem>>, %arg7: memref<1x128xf32, #tpu.memory_space<vmem>>, %arg8: memref<1x128xf32, #tpu.memory_space<vmem>>, %arg9: memref<128x64xf32, #tpu.memory_space<vmem>>, %arg10: memref<1x64xf32, #tpu.memory_space<vmem>>, %arg11: memref<64x40xf32, #tpu.memory_space<vmem>>, %arg12: memref<1x40xf32, #tpu.memory_space<vmem>>, %arg13: memref<1000x40xf32, #tpu.memory_space<vmem>>) attributes {dimension_semantics = [#tpu.dimension_semantics<arbitrary>], iteration_bounds = array<i64: 10>, scalar_prefetch = 0 : i64, scratch_operands = 0 : i64, tpu.core_type = #tpu.core_type<tc>, window_params = [{transform_indices = @transform_0, window_bounds = array<i64: 2, 1000, 128>}, {transform_indices = @transform_1, window_bounds = array<i64: 2, 1000, 1>}, {transform_indices = @transform_2, window_bounds = array<i64: 1000, 128>}, {pipeline_mode = #tpu.pipeline_mode<synchronous>, transform_indices = @transform_3, window_bounds = array<i64: 128, 128>}, {pipeline_mode = #tpu.pipeline_mode<synchronous>, transform_indices = @transform_4, window_bounds = array<i64: 1, 128>}, {pipeline_mode = #tpu.pipeline_mode<synchronous>, transform_indices = @transform_5, window_bounds = array<i64: 128, 128>}, {pipeline_mode = #tpu.pipeline_mode<synchronous>, transform_indices = @transform_6, window_bounds = array<i64: 1, 128>}, {pipeline_mode = #tpu.pipeline_mode<synchronous>, transform_indices = @transform_7, window_bounds = array<i64: 1, 128>}, {pipeline_mode = #tpu.pipeline_mode<synchronous>, transform_indices = @transform_8, window_bounds = array<i64: 128, 64>}, {pipeline_mode = #tpu.pipeline_mode<synchronous>, transform_indices = @transform_9, window_bounds = array<i64: 1, 64>}, {pipeline_mode = #tpu.pipeline_mode<synchronous>, transform_indices = @transform_10, window_bounds = array<i64: 64, 40>}, {pipeline_mode = #tpu.pipeline_mode<synchronous>, transform_indices = @transform_11, window_bounds = array<i64: 1, 40>}, {transform_indices = @transform_12, window_bounds = array<i64: 1000, 40>}]} {
    %get3A = arith.constant 0 : index
    %get3A_0 = arith.constant 0 : index
    %get3A_1 = arith.constant 0 : index
    %get3A_2 = vector.load %arg2[%get3A, %get3A_0, %get3A_1] : memref<2x1000x1xf32, #tpu.memory_space<vmem>>, vector<1x1000x1xf32>
    %get3A_3 = vector.shape_cast %get3A_2 : vector<1x1000x1xf32> to vector<1000x1xf32>
    %get3A_4 = arith.constant 1 : index
    %get3A_5 = arith.constant 0 : index
    %get3A_6 = arith.constant 0 : index
    %get3A_7 = vector.load %arg2[%get3A_4, %get3A_5, %get3A_6] : memref<2x1000x1xf32, #tpu.memory_space<vmem>>, vector<1x1000x1xf32>
    %get3A_8 = vector.shape_cast %get3A_7 : vector<1x1000x1xf32> to vector<1000x1xf32>
    %add3A = arith.addf %get3A_3, %get3A_8 : vector<1000x1xf32>
    %max3A = arith.constant 1.000000e+00 : f32
    %max3A_9 = vector.broadcast %max3A : f32 to vector<1000x1xf32>
    %max3A_10 = arith.maximumf %add3A, %max3A_9 : vector<1000x1xf32>
    %div3A = arith.constant 1.000000e+00 : f32
    %div3A_11 = vector.broadcast %div3A : f32 to vector<1000x1xf32>
    %div3A_12 = arith.divf %div3A_11, %max3A_10 : vector<1000x1xf32>
    %get3A_13 = arith.constant 0 : index
    %get3A_14 = arith.constant 0 : index
    %get3A_15 = arith.constant 0 : index
    %get3A_16 = vector.load %arg1[%get3A_13, %get3A_14, %get3A_15] : memref<2x1000x128xf32, #tpu.memory_space<vmem>>, vector<1x1000x128xf32>
    %get3A_17 = vector.shape_cast %get3A_16 : vector<1x1000x128xf32> to vector<1000x128xf32>
    %get3A_18 = arith.constant 1 : index
    %get3A_19 = arith.constant 0 : index
    %get3A_20 = arith.constant 0 : index
    %get3A_21 = vector.load %arg1[%get3A_18, %get3A_19, %get3A_20] : memref<2x1000x128xf32, #tpu.memory_space<vmem>>, vector<1x1000x128xf32>
    %get3A_22 = vector.shape_cast %get3A_21 : vector<1x1000x128xf32> to vector<1000x128xf32>
    %add3A_23 = arith.addf %get3A_17, %get3A_22 : vector<1000x128xf32>
    %mul3A = vector.broadcast %div3A_12 : vector<1000x1xf32> to vector<1000x128xf32>
    %mul3A_24 = arith.mulf %add3A_23, %mul3A : vector<1000x128xf32>
    %get3A_25 = arith.constant 0 : index
    %get3A_26 = arith.constant 0 : index
    %get3A_27 = vector.load %arg4[%get3A_25, %get3A_26] : memref<128x128xf32, #tpu.memory_space<vmem>>, vector<128x128xf32>
    %dot_general3A = arith.constant dense<0.000000e+00> : vector<1000x128xf32>
    %dot_general3A_28 = tpu.matmul %mul3A_24, %get3A_27, %dot_general3A {dimension_numbers = #tpu.dot_dimension_numbers<[1], [0], [0], [1], [0, 0, 1, 1], [], []>, transpose_lhs_hint = false} : vector<1000x128xf32>, vector<128x128xf32>, vector<1000x128xf32> -> vector<1000x128xf32>
    %get3A_29 = arith.constant 0 : index
    %get3A_30 = arith.constant 0 : index
    %get3A_31 = vector.load %arg3[%get3A_29, %get3A_30] : memref<1000x128xf32, #tpu.memory_space<vmem>>, vector<1000x128xf32>
    %get3A_32 = arith.constant 0 : index
    %get3A_33 = arith.constant 0 : index
    %get3A_34 = vector.load %arg6[%get3A_32, %get3A_33] : memref<128x128xf32, #tpu.memory_space<vmem>>, vector<128x128xf32>
    %dot_general3A_35 = arith.constant dense<0.000000e+00> : vector<1000x128xf32>
    %dot_general3A_36 = tpu.matmul %get3A_31, %get3A_34, %dot_general3A_35 {dimension_numbers = #tpu.dot_dimension_numbers<[1], [0], [0], [1], [0, 0, 1, 1], [], []>, transpose_lhs_hint = false} : vector<1000x128xf32>, vector<128x128xf32>, vector<1000x128xf32> -> vector<1000x128xf32>
    %add3A_37 = arith.addf %dot_general3A_28, %dot_general3A_36 : vector<1000x128xf32>
    %get3A_38 = arith.constant 0 : index
    %get3A_39 = arith.constant 0 : index
    %get3A_40 = vector.load %arg5[%get3A_38, %get3A_39] : memref<1x128xf32, #tpu.memory_space<vmem>>, vector<1x128xf32>
    %add3A_41 = vector.broadcast %get3A_40 : vector<1x128xf32> to vector<1000x128xf32>
    %add3A_42 = arith.addf %add3A_37, %add3A_41 : vector<1000x128xf32>
    %mul3A_43 = arith.mulf %add3A_42, %add3A_42 : vector<1000x128xf32>
    %reduce_sum3A = arith.constant dense<0.000000e+00> : vector<1000xf32>
    %reduce_sum3A_44 = vector.multi_reduction <add>, %mul3A_43, %reduce_sum3A [1] : vector<1000x128xf32> to vector<1000xf32>
    %broadcast_in_dim3A = vector.shape_cast %reduce_sum3A_44 : vector<1000xf32> to vector<1000x1xf32>
    %sqrt3A = math.sqrt %broadcast_in_dim3A : vector<1000x1xf32>
    %max3A_45 = arith.constant 9.99999996E-13 : f32
    %max3A_46 = vector.broadcast %max3A_45 : f32 to vector<1000x1xf32>
    %max3A_47 = arith.maximumf %sqrt3A, %max3A_46 : vector<1000x1xf32>
    %div3A_48 = vector.broadcast %max3A_47 : vector<1000x1xf32> to vector<1000x128xf32>
    %div3A_49 = arith.divf %add3A_42, %div3A_48 : vector<1000x128xf32>
    %mul3A_50 = arith.constant 0.999994993 : f32
    %mul3A_51 = vector.broadcast %mul3A_50 : f32 to vector<1000x128xf32>
    %mul3A_52 = arith.mulf %div3A_49, %mul3A_51 : vector<1000x128xf32>
    %get3A_53 = arith.constant 0 : index
    %get3A_54 = arith.constant 0 : index
    %get3A_55 = vector.load %arg7[%get3A_53, %get3A_54] : memref<1x128xf32, #tpu.memory_space<vmem>>, vector<1x128xf32>
    %mul3A_56 = vector.broadcast %get3A_55 : vector<1x128xf32> to vector<1000x128xf32>
    %mul3A_57 = arith.mulf %mul3A_52, %mul3A_56 : vector<1000x128xf32>
    %get3A_58 = arith.constant 0 : index
    %get3A_59 = arith.constant 0 : index
    %get3A_60 = vector.load %arg8[%get3A_58, %get3A_59] : memref<1x128xf32, #tpu.memory_space<vmem>>, vector<1x128xf32>
    %add3A_61 = vector.broadcast %get3A_60 : vector<1x128xf32> to vector<1000x128xf32>
    %add3A_62 = arith.addf %mul3A_57, %add3A_61 : vector<1000x128xf32>
    %max3A_63 = arith.constant 0.000000e+00 : f32
    %max3A_64 = vector.broadcast %max3A_63 : f32 to vector<1000x128xf32>
    %max3A_65 = arith.maximumf %add3A_62, %max3A_64 : vector<1000x128xf32>
    %get3A_66 = arith.constant 0 : index
    %get3A_67 = arith.constant 0 : index
    %get3A_68 = vector.load %arg9[%get3A_66, %get3A_67] : memref<128x64xf32, #tpu.memory_space<vmem>>, vector<128x64xf32>
    %dot_general3A_69 = arith.constant dense<0.000000e+00> : vector<1000x64xf32>
    %dot_general3A_70 = tpu.matmul %max3A_65, %get3A_68, %dot_general3A_69 {dimension_numbers = #tpu.dot_dimension_numbers<[1], [0], [0], [1], [0, 0, 1, 1], [], []>, transpose_lhs_hint = false} : vector<1000x128xf32>, vector<128x64xf32>, vector<1000x64xf32> -> vector<1000x64xf32>
    %get3A_71 = arith.constant 0 : index
    %get3A_72 = arith.constant 0 : index
    %get3A_73 = vector.load %arg10[%get3A_71, %get3A_72] : memref<1x64xf32, #tpu.memory_space<vmem>>, vector<1x64xf32>
    %add3A_74 = vector.broadcast %get3A_73 : vector<1x64xf32> to vector<1000x64xf32>
    %add3A_75 = arith.addf %dot_general3A_70, %add3A_74 : vector<1000x64xf32>
    %max3A_76 = arith.constant 0.000000e+00 : f32
    %max3A_77 = vector.broadcast %max3A_76 : f32 to vector<1000x64xf32>
    %max3A_78 = arith.maximumf %add3A_75, %max3A_77 : vector<1000x64xf32>
    %get3A_79 = arith.constant 0 : index
    %get3A_80 = arith.constant 0 : index
    %get3A_81 = vector.load %arg11[%get3A_79, %get3A_80] : memref<64x40xf32, #tpu.memory_space<vmem>>, vector<64x40xf32>
    %dot_general3A_82 = arith.constant dense<0.000000e+00> : vector<1000x40xf32>
    %dot_general3A_83 = tpu.matmul %max3A_78, %get3A_81, %dot_general3A_82 {dimension_numbers = #tpu.dot_dimension_numbers<[1], [0], [0], [1], [0, 0, 1, 1], [], []>, transpose_lhs_hint = false} : vector<1000x64xf32>, vector<64x40xf32>, vector<1000x40xf32> -> vector<1000x40xf32>
    %get3A_84 = arith.constant 0 : index
    %get3A_85 = arith.constant 0 : index
    %get3A_86 = vector.load %arg12[%get3A_84, %get3A_85] : memref<1x40xf32, #tpu.memory_space<vmem>>, vector<1x40xf32>
    %add3A_87 = vector.broadcast %get3A_86 : vector<1x40xf32> to vector<1000x40xf32>
    %add3A_88 = arith.addf %dot_general3A_83, %add3A_87 : vector<1000x40xf32>
    %swap3A = arith.constant 0 : index
    %swap3A_89 = arith.constant 0 : index
    %swap3A_90 = vector.load %arg13[%swap3A, %swap3A_89] : memref<1000x40xf32, #tpu.memory_space<vmem>>, vector<1000x40xf32>
    tpu.vector_store %arg13[%swap3A, %swap3A_89], %add3A_88 {strides = array<i32>} : memref<1000x40xf32, #tpu.memory_space<vmem>>, vector<1000x40xf32>,
    return
  }
  func.func @transform_0(%arg0: i32) -> (i32, i32, i32) {
    %c0_i32 = arith.constant 0 : i32
    %c0_i32_0 = arith.constant 0 : i32
    %c0_i32_1 = arith.constant 0 : i32
    return %c0_i32, %arg0, %c0_i32_0 : i32, i32, i32
  }
  func.func @transform_1(%arg0: i32) -> (i32, i32, i32) {
    %c0_i32 = arith.constant 0 : i32
    %c0_i32_0 = arith.constant 0 : i32
    %c0_i32_1 = arith.constant 0 : i32
    return %c0_i32, %arg0, %c0_i32_0 : i32, i32, i32
  }
  func.func @transform_2(%arg0: i32) -> (i32, i32) {
    %c0_i32 = arith.constant 0 : i32
    %c0_i32_0 = arith.constant 0 : i32
    return %arg0, %c0_i32 : i32, i32
  }
  func.func @transform_3(%arg0: i32) -> (i32, i32) {
    %c0_i32 = arith.constant 0 : i32
    %c0_i32_0 = arith.constant 0 : i32
    %c0_i32_1 = arith.constant 0 : i32
    return %c0_i32, %c0_i32_0 : i32, i32
  }
  func.func @transform_4(%arg0: i32) -> (i32, i32) {
    %c0_i32 = arith.constant 0 : i32
    %c0_i32_0 = arith.constant 0 : i32
    %c0_i32_1 = arith.constant 0 : i32
    return %c0_i32, %c0_i32_0 : i32, i32
  }
  func.func @transform_5(%arg0: i32) -> (i32, i32) {
    %c0_i32 = arith.constant 0 : i32
    %c0_i32_0 = arith.constant 0 : i32
    %c0_i32_1 = arith.constant 0 : i32
    return %c0_i32, %c0_i32_0 : i32, i32
  }
  func.func @transform_6(%arg0: i32) -> (i32, i32) {
    %c0_i32 = arith.constant 0 : i32
    %c0_i32_0 = arith.constant 0 : i32
    %c0_i32_1 = arith.constant 0 : i32
    return %c0_i32, %c0_i32_0 : i32, i32
  }
  func.func @transform_7(%arg0: i32) -> (i32, i32) {
    %c0_i32 = arith.constant 0 : i32
    %c0_i32_0 = arith.constant 0 : i32
    %c0_i32_1 = arith.constant 0 : i32
    return %c0_i32, %c0_i32_0 : i32, i32
  }
  func.func @transform_8(%arg0: i32) -> (i32, i32) {
    %c0_i32 = arith.constant 0 : i32
    %c0_i32_0 = arith.constant 0 : i32
    %c0_i32_1 = arith.constant 0 : i32
    return %c0_i32, %c0_i32_0 : i32, i32
  }
  func.func @transform_9(%arg0: i32) -> (i32, i32) {
    %c0_i32 = arith.constant 0 : i32
    %c0_i32_0 = arith.constant 0 : i32
    %c0_i32_1 = arith.constant 0 : i32
    return %c0_i32, %c0_i32_0 : i32, i32
  }
  func.func @transform_10(%arg0: i32) -> (i32, i32) {
    %c0_i32 = arith.constant 0 : i32
    %c0_i32_0 = arith.constant 0 : i32
    %c0_i32_1 = arith.constant 0 : i32
    return %c0_i32, %c0_i32_0 : i32, i32
  }
  func.func @transform_11(%arg0: i32) -> (i32, i32) {
    %c0_i32 = arith.constant 0 : i32
    %c0_i32_0 = arith.constant 0 : i32
    %c0_i32_1 = arith.constant 0 : i32
    return %c0_i32, %c0_i32_0 : i32, i32
  }
  func.func @transform_12(%arg0: i32) -> (i32, i32) {
    %c0_i32 = arith.constant 0 : i32
    %c0_i32_0 = arith.constant 0 : i32
    return %arg0, %c0_i32 : i32, i32
  }
}

</mosaic_0001>

<sc_bundles>
// kernel: kernel.11.cloned.1.call-start
scs
__scs_entry_jumppad:
0x0: {  	(pc) =	sbr.rel $0x88, $3  }
0x1: {  	(tag) =	ssettag $0x0;
	lr =	simm.s32 $0x1  }
0x2: {  	[smem:$0x3F8C] =	sst lr;
	_ =	strace $0xD0000000  }
0x3: {  	_ = 	snop  }
0x4: {  	_ = 	snop  }
0x5: {  	_ = 	snop  }
0x6: {  	_ = 	snop  }
0x7: {  	_ = 	snop  }
__scs_overlays_trampoline_lowered:
0x8: {  	[smem:$0x3F9B] =	sst s0  }
0x9: {  	[smem:$0x3F9C] =	sst s1  }
0xa: {  	[smem:$0x3F9D] =	sst s2  }
0xb: {  	[smem:$0x3F9E] =	sst s3  }
0xc: {  	[smem:$0x3F9F] =	sst s4  }
0xd: {  	[smem:$0x3FA0] =	sst s5  }
0xe: {  	[smem:$0x3FA1] =	sst s6  }
0xf: {  	[smem:$0x3FA2] =	sst s7  }
0x10: {  	[smem:$0x3FA3] =	sst s8  }
0x11: {  	[smem:$0x3FA4] =	sst s9;
	s0 =	simm.s32 @!p0 $0x0  }
0x12: {  	s1 =	sld [smem:$0x3F8A];
	s0 =	simm.s32 @p0 $0x1  }
0x13: {  	[smem:$0x3FA5] =	sst s0;
	s0 =	simm.s32 @!p1 $0x0  }
0x14: {  	s2 =	sld [smem:$0x3F89];
	s0 =	simm.s32 @p1 $0x1  }
0x15: {  	[smem:$0x3FA6] =	sst s0;
	s0 =	simm.s32 @!p2 $0x0  }
0x16: {  	s3 =	sld [smem:$0x3FDB];
	s0 =	simm.s32 @p2 $0x1  }
0x17: {  	s4 =	simm.s32 $0x1BF5;
	[smem:$0x3FA8] =	sst s0  }
0x18: {  	s0 =	sld [smem:$0x3F8B];
	_ =	swait.ge [sflag:s4], $0x0  }
0x19: {  	s7 =	sld [smem:$0x3F8C]  }
0x1a: {  	s8 =	sadd.s32 $0xFFFFE003, lr  }
0x1b: {  	s9 =	sadd.s32 $0xFFFFFEF7, lr;
	s5 =	simm.s32 $0xFFFFFFFF;
	p2 =	slt.u32 s8, $0xFFFFF086  }
0x1c: {  	p1 =	slt.u32 s9, $0xF7A;
	s5 =	simm.s32 @!p2 $0x0  }
0x1d: {  	s5 =	simm.s32 @p1 $0x1;
	p0 =	seq.s32 s7, s2  }
0x1e: {  	s7 =	smul.u32 @!p0 $0xF7A, s2;
	p2 =	seq.s32 @!p0 s5, $0x0  }
0x1f: {  	s9 =	smul.u32 $0xF7A, s1;
	s8 =	simm.s32 @!p0 $0x1BF5;
	p2 =	por !p2, p0  }
0x20: {  	[sflag:s8] =	ssyncset.s32 @!p0 $0xFFFFF086;
	s6 =	sadd.s32 @!p0 s3, s7;
	s7 =	simm.s32 @!p0 $0x108  }
0x21: {  	s3 =	sadd.s32 s3, s9;
	s6 =	sadd.s32 @!p0 $0x88, s6;
	s7 =	simm.s32 @p2 $0x1082  }
0x22: {  	[simem:s7], [sflag:s8] =	dma.local @!p0 [hbm:s6], $0xF7A  }
0x23: {  	s9 =	sor.u32 $0xD0000000, s2;
	s6 =	simm.s32 $0x108;
	_ =	swait.ge @!p0 [sflag:s8], $0x0  }
0x24: {  	s3 =	sadd.s32 $0x88, s3;
	s6 =	simm.s32 @!p1 $0x1082;
	[sflag:s4] =	ssyncset.s32 $0xFFFFF086  }
0x25: {  	[simem:s6], [sflag:s4] =	dma.local [hbm:s3], $0xF7A  }
0x26: {  	[smem:$0x3F8C] =	sst s1;
	(tag) =	ssettag s2;
	_ =	strace s9  }
0x27: {  	s1 =	sld [smem:$0x3F9C]  }
0x28: {  	s2 =	sld [smem:$0x3F9D]  }
0x29: {  	s4 =	sld [smem:$0x3F9F]  }
0x2a: {  	p0 =	seq.s32 s5, $0x0;
	s5 =	sld [smem:$0x3FA0]  }
0x2b: {  	s6 =	sld [smem:$0x3FA1]  }
0x2c: {  	s7 =	sld [smem:$0x3FA2]  }
0x2d: {  	s3 =	simm.s32 $0x108;
	s8 =	sld [smem:$0x3FA3]  }
0x2e: {  	s3 =	simm.s32 @!p0 $0x1082;
	s9 =	sld [smem:$0x3FA4]  }
0x2f: {  	lr =	sadd.s32 s0, s3;
	s0 =	sld [smem:$0x3F9B]  }
0x30: {  	s3 =	sld [smem:$0x3F9E]  }
0x31: {  	[smem:$0x3FA7] =	sst s10  }
0x32: {  	s10 =	sld [smem:$0x3FA5];
	_ =	sdelay $0x3  }
0x33: {  	p0 =	seq.s32 s10, $0x1;
	s10 =	sld [smem:$0x3FA7];
	_ =	sdelay $0x3  }
0x34: {  	[smem:$0x3FA7] =	sst s10  }
0x35: {  	s10 =	sld [smem:$0x3FA6];
	_ =	sdelay $0x3  }
0x36: {  	p1 =	seq.s32 s10, $0x1;
	s10 =	sld [smem:$0x3FA7];
	_ =	sdelay $0x3  }
0x37: {  	[smem:$0x3FA7] =	sst s10  }
0x38: {  	s10 =	sld [smem:$0x3FA8]  }
0x39: {  	_ = 	snop;
	(pc) =	sbr.ind lr, $3  }
0x3a: {  	_ = 	snop  }
0x3b: {  	_ = 	snop  }
0x3c: {  	p2 =	seq.s32 s10, $0x1;
	s10 =	sld [smem:$0x3FA7]  }
0x3d: {  	_ =	shalt  }
0x3e: {  	_ =	shalt  }
0x3f: {  	_ =	shalt  }
0x40: {  	_ =	shalt  }
0x41: {  	_ =	shalt  }
0x42: {  	_ =	shalt  }
0x43: {  	_ =	shalt  }
0x44: {  	_ =	shalt  }
0x45: {  	_ =	shalt  }
0x46: {  	_ =	shalt  }
0x47: {  	_ =	shalt  }
0x48: {  	_ =	shalt  }
0x49: {  	_ =	shalt  }
0x4a: {  	_ =	shalt  }
0x4b: {  	_ =	shalt  }
0x4c: {  	_ =	shalt  }
0x4d: {  	_ =	shalt  }
0x4e: {  	_ =	shalt  }
0x4f: {  	_ =	shalt  }
0x50: {  	_ =	shalt  }
0x51: {  	_ =	shalt  }
0x52: {  	_ =	shalt  }
0x53: {  	_ =	shalt  }
0x54: {  	_ =	shalt  }
0x55: {  	_ =	shalt  }
0x56: {  	_ =	shalt  }
0x57: {  	_ =	shalt  }
0x58: {  	_ =	shalt  }
0x59: {  	_ =	shalt  }
0x5a: {  	_ =	shalt  }
0x5b: {  	_ =	shalt  }
0x5c: {  	_ =	shalt  }
0x5d: {  	_ =	shalt  }
0x5e: {  	_ =	shalt  }
0x5f: {  	_ =	shalt  }
0x60: {  	_ =	shalt  }
0x61: {  	_ =	shalt  }
0x62: {  	_ =	shalt  }
0x63: {  	_ =	shalt  }
0x64: {  	_ =	shalt  }
0x65: {  	_ =	shalt  }
0x66: {  	_ =	shalt  }
0x67: {  	_ =	shalt  }
0x68: {  	_ =	shalt  }
0x69: {  	_ =	shalt  }
0x6a: {  	_ =	shalt  }
0x6b: {  	_ =	shalt  }
0x6c: {  	_ =	shalt  }
0x6d: {  	_ =	shalt  }
0x6e: {  	_ =	shalt  }
0x6f: {  	_ =	shalt  }
0x70: {  	_ =	shalt  }
0x71: {  	_ =	shalt  }
0x72: {  	_ =	shalt  }
0x73: {  	_ =	shalt  }
0x74: {  	_ =	shalt  }
0x75: {  	_ =	shalt  }
0x76: {  	_ =	shalt  }
0x77: {  	_ =	shalt  }
0x78: {  	_ =	shalt  }
0x79: {  	_ =	shalt  }
0x7a: {  	_ =	shalt  }
0x7b: {  	_ =	shalt  }
0x7c: {  	_ =	shalt  }
0x7d: {  	_ =	shalt  }
0x7e: {  	_ =	shalt  }
0x7f: {  	_ =	shalt  }
0x80: {  	_ =	shalt  }
0x81: {  	_ =	shalt  }
0x82: {  	_ =	shalt  }
0x83: {  	_ =	shalt  }
0x84: {  	_ =	shalt  }
0x85: {  	_ =	shalt  }
0x86: {  	_ =	shalt  }
0x87: {  	_ =	shalt  }
.Lfunc_end0:
.L_simem_size_0:
called_computation.1_lowered:
.L_overlay_start_0:
0x88: {  	s2 =	sld [smem:$0x3FD9]  }
0x89: {  	s3 =	sld [smem:$0x3FFE];
	_ =	sdelay $0x1  }
0x8a: {  	s1 =	srdreg.scid  }
0x8b: {  	s0 =	sand.u32 $0x1, s1  }
0x8c: {  	s17 =	sshll.u32 s0, $0xA;
	s2 =	sadd.s32 s3, s2  }
0x8d: {  	s2 =	sadd.s32 s2, s17  }
0x8e: {  	[smem:$0x3FB3] =	sst s2  }
0x8f: {  	_ = 	snop  }
0x90: {  	s2 =	sld [smem:$0x3FD0];
	(tm) =	ssettm $0x1  }
0x91: {  	s18 =	sld [smem:$0x3FFB];
	_ =	sdelay $0x3  }
0x92: {  	_ =	strace s18  }
0x93: {  	s3 =	sld [smem:$0x3FFC];
	_ =	sdelay $0x3  }
0x94: {  	_ =	strace s3  }
0x95: {  	s3 =	sld [smem:$0x3FFD];
	_ =	sdelay $0x3  }
0x96: {  	_ =	strace s3  }
0x97: {  	_ =	strace $0x8FFFFFFF  }
0x98: {  	s19 =	sld [smem:$0x3FDB];
	_ =	sdelay $0x1  }
0x99: {  	s4 =	simm.s32 $_scs_section_size  }
0x9a: {  	s5 =	simm.s32 $_size__tile_overlayer_lowered;
	s6 =	simm.s32 $_tile_overlayer_lowered  }
0x9b: {  	s22 =	simm.s32 $0x1BFF;
	s21 =	sshll.u32 s6, $0x1;
	s3 =	sadd.s32 s4, s19  }
0x9c: {  	s7 =	simm.s32 $0x0;
	s20 =	sshll.u32 s5, $0x1;
	s5 =	sadd.s32 s21, s3  }
0x9d: {  	[timem:s7], [sflag:s22] =	dma.local [hbm:s5], s20  }
0x9e: {  	_ =	swait.ge [sflag:s22], s20  }
0x9f: {  	s4 =	ssub.s32 $0x0, s20;
	[sflag:s22] =	ssyncset.done $0x0  }
0xa0: {  	[sflag:s22] =	ssyncadd.s32 s4;
	_ =	sdelay $0x1  }
0xa1: {  	s23 =	simm.s32 $0x1B8B  }
0xa2: {  	_ =	swait.ge [sflag:s23], $0x1  }
0xa3: {  	[sflag:s23] =	ssyncset.done $0x0  }
0xa4: {  	s25 =	simm.s32 $0x1B8E;
	s24 =	sld [smem:$0x3FFE];
	[sflag:s23] =	ssyncadd.s32 $0xFFFFFFFF  }
0xa5: {  	s26 =	simm.s32 $execute0_lowered;
	[smem:$0x3FD2] =	sst s25  }
0xa6: {  	s5 =	sshll.u32 s26, $0x1;
	_ =	strace $0x80000049;
	[dreg:$0x1] =	wrdreg $0xFFFFFFFF  }
0xa7: {  	s28 =	simm.s32 $_size_execute0_lowered;
	s3 =	sadd.s32 s3, s5;
	[dreg:$0x0] =	wrdreg $0x0  }
0xa8: {  	s5 =	sshll.u32 s28, $0x1;
	[dreg:$0x2] =	wrdreg s3  }
0xa9: {  	[dreg:$0x3] =	wrdreg s5  }
0xaa: {  	[dreg:$0x4] =	wrdreg $0xC0  }
0xab: {  	_ =	task [dreg:s7], $0x5FFFF  }
0xac: {  	[dreg:$0x1] =	wrdreg $0xFFFFFFFF  }
0xad: {  	[dreg:$0x0] =	wrdreg $0x60  }
0xae: {  	[dreg:$0x2] =	wrdreg s24  }
0xaf: {  	[dreg:$0x3] =	wrdreg s2  }
0xb0: {  	[dreg:$0x4] =	wrdreg $0xAA000  }
0xb1: {  	[dreg:$0x5] =	wrdreg $0x9  }
0xb2: {  	_ =	task.clear_ibuf [dreg:s7], $0x6FFFF;
	_ =	strace $0x90000049  }
0xb3: {  	s29 =	simm.s32 $0x9;
	_ =	strace $0x8000004B  }
0xb4: {  	_ =	swait.ge [sflag:s29], $0x1  }
0xb5: {  	[sflag:s29] =	ssyncadd.s32 $0xFFFFFFFF  }
0xb6: {  	_ =	strace $0x9000004B  }
0xb7: {  	_ =	sfence  }
0xb8: {  	s30 =	sld [smem:$0x0];
	_ =	sdelay $0x2  }
0xb9: {  	s31 =	sshll.u32 s1, $0xD;
	s1 =	sshrl.u32 s1, $0x2  }
0xba: {  	s3 =	sand.u32 $0x4000, s31;
	s1 =	sadd.s32 s1, s30  }
0xbb: {  	s0 =	sor.u32 s3, s0;
	s1 =	sshll.u32 s1, $0x11  }
0xbc: {  	s0 =	sor.u32 s1, s0  }
0xbd: {  	s0 =	sadd.s32 $0x8F2B, s0  }
0xbe: {  	[sflag:s0] =	ssyncadd.remote.s32 $0x1  }
0xbf: {  	_ =	sfence.sel $0xFFFF  }
0xc0: {  	[dreg:$0x0] =	wrdreg $0xFFFFFFFF;
	(pc) =	sbr.abs _section_cstart, $3  }
0xc1: {  	[dreg:$0x1] =	wrdreg $0xFFFFFFFF  }
0xc2: {  	_ =	task.clear_ibuf [dreg:s7], $0x2FFFF;
	_ =	strace $0x9FFFFFFF  }
0xc3: {  	(tm) =	ssettm $0x7FFFFFFF  }
tec
execute0_lowered:
.L_overlay_start_1:
0x0: {  	(tag) =	ssettag $0x1  }
0x1: {  	s0 =	rddreg [dreg:$0x0]  }
0x2: {  	s2 =	rddreg [dreg:$0x1]  }
0x3: {  	s1 =	rddreg [dreg:$0x2]  }
0x4: {  	s3 =	srdreg.scid;
	s11 =	stileid.u32;
	s28 =	simm.s32 $0x2980  }
0x5: {  	s29 =	simm.s32 $0x1;
	s30 =	simm.s32 $0x5;
	s31 =	simm.s32 $0x3  }
0x6: {  	s6 =	sand.u32 $0x1, s3;
	s3 =	simm.s32 $0x0;
	s8 =	smul.u32 $0x14000, s11  }
0x7: {  	s4 =	sadd.s32 $0x1AE00, s0;
	s5 =	sadd.s32 $0x4600, s0;
	s16 =	sadd.s32 $0x18600, s0  }
0x8: {  	s18 =	sshll.u32 s11, $0x7;
	s20 =	smul.u32 $0x50000, s11;
	s26 =	sshll.u32 s11, $0x6  }
0x9: {  	s7 =	smul.u32 $0x140000, s6;
	[smem:$0x7FF] =	sst s3;
	s9 =	sshll.u32 s6, $0x4  }
0xa: {  	s6 =	ssub.s32 $0x2, s6;
	s10 =	sand.u32 $0x380, s18;
	s18 =	simm.s32 $0x2A00  }
0xb: {  	_ =	strace $0x8000004A;
	s15 =	sor.u32 s11, s9;
	[dreg:$0x4] =	wrdreg s16  }
0xc: {  	s19 =	sshrl.u32 s6, $0x1;
	s24 =	sshrl.u32 s20, $0x2;
	s16 =	simm.s32 $0x9  }
0xd: {  	s20 =	simm.s32 $0x0;
	s7 =	sadd.s32 s8, s7;
	s17 =	sshrl.u32 s15, $0x3  }
0xe: {  	s6 =	ssub.s32 s6, s19;
	s19 =	simm.s32 $0x2800;
	s7 =	sshrl.u32 s7, $0x3  }
0xf: {  	s9 =	smul.u32 $0x14000, s17;
	s25 =	smax.u32 s6, $0x1;
	s17 =	simm.s32 $0x40  }
0x10: {  	s0 =	sadd.s32 s7, s0;
	s7 =	smul.u32 $0x5000, s15;
	[dreg:$0xa] =	wrdreg s25  }
0x11: {  	s15 =	simm.s32 $0x8;
	s9 =	sor.u32 s10, s9;
	s0 =	sadd.s32 $0xBC000, s0  }
0x12: {  	s10 =	sor.u32 $0x1C09, s26;
	s21 =	sshrl.u32 s9, $0x3;
	[dreg:$0x9] =	wrdreg s0  }
0x13: {  	s22 =	sshrl.u32 s7, $0x3;
	[dreg:$0xb] =	wrdreg s10;
	s2 =	sadd.s32 s2, s21  }
0x14: {  	s26 =	simm.s32 $0x8A00;
	s23 =	sadd.s32 s5, s22;
	[dreg:$0x5] =	wrdreg s2  }
0x15: {  	s0 =	simm.s32 $0x7;
	s9 =	sadd.s32 $0x10, s23;
	[dreg:$0x6] =	wrdreg s23  }
0x16: {  	s8 =	sadd.s32 $0x20, s23;
	s2 =	sadd.s32 s24, s1;
	[dreg:$0x7] =	wrdreg s9  }
0x17: {  	s22 =	simm.s32 $0x6A00;
	[dreg:$0x8] =	wrdreg s8;
	s11 =	sshrl.u32 s2, $0x3  }
0x18: {  	s23 =	simm.s32 $0x2900;
	s2 =	simm.s32 $0x4;
	[dreg:$0xc] =	wrdreg s11  }
.LBB2_1:
0x19: {  	s6 =	rddreg [dreg:$0x5];
	s8 =	simm.s32 $0x80;
	s9 =	simm.s32 $0x400  }
0x1a: {  	[tilespmem:s3], [sflag:$0x9] =	stream.strided.gather [hbm4b:s6+s8], $0x2800, s9, s8, $0x38;
	[tilespmem:$0x1EA00] =	vst v63  }
0x1b: {  	_ =	swait.ge [sflag:s16], $0x2800  }
0x1c: {  	[sflag:s16] =	ssyncset.done $0x0  }
0x1d: {  	[sflag:s16] =	ssyncadd.s32 $0xFFFFD800  }
0x1e: {  	[tilespmem:s18], [sflag:$0x1] =	stream.indirect.gather [hbm4b:s4+s17], $0x80, s3, s17, $0xb8;
	[tilespmem:$0x1EA00] =	vst v63  }
0x1f: {  	s14 =	rddreg [dreg:$0x6]  }
0x20: {  	[tilespmem:s19], [sflag:$0x5] =	stream.linear.gather [hbm4b:s14+s3], $0x80, $0x38;
	[tilespmem:$0x1EA00] =	vst v63  }
0x21: {  	s21 =	simm.s32 $0x4A00  }
0x22: {  	[tilespmem:s21], [sflag:$0x2] =	stream.indirect.gather [hbm4b:s4+s17], $0x80, s17, s17, $0xb8;
	[tilespmem:$0x1EA00] =	vst v63  }
0x23: {  	s25 =	simm.s32 $0x2880;
	s24 =	rddreg [dreg:$0x7]  }
0x24: {  	[tilespmem:s25], [sflag:$0x6] =	stream.linear.gather [hbm4b:s24+s3], $0x80, $0x38;
	[tilespmem:$0x1EA00] =	vst v63  }
0x25: {  	s9 =	rddreg [dreg:$0x8]  }
0x26: {  	[tilespmem:s22], [sflag:$0x3] =	stream.indirect.gather [hbm4b:s4+s17], $0x80, s8, s17, $0xb8;
	[tilespmem:$0x1EA00] =	vst v63  }
0x27: {  	s12 =	rddreg [dreg:$0x4]  }
0x28: {  	[tilespmem:s23], [sflag:$0x7] =	stream.linear.gather [hbm4b:s9+s3], $0x80, $0x38;
	[tilespmem:$0x1EA00] =	vst v63  }
0x29: {  	[spmem:s11], [sflag:s10] =	dma.local [hbm:s12], $0x2800  }
0x2a: {  	s13 =	sand.u32 $0x7C00, s3;
	s14 =	simm.s32 $0x180;
	_ =	swait.ge [sflag:s16], $0x2800  }
0x2b: {  	s6 =	sadd.s32 s7, s13;
	s8 =	sand.u32 $0x380, s14;
	[sflag:s16] =	ssyncset.done $0x0  }
0x2c: {  	s6 =	sor.u32 s6, s8;
	[sflag:s16] =	ssyncadd.s32 $0xFFFFD800  }
0x2d: {  	s21 =	simm.s32 $0xC0;
	s6 =	sshrl.u32 s6, $0x3;
	[bflag:$0x0] =	sbarrier.arrive $0xFFFF  }
0x2e: {  	[tilespmem:s26], [sflag:$0x4] =	stream.indirect.gather [hbm4b:s4+s17], $0x80, s21, s17, $0xb8;
	[tilespmem:$0x1EA00] =	vst v63  }
0x2f: {  	s6 =	sadd.s32 s5, s6  }
0x30: {  	[tilespmem:s28], [sflag:$0x8] =	stream.linear.gather [hbm4b:s6+s3], $0x80, $0x38;
	[tilespmem:$0x1EA00] =	vst v63  }
0x31: {  	_ =	swait.ge [sflag:s29], $0x2000  }
0x32: {  	[sflag:s29] =	ssyncset.done $0x0  }
0x33: {  	[sflag:s29] =	ssyncadd.s32 $0xFFFFE000  }
0x34: {  	_ =	swait.ge [sflag:s30], $0x80  }
0x35: {  	[sflag:s30] =	ssyncset.done $0x0  }
0x36: {  	[sflag:s30] =	ssyncadd.s32 $0xFFFFFF80  }
0x37: {  	[spmem:s1] =	stream.indirect.scatter.add.f32 [tilespmem:s18], [sflag:$0x9], $0x80, s19, s17, $0xb8;
	[tilespmem:$0x1EA00] =	vst v63  }
0x38: {  	_ =	swait.ge [sflag:s16], $0x2000  }
0x39: {  	p0 =	por $0x0, $0x0;
	[sflag:s16] =	ssyncset.done $0x0  }
0x3a: {  	s6 =	simm.s32 @p0 $0x2;
	[sflag:s16] =	ssyncadd.s32 $0xFFFFE000  }
0x3b: {  	_ =	swait.ge @p0 [sflag:s6], $0x2000  }
0x3c: {  	s14 =	simm.s32 @p0 $0x2880;
	s8 =	simm.s32 @!p0 $0x200;
	[sflag:s6] =	ssyncset.done @p0 $0x0  }
0x3d: {  	s10 =	sand.u32 @!p0 $0xFC00, s8;
	[sflag:s6] =	ssyncadd.s32 @p0 $0xFFFFE000;
	s6 =	simm.s32 @p0 $0x6  }
0x3e: {  	s8 =	sand.u32 @!p0 $0x200, s8;
	s10 =	sadd.s32 @!p0 s7, s10;
	_ =	swait.ge @p0 [sflag:s6], $0x80  }
0x3f: {  	s11 =	simm.s32 @p0 $0x9;
	s8 =	sor.u32 @!p0 s8, s10;
	[sflag:s6] =	ssyncset.done @p0 $0x0  }
0x40: {  	s10 =	simm.s32 @p0 $0x4A00;
	[sflag:s6] =	ssyncadd.s32 @p0 $0xFFFFFF80;
	s6 =	simm.s32 @p0 $0x40  }
0x41: {  	[spmem:s1] =	stream.indirect.scatter.add.f32 @p0 [tilespmem:s10], [sflag:$0x9], $0x80, s14, s6, $0xb8;
	[tilespmem:$0x1EA00] =	vst v63  }
0x42: {  	s6 =	sshrl.u32 @!p0 s8, $0x3;
	_ =	swait.ge @p0 [sflag:s11], $0x2000  }
0x43: {  	s8 =	simm.s32 @!p0 $0x2A00;
	s10 =	simm.s32 @!p0 $0x100;
	[sflag:s11] =	ssyncset.done @p0 $0x0  }
0x44: {  	s14 =	simm.s32 @!p0 $0x2;
	[sflag:s11] =	ssyncadd.s32 @p0 $0xFFFFE000;
	s11 =	simm.s32 @!p0 $0x40  }
0x45: {  	[tilespmem:s8], [sflag:$0x1] =	stream.indirect.gather @!p0 [hbm4b:s4+s11], $0x80, s10, s11, $0xb8;
	[tilespmem:$0x1EA00] =	vst v63  }
0x46: {  	s6 =	sadd.s32 @!p0 s5, s6;
	s8 =	simm.s32 @!p0 $0x0;
	s10 =	simm.s32 @!p0 $0x2800  }
0x47: {  	[tilespmem:s10], [sflag:$0x5] =	stream.linear.gather @!p0 [hbm4b:s6+s8], $0x80, $0x38;
	[tilespmem:$0x1EA00] =	vst v63  }
0x48: {  	_ =	swait.ge @!p0 [sflag:s14], $0x2000  }
0x49: {  	[sflag:s14] =	ssyncset.done @!p0 $0x0  }
0x4a: {  	s6 =	simm.s32 @!p0 $0x6;
	[sflag:s14] =	ssyncadd.s32 @!p0 $0xFFFFE000  }
0x4b: {  	_ =	swait.ge @!p0 [sflag:s6], $0x80  }
0x4c: {  	s10 =	simm.s32 @!p0 $0x9;
	[sflag:s6] =	ssyncset.done @!p0 $0x0  }
0x4d: {  	s14 =	simm.s32 @!p0 $0x4A00;
	[sflag:s6] =	ssyncadd.s32 @!p0 $0xFFFFFF80;
	s6 =	simm.s32 @!p0 $0x2880  }
0x4e: {  	[spmem:s1] =	stream.indirect.scatter.add.f32 @!p0 [tilespmem:s14], [sflag:$0x9], $0x80, s6, s11, $0xb8;
	[tilespmem:$0x1EA00] =	vst v63  }
0x4f: {  	_ =	swait.ge @!p0 [sflag:s10], $0x2000  }
0x50: {  	[sflag:s10] =	ssyncset.done @!p0 $0x0  }
0x51: {  	[sflag:s10] =	ssyncadd.s32 @!p0 $0xFFFFE000;
	s10 =	simm.s32 @!p0 $0x140  }
0x52: {  	[tilespmem:s14], [sflag:$0x2] =	stream.indirect.gather @!p0 [hbm4b:s4+s11], $0x80, s10, s11, $0xb8;
	[tilespmem:$0x1EA00] =	vst v63  }
0x53: {  	s10 =	simm.s32 @!p0 $0x280  }
0x54: {  	s14 =	sand.u32 @!p0 $0xFC00, s10  }
0x55: {  	s10 =	sand.u32 @!p0 $0x280, s10;
	s14 =	sadd.s32 @!p0 s7, s14  }
0x56: {  	s10 =	sor.u32 @!p0 s10, s14  }
0x57: {  	s10 =	sshrl.u32 @!p0 s10, $0x3  }
0x58: {  	s10 =	sadd.s32 @!p0 s5, s10  }
0x59: {  	[tilespmem:s6], [sflag:$0x6] =	stream.linear.gather @!p0 [hbm4b:s10+s8], $0x80, $0x38;
	[tilespmem:$0x1EA00] =	vst v63  }
0x5a: {  	_ =	swait.ge [sflag:s31], $0x2000  }
0x5b: {  	[sflag:s31] =	ssyncset.done $0x0  }
0x5c: {  	[sflag:s31] =	ssyncadd.s32 $0xFFFFE000  }
0x5d: {  	_ =	swait.ge [sflag:s0], $0x80  }
0x5e: {  	s6 =	simm.s32 @!p0 $0x300;
	[sflag:s0] =	ssyncset.done $0x0  }
0x5f: {  	s10 =	sand.u32 @!p0 $0xFC00, s6;
	[sflag:s0] =	ssyncadd.s32 $0xFFFFFF80  }
0x60: {  	[spmem:s1] =	stream.indirect.scatter.add.f32 [tilespmem:s22], [sflag:$0x9], $0x80, s23, s17, $0xb8;
	[tilespmem:$0x1EA00] =	vst v63  }
0x61: {  	s6 =	sand.u32 @!p0 $0x300, s6;
	s10 =	sadd.s32 @!p0 s7, s10;
	_ =	swait.ge [sflag:s16], $0x2000  }
0x62: {  	s14 =	simm.s32 @!p0 $0x6A00;
	s6 =	sor.u32 @!p0 s6, s10;
	[sflag:s16] =	ssyncset.done $0x0  }
0x63: {  	s10 =	simm.s32 @!p0 $0x180;
	s6 =	sshrl.u32 @!p0 s6, $0x3;
	[sflag:s16] =	ssyncadd.s32 $0xFFFFE000  }
0x64: {  	[tilespmem:s14], [sflag:$0x3] =	stream.indirect.gather @!p0 [hbm4b:s4+s11], $0x80, s10, s11, $0xb8;
	[tilespmem:$0x1EA00] =	vst v63  }
0x65: {  	s6 =	sadd.s32 @!p0 s5, s6;
	s10 =	simm.s32 @!p0 $0x2900  }
0x66: {  	[tilespmem:s10], [sflag:$0x7] =	stream.linear.gather @!p0 [hbm4b:s6+s8], $0x80, $0x38;
	[tilespmem:$0x1EA00] =	vst v63  }
0x67: {  	_ =	swait.ge [sflag:s2], $0x2000  }
0x68: {  	s25 =	simm.s32 $0x380;
	[sflag:s2] =	ssyncset.done $0x0  }
0x69: {  	s21 =	simm.s32 $0x1C0;
	s6 =	simm.s32 $0x200;
	[sflag:s2] =	ssyncadd.s32 $0xFFFFE000  }
0x6a: {  	s11 =	sand.u32 $0x380, s25;
	s24 =	sand.u32 $0x7C00, s6;
	_ =	swait.ge [sflag:s15], $0x80  }
0x6b: {  	s8 =	simm.s32 $0x400;
	s10 =	sadd.s32 s7, s24;
	[sflag:s15] =	ssyncset.done $0x0  }
.LBB2_2:
0x6c: {  	s10 =	sor.u32 s10, s11  }
0x6d: {  	[sflag:s15] =	ssyncadd.s32 $0xFFFFFF80;
	s14 =	smov.u32 s8;
	s8 =	sadd.s32 $0x200, s8  }
0x6e: {  	[spmem:s1] =	stream.indirect.scatter.add.f32 [tilespmem:s26], [sflag:$0x9], $0x80, s28, s17, $0xb8;
	[tilespmem:$0x1EA00] =	vst v63  }
0x6f: {  	p0 =	sne.s32 s8, $0x5000;
	s10 =	sshrl.u32 s10, $0x3;
	_ =	swait.ge [sflag:s16], $0x2000  }
0x70: {  	[sflag:s16] =	ssyncset.done $0x0  }
0x71: {  	[sflag:s16] =	ssyncadd.s32 $0xFFFFE000  }
0x72: {  	[tilespmem:s26], [sflag:$0x4] =	stream.indirect.gather [hbm4b:s4+s17], $0x80, s21, s17, $0xb8;
	[tilespmem:$0x1EA00] =	vst v63  }
0x73: {  	s10 =	sadd.s32 s5, s10  }
0x74: {  	[tilespmem:s28], [sflag:$0x8] =	stream.linear.gather [hbm4b:s10+s3], $0x80, $0x38;
	[tilespmem:$0x1EA00] =	vst v63  }
0x75: {  	_ =	swait.ge [sflag:s29], $0x2000  }
0x76: {  	[sflag:s29] =	ssyncset.done $0x0  }
0x77: {  	[sflag:s29] =	ssyncadd.s32 $0xFFFFE000  }
0x78: {  	_ =	swait.ge [sflag:s30], $0x80  }
0x79: {  	[sflag:s30] =	ssyncset.done $0x0  }
0x7a: {  	[sflag:s30] =	ssyncadd.s32 $0xFFFFFF80  }
0x7b: {  	[spmem:s1] =	stream.indirect.scatter.add.f32 [tilespmem:s18], [sflag:$0x9], $0x80, s19, s17, $0xb8;
	[tilespmem:$0x1EA00] =	vst v63  }
0x7c: {  	_ =	swait.ge [sflag:s16], $0x2000  }
0x7d: {  	p1 =	seq.s32 s6, $0x4E00;
	[sflag:s16] =	ssyncset.done $0x0  }
0x7e: {  	s11 =	sadd.s32 @!p1 $0x200, s6;
	s10 =	simm.s32 @p1 $0x2;
	[sflag:s16] =	ssyncadd.s32 $0xFFFFE000  }
0x7f: {  	s12 =	sand.u32 @!p1 $0xFC00, s11;
	s11 =	sand.u32 @!p1 $0x200, s11;
	_ =	swait.ge @p1 [sflag:s10], $0x2000  }
0x80: {  	s13 =	sadd.s32 @!p1 $0x280, s6;
	s12 =	sadd.s32 @!p1 s7, s12;
	[sflag:s10] =	ssyncset.done @p1 $0x0  }
0x81: {  	s9 =	sand.u32 @!p1 $0xFC00, s13;
	[sflag:s10] =	ssyncadd.s32 @p1 $0xFFFFE000;
	s10 =	simm.s32 @p1 $0x6  }
0x82: {  	s11 =	sor.u32 @!p1 s11, s12;
	s12 =	sand.u32 @!p1 $0x280, s13;
	_ =	swait.ge @p1 [sflag:s10], $0x80  }
0x83: {  	s24 =	simm.s32 @p1 $0x9;
	s13 =	simm.s32 @p1 $0x4A00;
	[sflag:s10] =	ssyncset.done @p1 $0x0  }
0x84: {  	s25 =	simm.s32 @p1 $0x2880;
	[sflag:s10] =	ssyncadd.s32 @p1 $0xFFFFFF80;
	s10 =	simm.s32 @p1 $0x40  }
0x85: {  	[spmem:s1] =	stream.indirect.scatter.add.f32 @p1 [tilespmem:s13], [sflag:$0x9], $0x80, s25, s10, $0xb8;
	[tilespmem:$0x1EA00] =	vst v63  }
0x86: {  	s9 =	sadd.s32 @!p1 s7, s9;
	s10 =	sshrl.u32 @!p1 s11, $0x3;
	_ =	swait.ge @p1 [sflag:s24], $0x2000  }
0x87: {  	s11 =	simm.s32 @!p1 $0x2A00;
	s13 =	sadd.s32 @!p1 s5, s10;
	[sflag:s24] =	ssyncset.done @p1 $0x0  }
0x88: {  	s10 =	simm.s32 @!p1 $0x40;
	[sflag:s24] =	ssyncadd.s32 @p1 $0xFFFFE000;
	s24 =	sadd.s32 @!p1 $0x40, s21  }
0x89: {  	[tilespmem:s11], [sflag:$0x1] =	stream.indirect.gather @!p1 [hbm4b:s4+s10], $0x80, s24, s10, $0xb8;
	[tilespmem:$0x1EA00] =	vst v63  }
0x8a: {  	s25 =	simm.s32 @!p1 $0x2;
	s11 =	simm.s32 @!p1 $0x0;
	s24 =	simm.s32 @!p1 $0x2800  }
0x8b: {  	[tilespmem:s24], [sflag:$0x5] =	stream.linear.gather @!p1 [hbm4b:s13+s11], $0x80, $0x38;
	[tilespmem:$0x1EA00] =	vst v63  }
0x8c: {  	s6 =	sadd.s32 @!p1 $0x300, s6;
	s9 =	sor.u32 @!p1 s12, s9;
	_ =	swait.ge @!p1 [sflag:s25], $0x2000  }
0x8d: {  	s12 =	sand.u32 @!p1 $0xFC00, s6;
	s9 =	sshrl.u32 @!p1 s9, $0x3;
	[sflag:s25] =	ssyncset.done @!p1 $0x0  }
0x8e: {  	s9 =	sadd.s32 @!p1 s5, s9;
	s13 =	simm.s32 @!p1 $0x6;
	[sflag:s25] =	ssyncadd.s32 @!p1 $0xFFFFE000  }
0x8f: {  	s6 =	sand.u32 @!p1 $0x300, s6;
	s12 =	sadd.s32 @!p1 s7, s12;
	_ =	swait.ge @!p1 [sflag:s13], $0x80  }
0x90: {  	s6 =	sor.u32 @!p1 s6, s12;
	s24 =	simm.s32 @!p1 $0x9;
	[sflag:s13] =	ssyncset.done @!p1 $0x0  }
0x91: {  	s12 =	simm.s32 @!p1 $0x2880;
	[sflag:s13] =	ssyncadd.s32 @!p1 $0xFFFFFF80;
	s13 =	simm.s32 @!p1 $0x4A00  }
0x92: {  	[spmem:s1] =	stream.indirect.scatter.add.f32 @!p1 [tilespmem:s13], [sflag:$0x9], $0x80, s12, s10, $0xb8;
	[tilespmem:$0x1EA00] =	vst v63  }
0x93: {  	s25 =	sshrl.u32 @!p1 s6, $0x3;
	s6 =	smov.u32 s14;
	_ =	swait.ge @!p1 [sflag:s24], $0x2000  }
0x94: {  	s14 =	sadd.s32 @!p1 s5, s25;
	[sflag:s24] =	ssyncset.done @!p1 $0x0  }
0x95: {  	[sflag:s24] =	ssyncadd.s32 @!p1 $0xFFFFE000;
	s24 =	sadd.s32 @!p1 $0x80, s21  }
0x96: {  	[tilespmem:s13], [sflag:$0x2] =	stream.indirect.gather @!p1 [hbm4b:s4+s10], $0x80, s24, s10, $0xb8;
	[tilespmem:$0x1EA00] =	vst v63  }
0x97: {  	_ = 	snop  }
0x98: {  	[tilespmem:s12], [sflag:$0x6] =	stream.linear.gather @!p1 [hbm4b:s9+s11], $0x80, $0x38;
	[tilespmem:$0x1EA00] =	vst v63  }
0x99: {  	_ =	swait.ge [sflag:s31], $0x2000  }
0x9a: {  	[sflag:s31] =	ssyncset.done $0x0  }
0x9b: {  	[sflag:s31] =	ssyncadd.s32 $0xFFFFE000  }
0x9c: {  	_ =	swait.ge [sflag:s0], $0x80  }
0x9d: {  	[sflag:s0] =	ssyncset.done $0x0  }
0x9e: {  	[sflag:s0] =	ssyncadd.s32 $0xFFFFFF80  }
0x9f: {  	[spmem:s1] =	stream.indirect.scatter.add.f32 [tilespmem:s22], [sflag:$0x9], $0x80, s23, s17, $0xb8;
	[tilespmem:$0x1EA00] =	vst v63  }
0xa0: {  	_ =	swait.ge [sflag:s16], $0x2000  }
0xa1: {  	[sflag:s16] =	ssyncset.done $0x0  }
0xa2: {  	s9 =	sadd.s32 @!p1 $0xC0, s21;
	s12 =	simm.s32 @!p1 $0x6A00;
	[sflag:s16] =	ssyncadd.s32 $0xFFFFE000  }
0xa3: {  	[tilespmem:s12], [sflag:$0x3] =	stream.indirect.gather @!p1 [hbm4b:s4+s10], $0x80, s9, s10, $0xb8;
	[tilespmem:$0x1EA00] =	vst v63  }
0xa4: {  	s9 =	simm.s32 @!p1 $0x2900  }
0xa5: {  	[tilespmem:s9], [sflag:$0x7] =	stream.linear.gather @!p1 [hbm4b:s14+s11], $0x80, $0x38;
	[tilespmem:$0x1EA00] =	vst v63  }
.Ltmp0:
0xa6: {  	_ =	swait.ge [sflag:s2], $0x2000;
	(pc) =	sbr.rel @p0 .LBB2_2-.Ltmp0, $4  }
0xa7: {  	[sflag:s2] =	ssyncset.done $0x0  }
0xa8: {  	s21 =	sadd.s32 $0x100, s21;
	[sflag:s2] =	ssyncadd.s32 $0xFFFFE000  }
0xa9: {  	s9 =	sand.u32 $0x7C00, s6;
	s11 =	sadd.s32 $0x180, s6;
	_ =	swait.ge [sflag:s15], $0x80  }
0xaa: {  	s10 =	sadd.s32 s7, s9;
	s11 =	sand.u32 $0x380, s11;
	[sflag:s15] =	ssyncset.done $0x0  }
0xab: {  	[sflag:s15] =	ssyncadd.s32 $0xFFFFFF80  }
0xac: {  	[spmem:s1] =	stream.indirect.scatter.add.f32 [tilespmem:s26], [sflag:$0x9], $0x80, s28, s17, $0xb8;
	[tilespmem:$0x1EA00] =	vst v63  }
0xad: {  	_ =	swait.ge [sflag:s16], $0x2000  }
0xae: {  	s8 =	sor.u32 s10, s11;
	[sflag:s16] =	ssyncset.done $0x0  }
0xaf: {  	s8 =	sshrl.u32 s8, $0x3;
	[sflag:s16] =	ssyncadd.s32 $0xFFFFE000  }
0xb0: {  	[tilespmem:s26], [sflag:$0x4] =	stream.indirect.gather [hbm4b:s4+s17], $0x80, s21, s17, $0xb8;
	[tilespmem:$0x1EA00] =	vst v63  }
0xb1: {  	s8 =	sadd.s32 s5, s8  }
0xb2: {  	[tilespmem:s28], [sflag:$0x8] =	stream.linear.gather [hbm4b:s8+s3], $0x80, $0x38;
	[tilespmem:$0x1EA00] =	vst v63  }
0xb3: {  	_ =	swait.ge [sflag:s29], $0x2000  }
0xb4: {  	[sflag:s29] =	ssyncset.done $0x0  }
0xb5: {  	[sflag:s29] =	ssyncadd.s32 $0xFFFFE000  }
0xb6: {  	_ =	swait.ge [sflag:s30], $0x80  }
0xb7: {  	[sflag:s30] =	ssyncset.done $0x0  }
0xb8: {  	[sflag:s30] =	ssyncadd.s32 $0xFFFFFF80  }
0xb9: {  	[spmem:s1] =	stream.indirect.scatter.add.f32 [tilespmem:s18], [sflag:$0x9], $0x80, s19, s17, $0xb8;
	[tilespmem:$0x1EA00] =	vst v63  }
0xba: {  	_ =	swait.ge [sflag:s16], $0x2000  }
0xbb: {  	p0 =	seq.s32 s6, $0x4E00;
	[sflag:s16] =	ssyncset.done $0x0  }
0xbc: {  	s8 =	simm.s32 @p0 $0x2;
	[sflag:s16] =	ssyncadd.s32 $0xFFFFE000  }
0xbd: {  	_ =	swait.ge @p0 [sflag:s8], $0x2000  }
0xbe: {  	s9 =	sadd.s32 @!p0 $0x200, s6;
	s11 =	simm.s32 @p0 $0x9;
	[sflag:s8] =	ssyncset.done @p0 $0x0  }
0xbf: {  	s10 =	sand.u32 @!p0 $0xFC00, s9;
	[sflag:s8] =	ssyncadd.s32 @p0 $0xFFFFE000;
	s8 =	simm.s32 @p0 $0x6  }
0xc0: {  	s9 =	sand.u32 @!p0 $0x200, s9;
	s10 =	sadd.s32 @!p0 s7, s10;
	_ =	swait.ge @p0 [sflag:s8], $0x80  }
0xc1: {  	s12 =	simm.s32 @p0 $0x2880;
	s9 =	sor.u32 @!p0 s9, s10;
	[sflag:s8] =	ssyncset.done @p0 $0x0  }
0xc2: {  	s10 =	simm.s32 @p0 $0x4A00;
	[sflag:s8] =	ssyncadd.s32 @p0 $0xFFFFFF80;
	s8 =	simm.s32 @p0 $0x40  }
0xc3: {  	[spmem:s1] =	stream.indirect.scatter.add.f32 @p0 [tilespmem:s10], [sflag:$0x9], $0x80, s12, s8, $0xb8;
	[tilespmem:$0x1EA00] =	vst v63  }
0xc4: {  	s8 =	sshrl.u32 @!p0 s9, $0x3;
	_ =	swait.ge @p0 [sflag:s11], $0x2000  }
0xc5: {  	s9 =	simm.s32 @!p0 $0x2A00;
	s10 =	sadd.s32 @!p0 $0x40, s21;
	[sflag:s11] =	ssyncset.done @p0 $0x0  }
0xc6: {  	s12 =	simm.s32 @!p0 $0x2;
	[sflag:s11] =	ssyncadd.s32 @p0 $0xFFFFE000;
	s11 =	simm.s32 @!p0 $0x40  }
0xc7: {  	[tilespmem:s9], [sflag:$0x1] =	stream.indirect.gather @!p0 [hbm4b:s4+s11], $0x80, s10, s11, $0xb8;
	[tilespmem:$0x1EA00] =	vst v63  }
0xc8: {  	s8 =	sadd.s32 @!p0 s5, s8;
	s9 =	simm.s32 @!p0 $0x0;
	s10 =	simm.s32 @!p0 $0x2800  }
0xc9: {  	[tilespmem:s10], [sflag:$0x5] =	stream.linear.gather @!p0 [hbm4b:s8+s9], $0x80, $0x38;
	[tilespmem:$0x1EA00] =	vst v63  }
0xca: {  	_ =	swait.ge @!p0 [sflag:s12], $0x2000  }
0xcb: {  	[sflag:s12] =	ssyncset.done @!p0 $0x0  }
0xcc: {  	s8 =	simm.s32 @!p0 $0x6;
	[sflag:s12] =	ssyncadd.s32 @!p0 $0xFFFFE000  }
0xcd: {  	_ =	swait.ge @!p0 [sflag:s8], $0x80  }
0xce: {  	s10 =	simm.s32 @!p0 $0x9;
	[sflag:s8] =	ssyncset.done @!p0 $0x0  }
0xcf: {  	s12 =	simm.s32 @!p0 $0x4A00;
	[sflag:s8] =	ssyncadd.s32 @!p0 $0xFFFFFF80;
	s8 =	simm.s32 @!p0 $0x2880  }
0xd0: {  	[spmem:s1] =	stream.indirect.scatter.add.f32 @!p0 [tilespmem:s12], [sflag:$0x9], $0x80, s8, s11, $0xb8;
	[tilespmem:$0x1EA00] =	vst v63  }
0xd1: {  	_ =	swait.ge @!p0 [sflag:s10], $0x2000  }
0xd2: {  	[sflag:s10] =	ssyncset.done @!p0 $0x0  }
0xd3: {  	[sflag:s10] =	ssyncadd.s32 @!p0 $0xFFFFE000;
	s10 =	sadd.s32 @!p0 $0x80, s21  }
0xd4: {  	[tilespmem:s12], [sflag:$0x2] =	stream.indirect.gather @!p0 [hbm4b:s4+s11], $0x80, s10, s11, $0xb8;
	[tilespmem:$0x1EA00] =	vst v63  }
0xd5: {  	s10 =	sadd.s32 @!p0 $0x280, s6  }
0xd6: {  	s12 =	sand.u32 @!p0 $0xFC00, s10  }
0xd7: {  	s10 =	sand.u32 @!p0 $0x280, s10;
	s12 =	sadd.s32 @!p0 s7, s12  }
0xd8: {  	s10 =	sor.u32 @!p0 s10, s12  }
0xd9: {  	s10 =	sshrl.u32 @!p0 s10, $0x3  }
0xda: {  	s10 =	sadd.s32 @!p0 s5, s10  }
0xdb: {  	[tilespmem:s8], [sflag:$0x6] =	stream.linear.gather @!p0 [hbm4b:s10+s9], $0x80, $0x38;
	[tilespmem:$0x1EA00] =	vst v63  }
0xdc: {  	_ =	swait.ge [sflag:s31], $0x2000  }
0xdd: {  	[sflag:s31] =	ssyncset.done $0x0  }
0xde: {  	[sflag:s31] =	ssyncadd.s32 $0xFFFFE000  }
0xdf: {  	_ =	swait.ge [sflag:s0], $0x80  }
0xe0: {  	[sflag:s0] =	ssyncset.done $0x0  }
0xe1: {  	[sflag:s0] =	ssyncadd.s32 $0xFFFFFF80  }
0xe2: {  	[spmem:s1] =	stream.indirect.scatter.add.f32 [tilespmem:s22], [sflag:$0x9], $0x80, s23, s17, $0xb8;
	[tilespmem:$0x1EA00] =	vst v63  }
0xe3: {  	_ =	swait.ge [sflag:s16], $0x2000  }
0xe4: {  	s6 =	sadd.s32 @!p0 $0x300, s6;
	[sflag:s16] =	ssyncset.done $0x0  }
0xe5: {  	s8 =	sadd.s32 @!p0 $0xC0, s21;
	s10 =	simm.s32 @!p0 $0x6A00;
	[sflag:s16] =	ssyncadd.s32 $0xFFFFE000  }
0xe6: {  	[tilespmem:s10], [sflag:$0x3] =	stream.indirect.gather @!p0 [hbm4b:s4+s11], $0x80, s8, s11, $0xb8;
	[tilespmem:$0x1EA00] =	vst v63  }
0xe7: {  	s8 =	sand.u32 @!p0 $0xFC00, s6  }
0xe8: {  	s6 =	sand.u32 @!p0 $0x300, s6;
	s8 =	sadd.s32 @!p0 s7, s8  }
0xe9: {  	s6 =	sor.u32 @!p0 s6, s8  }
0xea: {  	s6 =	sshrl.u32 @!p0 s6, $0x3  }
0xeb: {  	s8 =	simm.s32 @!p0 $0x2900;
	s6 =	sadd.s32 @!p0 s5, s6  }
0xec: {  	[tilespmem:s8], [sflag:$0x7] =	stream.linear.gather @!p0 [hbm4b:s6+s9], $0x80, $0x38;
	[tilespmem:$0x1EA00] =	vst v63  }
0xed: {  	_ =	swait.ge [sflag:s2], $0x2000  }
0xee: {  	[sflag:s2] =	ssyncset.done $0x0  }
0xef: {  	[sflag:s2] =	ssyncadd.s32 $0xFFFFE000  }
0xf0: {  	_ =	swait.ge [sflag:s15], $0x80  }
0xf1: {  	[sflag:s15] =	ssyncset.done $0x0  }
0xf2: {  	[sflag:s15] =	ssyncadd.s32 $0xFFFFFF80  }
0xf3: {  	[spmem:s1] =	stream.indirect.scatter.add.f32 [tilespmem:s26], [sflag:$0x9], $0x80, s28, s17, $0xb8;
	[tilespmem:$0x1EA00] =	vst v63  }
0xf4: {  	_ =	swait.ge [sflag:s16], $0x2000  }
0xf5: {  	[sflag:s16] =	ssyncset.done $0x0  }
0xf6: {  	[sflag:s16] =	ssyncadd.s32 $0xFFFFE000  }
0xf7: {  	[bflag:$0x0] =	sbarrier.arrive $0xFFFF  }
0xf8: {  	s24 =	rddreg [dreg:$0x9]  }
0xf9: {  	s10 =	rddreg [dreg:$0xb]  }
0xfa: {  	s11 =	rddreg [dreg:$0xc]  }
0xfb: {  	[hbm:s24], [sflag:s10] =	dma.local [spmem:s11], $0x2800  }
0xfc: {  	_ =	swait.ge [sflag:s16], $0x2800  }
0xfd: {  	s20 =	sadd.s32 $0x1, s20;
	s25 =	rddreg [dreg:$0xa]  }
0xfe: {  	p0 =	sne.s32 s20, s25  }
.Ltmp1:
0xff: {  	_ = 	snop;
	(pc) =	sbr.rel @p0 .LBB2_1-.Ltmp1, $3  }
0x100: {  	_ =	sdelay $0x1  }
0x101: {  	[sflag:s16] =	ssyncset.done $0x0  }
0x102: {  	[sflag:s16] =	ssyncadd.s32 $0xFFFFD800  }
0x103: {  	_ =	sfence.sel $0x180000  }
0x104: {  	[bflag:$0x0] =	sbarrier.arrive $0xFFFF  }
0x105: {  	_ =	strace $0x9000004A  }
0x106: {  	s0 =	stileid.u32;
	[bflag:$0x2] =	sbarrier.arrive $0xFFFF  }
0x107: {  	p0 =	sne.s32 s0, $0x0;
	s0 =	rddreg [dreg:$0x3]  }
0x108: {  	s0 =	sadd.s32 @!p0 $0x100000, s0  }
0x109: {  	[sflag:s0] =	ssyncadd.tile.s32 @!p0 $0x1;
	_ =	shalt  }
.Lfunc_end2:
_tile_overlayer_lowered:
.L_overlay_start_2:
0x10a: {  	(tag) =	ssettag $0x2  }
0x10b: {  	s0 =	rddreg [dreg:$0x0];
	s2 =	stileid.u32  }
0x10c: {  	s1 =	rddreg [dreg:$0x1];
	p0 =	sne.s32 s2, $0x0  }
0x10d: {  	s3 =	rddreg [dreg:$0x2];
	[bflag:$0x3] =	sbarrier.arrive $0xFFFF;
	s2 =	simm.s32 @!p0 $0x1C09  }
0x10e: {  	[timem:s3], [sflag:s2] =	dma.local @!p0 [hbm:s0], s1  }
0x10f: {  	s0 =	simm.s32 @!p0 $0x9  }
0x110: {  	_ =	swait.ge @!p0 [sflag:s0], s1  }
0x111: {  	s1 =	ssub.s32 @!p0 $0x0, s1;
	[sflag:s0] =	ssyncset.done @!p0 $0x0  }
0x112: {  	[sflag:s0] =	ssyncadd.s32 @!p0 s1  }
0x113: {  	[bflag:$0x3] =	sbarrier.arrive $0xFFFF  }
0x114: {  	_ =	shalt  }

// kernel: kernel.14.cloned.1.call-start
scs
__scs_entry_jumppad:
0x0: {  	(pc) =	sbr.rel $0x88, $3  }
0x1: {  	(tag) =	ssettag $0x0;
	lr =	simm.s32 $0x1  }
0x2: {  	[smem:$0x3F8C] =	sst lr;
	_ =	strace $0xD0000000  }
0x3: {  	_ = 	snop  }
0x4: {  	_ = 	snop  }
0x5: {  	_ = 	snop  }
0x6: {  	_ = 	snop  }
0x7: {  	_ = 	snop  }
__scs_overlays_trampoline_lowered:
0x8: {  	[smem:$0x3F9B] =	sst s0  }
0x9: {  	[smem:$0x3F9C] =	sst s1  }
0xa: {  	[smem:$0x3F9D] =	sst s2  }
0xb: {  	[smem:$0x3F9E] =	sst s3  }
0xc: {  	[smem:$0x3F9F] =	sst s4  }
0xd: {  	[smem:$0x3FA0] =	sst s5  }
0xe: {  	[smem:$0x3FA1] =	sst s6  }
0xf: {  	[smem:$0x3FA2] =	sst s7  }
0x10: {  	[smem:$0x3FA3] =	sst s8  }
0x11: {  	[smem:$0x3FA4] =	sst s9;
	s0 =	simm.s32 @!p0 $0x0  }
0x12: {  	s1 =	sld [smem:$0x3F8A];
	s0 =	simm.s32 @p0 $0x1  }
0x13: {  	[smem:$0x3FA5] =	sst s0;
	s0 =	simm.s32 @!p1 $0x0  }
0x14: {  	s2 =	sld [smem:$0x3F89];
	s0 =	simm.s32 @p1 $0x1  }
0x15: {  	[smem:$0x3FA6] =	sst s0;
	s0 =	simm.s32 @!p2 $0x0  }
0x16: {  	s3 =	sld [smem:$0x3FDB];
	s0 =	simm.s32 @p2 $0x1  }
0x17: {  	s4 =	simm.s32 $0x1BF5;
	[smem:$0x3FA8] =	sst s0  }
0x18: {  	s0 =	sld [smem:$0x3F8B];
	_ =	swait.ge [sflag:s4], $0x0  }
0x19: {  	s7 =	sld [smem:$0x3F8C]  }
0x1a: {  	s8 =	sadd.s32 $0xFFFFE003, lr  }
0x1b: {  	s9 =	sadd.s32 $0xFFFFFEF7, lr;
	s5 =	simm.s32 $0xFFFFFFFF;
	p2 =	slt.u32 s8, $0xFFFFF086  }
0x1c: {  	p1 =	slt.u32 s9, $0xF7A;
	s5 =	simm.s32 @!p2 $0x0  }
0x1d: {  	s5 =	simm.s32 @p1 $0x1;
	p0 =	seq.s32 s7, s2  }
0x1e: {  	s7 =	smul.u32 @!p0 $0xF7A, s2;
	p2 =	seq.s32 @!p0 s5, $0x0  }
0x1f: {  	s9 =	smul.u32 $0xF7A, s1;
	s8 =	simm.s32 @!p0 $0x1BF5;
	p2 =	por !p2, p0  }
0x20: {  	[sflag:s8] =	ssyncset.s32 @!p0 $0xFFFFF086;
	s6 =	sadd.s32 @!p0 s3, s7;
	s7 =	simm.s32 @!p0 $0x108  }
0x21: {  	s3 =	sadd.s32 s3, s9;
	s6 =	sadd.s32 @!p0 $0x88, s6;
	s7 =	simm.s32 @p2 $0x1082  }
0x22: {  	[simem:s7], [sflag:s8] =	dma.local @!p0 [hbm:s6], $0xF7A  }
0x23: {  	s9 =	sor.u32 $0xD0000000, s2;
	s6 =	simm.s32 $0x108;
	_ =	swait.ge @!p0 [sflag:s8], $0x0  }
0x24: {  	s3 =	sadd.s32 $0x88, s3;
	s6 =	simm.s32 @!p1 $0x1082;
	[sflag:s4] =	ssyncset.s32 $0xFFFFF086  }
0x25: {  	[simem:s6], [sflag:s4] =	dma.local [hbm:s3], $0xF7A  }
0x26: {  	[smem:$0x3F8C] =	sst s1;
	(tag) =	ssettag s2;
	_ =	strace s9  }
0x27: {  	s1 =	sld [smem:$0x3F9C]  }
0x28: {  	s2 =	sld [smem:$0x3F9D]  }
0x29: {  	s4 =	sld [smem:$0x3F9F]  }
0x2a: {  	p0 =	seq.s32 s5, $0x0;
	s5 =	sld [smem:$0x3FA0]  }
0x2b: {  	s6 =	sld [smem:$0x3FA1]  }
0x2c: {  	s7 =	sld [smem:$0x3FA2]  }
0x2d: {  	s3 =	simm.s32 $0x108;
	s8 =	sld [smem:$0x3FA3]  }
0x2e: {  	s3 =	simm.s32 @!p0 $0x1082;
	s9 =	sld [smem:$0x3FA4]  }
0x2f: {  	lr =	sadd.s32 s0, s3;
	s0 =	sld [smem:$0x3F9B]  }
0x30: {  	s3 =	sld [smem:$0x3F9E]  }
0x31: {  	[smem:$0x3FA7] =	sst s10  }
0x32: {  	s10 =	sld [smem:$0x3FA5];
	_ =	sdelay $0x3  }
0x33: {  	p0 =	seq.s32 s10, $0x1;
	s10 =	sld [smem:$0x3FA7];
	_ =	sdelay $0x3  }
0x34: {  	[smem:$0x3FA7] =	sst s10  }
0x35: {  	s10 =	sld [smem:$0x3FA6];
	_ =	sdelay $0x3  }
0x36: {  	p1 =	seq.s32 s10, $0x1;
	s10 =	sld [smem:$0x3FA7];
	_ =	sdelay $0x3  }
0x37: {  	[smem:$0x3FA7] =	sst s10  }
0x38: {  	s10 =	sld [smem:$0x3FA8]  }
0x39: {  	_ = 	snop;
	(pc) =	sbr.ind lr, $3  }
0x3a: {  	_ = 	snop  }
0x3b: {  	_ = 	snop  }
0x3c: {  	p2 =	seq.s32 s10, $0x1;
	s10 =	sld [smem:$0x3FA7]  }
0x3d: {  	_ =	shalt  }
0x3e: {  	_ =	shalt  }
0x3f: {  	_ =	shalt  }
0x40: {  	_ =	shalt  }
0x41: {  	_ =	shalt  }
0x42: {  	_ =	shalt  }
0x43: {  	_ =	shalt  }
0x44: {  	_ =	shalt  }
0x45: {  	_ =	shalt  }
0x46: {  	_ =	shalt  }
0x47: {  	_ =	shalt  }
0x48: {  	_ =	shalt  }
0x49: {  	_ =	shalt  }
0x4a: {  	_ =	shalt  }
0x4b: {  	_ =	shalt  }
0x4c: {  	_ =	shalt  }
0x4d: {  	_ =	shalt  }
0x4e: {  	_ =	shalt  }
0x4f: {  	_ =	shalt  }
0x50: {  	_ =	shalt  }
0x51: {  	_ =	shalt  }
0x52: {  	_ =	shalt  }
0x53: {  	_ =	shalt  }
0x54: {  	_ =	shalt  }
0x55: {  	_ =	shalt  }
0x56: {  	_ =	shalt  }
0x57: {  	_ =	shalt  }
0x58: {  	_ =	shalt  }
0x59: {  	_ =	shalt  }
0x5a: {  	_ =	shalt  }
0x5b: {  	_ =	shalt  }
0x5c: {  	_ =	shalt  }
0x5d: {  	_ =	shalt  }
0x5e: {  	_ =	shalt  }
0x5f: {  	_ =	shalt  }
0x60: {  	_ =	shalt  }
0x61: {  	_ =	shalt  }
0x62: {  	_ =	shalt  }
0x63: {  	_ =	shalt  }
0x64: {  	_ =	shalt  }
0x65: {  	_ =	shalt  }
0x66: {  	_ =	shalt  }
0x67: {  	_ =	shalt  }
0x68: {  	_ =	shalt  }
0x69: {  	_ =	shalt  }
0x6a: {  	_ =	shalt  }
0x6b: {  	_ =	shalt  }
0x6c: {  	_ =	shalt  }
0x6d: {  	_ =	shalt  }
0x6e: {  	_ =	shalt  }
0x6f: {  	_ =	shalt  }
0x70: {  	_ =	shalt  }
0x71: {  	_ =	shalt  }
0x72: {  	_ =	shalt  }
0x73: {  	_ =	shalt  }
0x74: {  	_ =	shalt  }
0x75: {  	_ =	shalt  }
0x76: {  	_ =	shalt  }
0x77: {  	_ =	shalt  }
0x78: {  	_ =	shalt  }
0x79: {  	_ =	shalt  }
0x7a: {  	_ =	shalt  }
0x7b: {  	_ =	shalt  }
0x7c: {  	_ =	shalt  }
0x7d: {  	_ =	shalt  }
0x7e: {  	_ =	shalt  }
0x7f: {  	_ =	shalt  }
0x80: {  	_ =	shalt  }
0x81: {  	_ =	shalt  }
0x82: {  	_ =	shalt  }
0x83: {  	_ =	shalt  }
0x84: {  	_ =	shalt  }
0x85: {  	_ =	shalt  }
0x86: {  	_ =	shalt  }
0x87: {  	_ =	shalt  }
.Lfunc_end0:
.L_simem_size_0:
called_computation.2_lowered:
.L_overlay_start_0:
0x88: {  	s2 =	sld [smem:$0x3FD9]  }
0x89: {  	s3 =	sld [smem:$0x3FFE];
	_ =	sdelay $0x1  }
0x8a: {  	s1 =	srdreg.scid  }
0x8b: {  	s0 =	sand.u32 $0x1, s1  }
0x8c: {  	s17 =	sshll.u32 s0, $0xA;
	s2 =	sadd.s32 s3, s2  }
0x8d: {  	s2 =	sadd.s32 s2, s17  }
0x8e: {  	[smem:$0x3FB3] =	sst s2  }
0x8f: {  	_ = 	snop  }
0x90: {  	s2 =	sld [smem:$0x3FD0];
	(tm) =	ssettm $0x1  }
0x91: {  	s18 =	sld [smem:$0x3FFB];
	_ =	sdelay $0x3  }
0x92: {  	_ =	strace s18  }
0x93: {  	s3 =	sld [smem:$0x3FFC];
	_ =	sdelay $0x3  }
0x94: {  	_ =	strace s3  }
0x95: {  	s3 =	sld [smem:$0x3FFD];
	_ =	sdelay $0x3  }
0x96: {  	_ =	strace s3  }
0x97: {  	_ =	strace $0x8FFFFFFF  }
0x98: {  	s19 =	sld [smem:$0x3FDB];
	_ =	sdelay $0x1  }
0x99: {  	s4 =	simm.s32 $_scs_section_size  }
0x9a: {  	s5 =	simm.s32 $_size__tile_overlayer_lowered;
	s6 =	simm.s32 $_tile_overlayer_lowered  }
0x9b: {  	s22 =	simm.s32 $0x1BFF;
	s21 =	sshll.u32 s6, $0x1;
	s3 =	sadd.s32 s4, s19  }
0x9c: {  	s7 =	simm.s32 $0x0;
	s20 =	sshll.u32 s5, $0x1;
	s5 =	sadd.s32 s21, s3  }
0x9d: {  	[timem:s7], [sflag:s22] =	dma.local [hbm:s5], s20  }
0x9e: {  	_ =	swait.ge [sflag:s22], s20  }
0x9f: {  	s4 =	ssub.s32 $0x0, s20;
	[sflag:s22] =	ssyncset.done $0x0  }
0xa0: {  	[sflag:s22] =	ssyncadd.s32 s4;
	_ =	sdelay $0x1  }
0xa1: {  	s23 =	simm.s32 $0x1B8B  }
0xa2: {  	_ =	swait.ge [sflag:s23], $0x1  }
0xa3: {  	[sflag:s23] =	ssyncset.done $0x0  }
0xa4: {  	s25 =	simm.s32 $0x1B8E;
	s24 =	sld [smem:$0x3FFE];
	[sflag:s23] =	ssyncadd.s32 $0xFFFFFFFF  }
0xa5: {  	s26 =	simm.s32 $execute0_lowered;
	[smem:$0x3FD2] =	sst s25  }
0xa6: {  	s5 =	sshll.u32 s26, $0x1;
	_ =	strace $0x8000004C;
	[dreg:$0x1] =	wrdreg $0xFFFFFFFF  }
0xa7: {  	s28 =	simm.s32 $_size_execute0_lowered;
	s3 =	sadd.s32 s3, s5;
	[dreg:$0x0] =	wrdreg $0x0  }
0xa8: {  	s5 =	sshll.u32 s28, $0x1;
	[dreg:$0x2] =	wrdreg s3  }
0xa9: {  	[dreg:$0x3] =	wrdreg s5  }
0xaa: {  	[dreg:$0x4] =	wrdreg $0xC0  }
0xab: {  	_ =	task [dreg:s7], $0x5FFFF  }
0xac: {  	[dreg:$0x1] =	wrdreg $0xFFFFFFFF  }
0xad: {  	[dreg:$0x0] =	wrdreg $0x60  }
0xae: {  	[dreg:$0x2] =	wrdreg s24  }
0xaf: {  	[dreg:$0x3] =	wrdreg s2  }
0xb0: {  	[dreg:$0x4] =	wrdreg $0xAA000  }
0xb1: {  	[dreg:$0x5] =	wrdreg $0x9  }
0xb2: {  	_ =	task.clear_ibuf [dreg:s7], $0x6FFFF;
	_ =	strace $0x9000004C  }
0xb3: {  	s29 =	simm.s32 $0x9;
	_ =	strace $0x8000004E  }
0xb4: {  	_ =	swait.ge [sflag:s29], $0x1  }
0xb5: {  	[sflag:s29] =	ssyncadd.s32 $0xFFFFFFFF  }
0xb6: {  	_ =	strace $0x9000004E  }
0xb7: {  	_ =	sfence  }
0xb8: {  	s30 =	sld [smem:$0x0];
	_ =	sdelay $0x2  }
0xb9: {  	s31 =	sshll.u32 s1, $0xD;
	s1 =	sshrl.u32 s1, $0x2  }
0xba: {  	s3 =	sand.u32 $0x4000, s31;
	s1 =	sadd.s32 s1, s30  }
0xbb: {  	s0 =	sor.u32 s3, s0;
	s1 =	sshll.u32 s1, $0x11  }
0xbc: {  	s0 =	sor.u32 s1, s0  }
0xbd: {  	s0 =	sadd.s32 $0x8F2B, s0  }
0xbe: {  	[sflag:s0] =	ssyncadd.remote.s32 $0x1  }
0xbf: {  	_ =	sfence.sel $0xFFFF  }
0xc0: {  	[dreg:$0x0] =	wrdreg $0xFFFFFFFF;
	(pc) =	sbr.abs _section_cstart, $3  }
0xc1: {  	[dreg:$0x1] =	wrdreg $0xFFFFFFFF  }
0xc2: {  	_ =	task.clear_ibuf [dreg:s7], $0x2FFFF;
	_ =	strace $0x9FFFFFFF  }
0xc3: {  	(tm) =	ssettm $0x7FFFFFFF  }
tec
execute0_lowered:
.L_overlay_start_1:
0x0: {  	(tag) =	ssettag $0x1  }
0x1: {  	s0 =	rddreg [dreg:$0x0]  }
0x2: {  	s2 =	rddreg [dreg:$0x1]  }
0x3: {  	s1 =	rddreg [dreg:$0x2]  }
0x4: {  	s3 =	srdreg.scid;
	s11 =	stileid.u32;
	s28 =	simm.s32 $0x2980  }
0x5: {  	s29 =	simm.s32 $0x1;
	s30 =	simm.s32 $0x5;
	s31 =	simm.s32 $0x3  }
0x6: {  	s6 =	sand.u32 $0x1, s3;
	s3 =	simm.s32 $0x0;
	s8 =	smul.u32 $0x14000, s11  }
0x7: {  	s4 =	sadd.s32 $0x1AE00, s0;
	s5 =	sadd.s32 $0x4600, s0;
	s16 =	sadd.s32 $0x18600, s0  }
0x8: {  	s18 =	sshll.u32 s11, $0x7;
	s20 =	smul.u32 $0x50000, s11;
	s26 =	sshll.u32 s11, $0x6  }
0x9: {  	s7 =	smul.u32 $0x140000, s6;
	[smem:$0x7FF] =	sst s3;
	s9 =	sshll.u32 s6, $0x4  }
0xa: {  	s6 =	ssub.s32 $0x2, s6;
	s10 =	sand.u32 $0x380, s18;
	s18 =	simm.s32 $0x2A00  }
0xb: {  	_ =	strace $0x8000004D;
	s15 =	sor.u32 s11, s9;
	[dreg:$0x4] =	wrdreg s16  }
0xc: {  	s19 =	sshrl.u32 s6, $0x1;
	s24 =	sshrl.u32 s20, $0x2;
	s16 =	simm.s32 $0x9  }
0xd: {  	s20 =	simm.s32 $0x0;
	s7 =	sadd.s32 s8, s7;
	s17 =	sshrl.u32 s15, $0x3  }
0xe: {  	s6 =	ssub.s32 s6, s19;
	s19 =	simm.s32 $0x2800;
	s7 =	sshrl.u32 s7, $0x3  }
0xf: {  	s9 =	smul.u32 $0x14000, s17;
	s25 =	smax.u32 s6, $0x1;
	s17 =	simm.s32 $0x40  }
0x10: {  	s0 =	sadd.s32 s7, s0;
	s7 =	smul.u32 $0x5000, s15;
	[dreg:$0xa] =	wrdreg s25  }
0x11: {  	s15 =	simm.s32 $0x8;
	s9 =	sor.u32 s10, s9;
	s0 =	sadd.s32 $0xBC000, s0  }
0x12: {  	s10 =	sor.u32 $0x1C09, s26;
	s21 =	sshrl.u32 s9, $0x3;
	[dreg:$0x9] =	wrdreg s0  }
0x13: {  	s22 =	sshrl.u32 s7, $0x3;
	[dreg:$0xb] =	wrdreg s10;
	s2 =	sadd.s32 s2, s21  }
0x14: {  	s26 =	simm.s32 $0x8A00;
	s23 =	sadd.s32 s5, s22;
	[dreg:$0x5] =	wrdreg s2  }
0x15: {  	s0 =	simm.s32 $0x7;
	s9 =	sadd.s32 $0x10, s23;
	[dreg:$0x6] =	wrdreg s23  }
0x16: {  	s8 =	sadd.s32 $0x20, s23;
	s2 =	sadd.s32 s24, s1;
	[dreg:$0x7] =	wrdreg s9  }
0x17: {  	s22 =	simm.s32 $0x6A00;
	[dreg:$0x8] =	wrdreg s8;
	s11 =	sshrl.u32 s2, $0x3  }
0x18: {  	s23 =	simm.s32 $0x2900;
	s2 =	simm.s32 $0x4;
	[dreg:$0xc] =	wrdreg s11  }
.LBB2_1:
0x19: {  	s6 =	rddreg [dreg:$0x5];
	s8 =	simm.s32 $0x80;
	s9 =	simm.s32 $0x400  }
0x1a: {  	[tilespmem:s3], [sflag:$0x9] =	stream.strided.gather [hbm4b:s6+s8], $0x2800, s9, s8, $0x38;
	[tilespmem:$0x1EA00] =	vst v63  }
0x1b: {  	_ =	swait.ge [sflag:s16], $0x2800  }
0x1c: {  	[sflag:s16] =	ssyncset.done $0x0  }
0x1d: {  	[sflag:s16] =	ssyncadd.s32 $0xFFFFD800  }
0x1e: {  	[tilespmem:s18], [sflag:$0x1] =	stream.indirect.gather [hbm4b:s4+s17], $0x80, s3, s17, $0xb8;
	[tilespmem:$0x1EA00] =	vst v63  }
0x1f: {  	s14 =	rddreg [dreg:$0x6]  }
0x20: {  	[tilespmem:s19], [sflag:$0x5] =	stream.linear.gather [hbm4b:s14+s3], $0x80, $0x38;
	[tilespmem:$0x1EA00] =	vst v63  }
0x21: {  	s21 =	simm.s32 $0x4A00  }
0x22: {  	[tilespmem:s21], [sflag:$0x2] =	stream.indirect.gather [hbm4b:s4+s17], $0x80, s17, s17, $0xb8;
	[tilespmem:$0x1EA00] =	vst v63  }
0x23: {  	s25 =	simm.s32 $0x2880;
	s24 =	rddreg [dreg:$0x7]  }
0x24: {  	[tilespmem:s25], [sflag:$0x6] =	stream.linear.gather [hbm4b:s24+s3], $0x80, $0x38;
	[tilespmem:$0x1EA00] =	vst v63  }
0x25: {  	s9 =	rddreg [dreg:$0x8]  }
0x26: {  	[tilespmem:s22], [sflag:$0x3] =	stream.indirect.gather [hbm4b:s4+s17], $0x80, s8, s17, $0xb8;
	[tilespmem:$0x1EA00] =	vst v63  }
0x27: {  	s12 =	rddreg [dreg:$0x4]  }
0x28: {  	[tilespmem:s23], [sflag:$0x7] =	stream.linear.gather [hbm4b:s9+s3], $0x80, $0x38;
	[tilespmem:$0x1EA00] =	vst v63  }
0x29: {  	[spmem:s11], [sflag:s10] =	dma.local [hbm:s12], $0x2800  }
0x2a: {  	s13 =	sand.u32 $0x7C00, s3;
	s14 =	simm.s32 $0x180;
	_ =	swait.ge [sflag:s16], $0x2800  }
0x2b: {  	s6 =	sadd.s32 s7, s13;
	s8 =	sand.u32 $0x380, s14;
	[sflag:s16] =	ssyncset.done $0x0  }
0x2c: {  	s6 =	sor.u32 s6, s8;
	[sflag:s16] =	ssyncadd.s32 $0xFFFFD800  }
0x2d: {  	s21 =	simm.s32 $0xC0;
	s6 =	sshrl.u32 s6, $0x3;
	[bflag:$0x0] =	sbarrier.arrive $0xFFFF  }
0x2e: {  	[tilespmem:s26], [sflag:$0x4] =	stream.indirect.gather [hbm4b:s4+s17], $0x80, s21, s17, $0xb8;
	[tilespmem:$0x1EA00] =	vst v63  }
0x2f: {  	s6 =	sadd.s32 s5, s6  }
0x30: {  	[tilespmem:s28], [sflag:$0x8] =	stream.linear.gather [hbm4b:s6+s3], $0x80, $0x38;
	[tilespmem:$0x1EA00] =	vst v63  }
0x31: {  	_ =	swait.ge [sflag:s29], $0x2000  }
0x32: {  	[sflag:s29] =	ssyncset.done $0x0  }
0x33: {  	[sflag:s29] =	ssyncadd.s32 $0xFFFFE000  }
0x34: {  	_ =	swait.ge [sflag:s30], $0x80  }
0x35: {  	[sflag:s30] =	ssyncset.done $0x0  }
0x36: {  	[sflag:s30] =	ssyncadd.s32 $0xFFFFFF80  }
0x37: {  	[spmem:s1] =	stream.indirect.scatter.add.f32 [tilespmem:s18], [sflag:$0x9], $0x80, s19, s17, $0xb8;
	[tilespmem:$0x1EA00] =	vst v63  }
0x38: {  	_ =	swait.ge [sflag:s16], $0x2000  }
0x39: {  	p0 =	por $0x0, $0x0;
	[sflag:s16] =	ssyncset.done $0x0  }
0x3a: {  	s6 =	simm.s32 @p0 $0x2;
	[sflag:s16] =	ssyncadd.s32 $0xFFFFE000  }
0x3b: {  	_ =	swait.ge @p0 [sflag:s6], $0x2000  }
0x3c: {  	s14 =	simm.s32 @p0 $0x2880;
	s8 =	simm.s32 @!p0 $0x200;
	[sflag:s6] =	ssyncset.done @p0 $0x0  }
0x3d: {  	s10 =	sand.u32 @!p0 $0xFC00, s8;
	[sflag:s6] =	ssyncadd.s32 @p0 $0xFFFFE000;
	s6 =	simm.s32 @p0 $0x6  }
0x3e: {  	s8 =	sand.u32 @!p0 $0x200, s8;
	s10 =	sadd.s32 @!p0 s7, s10;
	_ =	swait.ge @p0 [sflag:s6], $0x80  }
0x3f: {  	s11 =	simm.s32 @p0 $0x9;
	s8 =	sor.u32 @!p0 s8, s10;
	[sflag:s6] =	ssyncset.done @p0 $0x0  }
0x40: {  	s10 =	simm.s32 @p0 $0x4A00;
	[sflag:s6] =	ssyncadd.s32 @p0 $0xFFFFFF80;
	s6 =	simm.s32 @p0 $0x40  }
0x41: {  	[spmem:s1] =	stream.indirect.scatter.add.f32 @p0 [tilespmem:s10], [sflag:$0x9], $0x80, s14, s6, $0xb8;
	[tilespmem:$0x1EA00] =	vst v63  }
0x42: {  	s6 =	sshrl.u32 @!p0 s8, $0x3;
	_ =	swait.ge @p0 [sflag:s11], $0x2000  }
0x43: {  	s8 =	simm.s32 @!p0 $0x2A00;
	s10 =	simm.s32 @!p0 $0x100;
	[sflag:s11] =	ssyncset.done @p0 $0x0  }
0x44: {  	s14 =	simm.s32 @!p0 $0x2;
	[sflag:s11] =	ssyncadd.s32 @p0 $0xFFFFE000;
	s11 =	simm.s32 @!p0 $0x40  }
0x45: {  	[tilespmem:s8], [sflag:$0x1] =	stream.indirect.gather @!p0 [hbm4b:s4+s11], $0x80, s10, s11, $0xb8;
	[tilespmem:$0x1EA00] =	vst v63  }
0x46: {  	s6 =	sadd.s32 @!p0 s5, s6;
	s8 =	simm.s32 @!p0 $0x0;
	s10 =	simm.s32 @!p0 $0x2800  }
0x47: {  	[tilespmem:s10], [sflag:$0x5] =	stream.linear.gather @!p0 [hbm4b:s6+s8], $0x80, $0x38;
	[tilespmem:$0x1EA00] =	vst v63  }
0x48: {  	_ =	swait.ge @!p0 [sflag:s14], $0x2000  }
0x49: {  	[sflag:s14] =	ssyncset.done @!p0 $0x0  }
0x4a: {  	s6 =	simm.s32 @!p0 $0x6;
	[sflag:s14] =	ssyncadd.s32 @!p0 $0xFFFFE000  }
0x4b: {  	_ =	swait.ge @!p0 [sflag:s6], $0x80  }
0x4c: {  	s10 =	simm.s32 @!p0 $0x9;
	[sflag:s6] =	ssyncset.done @!p0 $0x0  }
0x4d: {  	s14 =	simm.s32 @!p0 $0x4A00;
	[sflag:s6] =	ssyncadd.s32 @!p0 $0xFFFFFF80;
	s6 =	simm.s32 @!p0 $0x2880  }
0x4e: {  	[spmem:s1] =	stream.indirect.scatter.add.f32 @!p0 [tilespmem:s14], [sflag:$0x9], $0x80, s6, s11, $0xb8;
	[tilespmem:$0x1EA00] =	vst v63  }
0x4f: {  	_ =	swait.ge @!p0 [sflag:s10], $0x2000  }
0x50: {  	[sflag:s10] =	ssyncset.done @!p0 $0x0  }
0x51: {  	[sflag:s10] =	ssyncadd.s32 @!p0 $0xFFFFE000;
	s10 =	simm.s32 @!p0 $0x140  }
0x52: {  	[tilespmem:s14], [sflag:$0x2] =	stream.indirect.gather @!p0 [hbm4b:s4+s11], $0x80, s10, s11, $0xb8;
	[tilespmem:$0x1EA00] =	vst v63  }
0x53: {  	s10 =	simm.s32 @!p0 $0x280  }
0x54: {  	s14 =	sand.u32 @!p0 $0xFC00, s10  }
0x55: {  	s10 =	sand.u32 @!p0 $0x280, s10;
	s14 =	sadd.s32 @!p0 s7, s14  }
0x56: {  	s10 =	sor.u32 @!p0 s10, s14  }
0x57: {  	s10 =	sshrl.u32 @!p0 s10, $0x3  }
0x58: {  	s10 =	sadd.s32 @!p0 s5, s10  }
0x59: {  	[tilespmem:s6], [sflag:$0x6] =	stream.linear.gather @!p0 [hbm4b:s10+s8], $0x80, $0x38;
	[tilespmem:$0x1EA00] =	vst v63  }
0x5a: {  	_ =	swait.ge [sflag:s31], $0x2000  }
0x5b: {  	[sflag:s31] =	ssyncset.done $0x0  }
0x5c: {  	[sflag:s31] =	ssyncadd.s32 $0xFFFFE000  }
0x5d: {  	_ =	swait.ge [sflag:s0], $0x80  }
0x5e: {  	s6 =	simm.s32 @!p0 $0x300;
	[sflag:s0] =	ssyncset.done $0x0  }
0x5f: {  	s10 =	sand.u32 @!p0 $0xFC00, s6;
	[sflag:s0] =	ssyncadd.s32 $0xFFFFFF80  }
0x60: {  	[spmem:s1] =	stream.indirect.scatter.add.f32 [tilespmem:s22], [sflag:$0x9], $0x80, s23, s17, $0xb8;
	[tilespmem:$0x1EA00] =	vst v63  }
0x61: {  	s6 =	sand.u32 @!p0 $0x300, s6;
	s10 =	sadd.s32 @!p0 s7, s10;
	_ =	swait.ge [sflag:s16], $0x2000  }
0x62: {  	s14 =	simm.s32 @!p0 $0x6A00;
	s6 =	sor.u32 @!p0 s6, s10;
	[sflag:s16] =	ssyncset.done $0x0  }
0x63: {  	s10 =	simm.s32 @!p0 $0x180;
	s6 =	sshrl.u32 @!p0 s6, $0x3;
	[sflag:s16] =	ssyncadd.s32 $0xFFFFE000  }
0x64: {  	[tilespmem:s14], [sflag:$0x3] =	stream.indirect.gather @!p0 [hbm4b:s4+s11], $0x80, s10, s11, $0xb8;
	[tilespmem:$0x1EA00] =	vst v63  }
0x65: {  	s6 =	sadd.s32 @!p0 s5, s6;
	s10 =	simm.s32 @!p0 $0x2900  }
0x66: {  	[tilespmem:s10], [sflag:$0x7] =	stream.linear.gather @!p0 [hbm4b:s6+s8], $0x80, $0x38;
	[tilespmem:$0x1EA00] =	vst v63  }
0x67: {  	_ =	swait.ge [sflag:s2], $0x2000  }
0x68: {  	s25 =	simm.s32 $0x380;
	[sflag:s2] =	ssyncset.done $0x0  }
0x69: {  	s21 =	simm.s32 $0x1C0;
	s6 =	simm.s32 $0x200;
	[sflag:s2] =	ssyncadd.s32 $0xFFFFE000  }
0x6a: {  	s11 =	sand.u32 $0x380, s25;
	s24 =	sand.u32 $0x7C00, s6;
	_ =	swait.ge [sflag:s15], $0x80  }
0x6b: {  	s8 =	simm.s32 $0x400;
	s10 =	sadd.s32 s7, s24;
	[sflag:s15] =	ssyncset.done $0x0  }
.LBB2_2:
0x6c: {  	s10 =	sor.u32 s10, s11  }
0x6d: {  	[sflag:s15] =	ssyncadd.s32 $0xFFFFFF80;
	s14 =	smov.u32 s8;
	s8 =	sadd.s32 $0x200, s8  }
0x6e: {  	[spmem:s1] =	stream.indirect.scatter.add.f32 [tilespmem:s26], [sflag:$0x9], $0x80, s28, s17, $0xb8;
	[tilespmem:$0x1EA00] =	vst v63  }
0x6f: {  	p0 =	sne.s32 s8, $0x5000;
	s10 =	sshrl.u32 s10, $0x3;
	_ =	swait.ge [sflag:s16], $0x2000  }
0x70: {  	[sflag:s16] =	ssyncset.done $0x0  }
0x71: {  	[sflag:s16] =	ssyncadd.s32 $0xFFFFE000  }
0x72: {  	[tilespmem:s26], [sflag:$0x4] =	stream.indirect.gather [hbm4b:s4+s17], $0x80, s21, s17, $0xb8;
	[tilespmem:$0x1EA00] =	vst v63  }
0x73: {  	s10 =	sadd.s32 s5, s10  }
0x74: {  	[tilespmem:s28], [sflag:$0x8] =	stream.linear.gather [hbm4b:s10+s3], $0x80, $0x38;
	[tilespmem:$0x1EA00] =	vst v63  }
0x75: {  	_ =	swait.ge [sflag:s29], $0x2000  }
0x76: {  	[sflag:s29] =	ssyncset.done $0x0  }
0x77: {  	[sflag:s29] =	ssyncadd.s32 $0xFFFFE000  }
0x78: {  	_ =	swait.ge [sflag:s30], $0x80  }
0x79: {  	[sflag:s30] =	ssyncset.done $0x0  }
0x7a: {  	[sflag:s30] =	ssyncadd.s32 $0xFFFFFF80  }
0x7b: {  	[spmem:s1] =	stream.indirect.scatter.add.f32 [tilespmem:s18], [sflag:$0x9], $0x80, s19, s17, $0xb8;
	[tilespmem:$0x1EA00] =	vst v63  }
0x7c: {  	_ =	swait.ge [sflag:s16], $0x2000  }
0x7d: {  	p1 =	seq.s32 s6, $0x4E00;
	[sflag:s16] =	ssyncset.done $0x0  }
0x7e: {  	s11 =	sadd.s32 @!p1 $0x200, s6;
	s10 =	simm.s32 @p1 $0x2;
	[sflag:s16] =	ssyncadd.s32 $0xFFFFE000  }
0x7f: {  	s12 =	sand.u32 @!p1 $0xFC00, s11;
	s11 =	sand.u32 @!p1 $0x200, s11;
	_ =	swait.ge @p1 [sflag:s10], $0x2000  }
0x80: {  	s13 =	sadd.s32 @!p1 $0x280, s6;
	s12 =	sadd.s32 @!p1 s7, s12;
	[sflag:s10] =	ssyncset.done @p1 $0x0  }
0x81: {  	s9 =	sand.u32 @!p1 $0xFC00, s13;
	[sflag:s10] =	ssyncadd.s32 @p1 $0xFFFFE000;
	s10 =	simm.s32 @p1 $0x6  }
0x82: {  	s11 =	sor.u32 @!p1 s11, s12;
	s12 =	sand.u32 @!p1 $0x280, s13;
	_ =	swait.ge @p1 [sflag:s10], $0x80  }
0x83: {  	s24 =	simm.s32 @p1 $0x9;
	s13 =	simm.s32 @p1 $0x4A00;
	[sflag:s10] =	ssyncset.done @p1 $0x0  }
0x84: {  	s25 =	simm.s32 @p1 $0x2880;
	[sflag:s10] =	ssyncadd.s32 @p1 $0xFFFFFF80;
	s10 =	simm.s32 @p1 $0x40  }
0x85: {  	[spmem:s1] =	stream.indirect.scatter.add.f32 @p1 [tilespmem:s13], [sflag:$0x9], $0x80, s25, s10, $0xb8;
	[tilespmem:$0x1EA00] =	vst v63  }
0x86: {  	s9 =	sadd.s32 @!p1 s7, s9;
	s10 =	sshrl.u32 @!p1 s11, $0x3;
	_ =	swait.ge @p1 [sflag:s24], $0x2000  }
0x87: {  	s11 =	simm.s32 @!p1 $0x2A00;
	s13 =	sadd.s32 @!p1 s5, s10;
	[sflag:s24] =	ssyncset.done @p1 $0x0  }
0x88: {  	s10 =	simm.s32 @!p1 $0x40;
	[sflag:s24] =	ssyncadd.s32 @p1 $0xFFFFE000;
	s24 =	sadd.s32 @!p1 $0x40, s21  }
0x89: {  	[tilespmem:s11], [sflag:$0x1] =	stream.indirect.gather @!p1 [hbm4b:s4+s10], $0x80, s24, s10, $0xb8;
	[tilespmem:$0x1EA00] =	vst v63  }
0x8a: {  	s25 =	simm.s32 @!p1 $0x2;
	s11 =	simm.s32 @!p1 $0x0;
	s24 =	simm.s32 @!p1 $0x2800  }
0x8b: {  	[tilespmem:s24], [sflag:$0x5] =	stream.linear.gather @!p1 [hbm4b:s13+s11], $0x80, $0x38;
	[tilespmem:$0x1EA00] =	vst v63  }
0x8c: {  	s6 =	sadd.s32 @!p1 $0x300, s6;
	s9 =	sor.u32 @!p1 s12, s9;
	_ =	swait.ge @!p1 [sflag:s25], $0x2000  }
0x8d: {  	s12 =	sand.u32 @!p1 $0xFC00, s6;
	s9 =	sshrl.u32 @!p1 s9, $0x3;
	[sflag:s25] =	ssyncset.done @!p1 $0x0  }
0x8e: {  	s9 =	sadd.s32 @!p1 s5, s9;
	s13 =	simm.s32 @!p1 $0x6;
	[sflag:s25] =	ssyncadd.s32 @!p1 $0xFFFFE000  }
0x8f: {  	s6 =	sand.u32 @!p1 $0x300, s6;
	s12 =	sadd.s32 @!p1 s7, s12;
	_ =	swait.ge @!p1 [sflag:s13], $0x80  }
0x90: {  	s6 =	sor.u32 @!p1 s6, s12;
	s24 =	simm.s32 @!p1 $0x9;
	[sflag:s13] =	ssyncset.done @!p1 $0x0  }
0x91: {  	s12 =	simm.s32 @!p1 $0x2880;
	[sflag:s13] =	ssyncadd.s32 @!p1 $0xFFFFFF80;
	s13 =	simm.s32 @!p1 $0x4A00  }
0x92: {  	[spmem:s1] =	stream.indirect.scatter.add.f32 @!p1 [tilespmem:s13], [sflag:$0x9], $0x80, s12, s10, $0xb8;
	[tilespmem:$0x1EA00] =	vst v63  }
0x93: {  	s25 =	sshrl.u32 @!p1 s6, $0x3;
	s6 =	smov.u32 s14;
	_ =	swait.ge @!p1 [sflag:s24], $0x2000  }
0x94: {  	s14 =	sadd.s32 @!p1 s5, s25;
	[sflag:s24] =	ssyncset.done @!p1 $0x0  }
0x95: {  	[sflag:s24] =	ssyncadd.s32 @!p1 $0xFFFFE000;
	s24 =	sadd.s32 @!p1 $0x80, s21  }
0x96: {  	[tilespmem:s13], [sflag:$0x2] =	stream.indirect.gather @!p1 [hbm4b:s4+s10], $0x80, s24, s10, $0xb8;
	[tilespmem:$0x1EA00] =	vst v63  }
0x97: {  	_ = 	snop  }
0x98: {  	[tilespmem:s12], [sflag:$0x6] =	stream.linear.gather @!p1 [hbm4b:s9+s11], $0x80, $0x38;
	[tilespmem:$0x1EA00] =	vst v63  }
0x99: {  	_ =	swait.ge [sflag:s31], $0x2000  }
0x9a: {  	[sflag:s31] =	ssyncset.done $0x0  }
0x9b: {  	[sflag:s31] =	ssyncadd.s32 $0xFFFFE000  }
0x9c: {  	_ =	swait.ge [sflag:s0], $0x80  }
0x9d: {  	[sflag:s0] =	ssyncset.done $0x0  }
0x9e: {  	[sflag:s0] =	ssyncadd.s32 $0xFFFFFF80  }
0x9f: {  	[spmem:s1] =	stream.indirect.scatter.add.f32 [tilespmem:s22], [sflag:$0x9], $0x80, s23, s17, $0xb8;
	[tilespmem:$0x1EA00] =	vst v63  }
0xa0: {  	_ =	swait.ge [sflag:s16], $0x2000  }
0xa1: {  	[sflag:s16] =	ssyncset.done $0x0  }
0xa2: {  	s9 =	sadd.s32 @!p1 $0xC0, s21;
	s12 =	simm.s32 @!p1 $0x6A00;
	[sflag:s16] =	ssyncadd.s32 $0xFFFFE000  }
0xa3: {  	[tilespmem:s12], [sflag:$0x3] =	stream.indirect.gather @!p1 [hbm4b:s4+s10], $0x80, s9, s10, $0xb8;
	[tilespmem:$0x1EA00] =	vst v63  }
0xa4: {  	s9 =	simm.s32 @!p1 $0x2900  }
0xa5: {  	[tilespmem:s9], [sflag:$0x7] =	stream.linear.gather @!p1 [hbm4b:s14+s11], $0x80, $0x38;
	[tilespmem:$0x1EA00] =	vst v63  }
.Ltmp0:
0xa6: {  	_ =	swait.ge [sflag:s2], $0x2000;
	(pc) =	sbr.rel @p0 .LBB2_2-.Ltmp0, $4  }
0xa7: {  	[sflag:s2] =	ssyncset.done $0x0  }
0xa8: {  	s21 =	sadd.s32 $0x100, s21;
	[sflag:s2] =	ssyncadd.s32 $0xFFFFE000  }
0xa9: {  	s9 =	sand.u32 $0x7C00, s6;
	s11 =	sadd.s32 $0x180, s6;
	_ =	swait.ge [sflag:s15], $0x80  }
0xaa: {  	s10 =	sadd.s32 s7, s9;
	s11 =	sand.u32 $0x380, s11;
	[sflag:s15] =	ssyncset.done $0x0  }
0xab: {  	[sflag:s15] =	ssyncadd.s32 $0xFFFFFF80  }
0xac: {  	[spmem:s1] =	stream.indirect.scatter.add.f32 [tilespmem:s26], [sflag:$0x9], $0x80, s28, s17, $0xb8;
	[tilespmem:$0x1EA00] =	vst v63  }
0xad: {  	_ =	swait.ge [sflag:s16], $0x2000  }
0xae: {  	s8 =	sor.u32 s10, s11;
	[sflag:s16] =	ssyncset.done $0x0  }
0xaf: {  	s8 =	sshrl.u32 s8, $0x3;
	[sflag:s16] =	ssyncadd.s32 $0xFFFFE000  }
0xb0: {  	[tilespmem:s26], [sflag:$0x4] =	stream.indirect.gather [hbm4b:s4+s17], $0x80, s21, s17, $0xb8;
	[tilespmem:$0x1EA00] =	vst v63  }
0xb1: {  	s8 =	sadd.s32 s5, s8  }
0xb2: {  	[tilespmem:s28], [sflag:$0x8] =	stream.linear.gather [hbm4b:s8+s3], $0x80, $0x38;
	[tilespmem:$0x1EA00] =	vst v63  }
0xb3: {  	_ =	swait.ge [sflag:s29], $0x2000  }
0xb4: {  	[sflag:s29] =	ssyncset.done $0x0  }
0xb5: {  	[sflag:s29] =	ssyncadd.s32 $0xFFFFE000  }
0xb6: {  	_ =	swait.ge [sflag:s30], $0x80  }
0xb7: {  	[sflag:s30] =	ssyncset.done $0x0  }
0xb8: {  	[sflag:s30] =	ssyncadd.s32 $0xFFFFFF80  }
0xb9: {  	[spmem:s1] =	stream.indirect.scatter.add.f32 [tilespmem:s18], [sflag:$0x9], $0x80, s19, s17, $0xb8;
	[tilespmem:$0x1EA00] =	vst v63  }
0xba: {  	_ =	swait.ge [sflag:s16], $0x2000  }
0xbb: {  	p0 =	seq.s32 s6, $0x4E00;
	[sflag:s16] =	ssyncset.done $0x0  }
0xbc: {  	s8 =	simm.s32 @p0 $0x2;
	[sflag:s16] =	ssyncadd.s32 $0xFFFFE000  }
0xbd: {  	_ =	swait.ge @p0 [sflag:s8], $0x2000  }
0xbe: {  	s9 =	sadd.s32 @!p0 $0x200, s6;
	s11 =	simm.s32 @p0 $0x9;
	[sflag:s8] =	ssyncset.done @p0 $0x0  }
0xbf: {  	s10 =	sand.u32 @!p0 $0xFC00, s9;
	[sflag:s8] =	ssyncadd.s32 @p0 $0xFFFFE000;
	s8 =	simm.s32 @p0 $0x6  }
0xc0: {  	s9 =	sand.u32 @!p0 $0x200, s9;
	s10 =	sadd.s32 @!p0 s7, s10;
	_ =	swait.ge @p0 [sflag:s8], $0x80  }
0xc1: {  	s12 =	simm.s32 @p0 $0x2880;
	s9 =	sor.u32 @!p0 s9, s10;
	[sflag:s8] =	ssyncset.done @p0 $0x0  }
0xc2: {  	s10 =	simm.s32 @p0 $0x4A00;
	[sflag:s8] =	ssyncadd.s32 @p0 $0xFFFFFF80;
	s8 =	simm.s32 @p0 $0x40  }
0xc3: {  	[spmem:s1] =	stream.indirect.scatter.add.f32 @p0 [tilespmem:s10], [sflag:$0x9], $0x80, s12, s8, $0xb8;
	[tilespmem:$0x1EA00] =	vst v63  }
0xc4: {  	s8 =	sshrl.u32 @!p0 s9, $0x3;
	_ =	swait.ge @p0 [sflag:s11], $0x2000  }
0xc5: {  	s9 =	simm.s32 @!p0 $0x2A00;
	s10 =	sadd.s32 @!p0 $0x40, s21;
	[sflag:s11] =	ssyncset.done @p0 $0x0  }
0xc6: {  	s12 =	simm.s32 @!p0 $0x2;
	[sflag:s11] =	ssyncadd.s32 @p0 $0xFFFFE000;
	s11 =	simm.s32 @!p0 $0x40  }
0xc7: {  	[tilespmem:s9], [sflag:$0x1] =	stream.indirect.gather @!p0 [hbm4b:s4+s11], $0x80, s10, s11, $0xb8;
	[tilespmem:$0x1EA00] =	vst v63  }
0xc8: {  	s8 =	sadd.s32 @!p0 s5, s8;
	s9 =	simm.s32 @!p0 $0x0;
	s10 =	simm.s32 @!p0 $0x2800  }
0xc9: {  	[tilespmem:s10], [sflag:$0x5] =	stream.linear.gather @!p0 [hbm4b:s8+s9], $0x80, $0x38;
	[tilespmem:$0x1EA00] =	vst v63  }
0xca: {  	_ =	swait.ge @!p0 [sflag:s12], $0x2000  }
0xcb: {  	[sflag:s12] =	ssyncset.done @!p0 $0x0  }
0xcc: {  	s8 =	simm.s32 @!p0 $0x6;
	[sflag:s12] =	ssyncadd.s32 @!p0 $0xFFFFE000  }
0xcd: {  	_ =	swait.ge @!p0 [sflag:s8], $0x80  }
0xce: {  	s10 =	simm.s32 @!p0 $0x9;
	[sflag:s8] =	ssyncset.done @!p0 $0x0  }
0xcf: {  	s12 =	simm.s32 @!p0 $0x4A00;
	[sflag:s8] =	ssyncadd.s32 @!p0 $0xFFFFFF80;
	s8 =	simm.s32 @!p0 $0x2880  }
0xd0: {  	[spmem:s1] =	stream.indirect.scatter.add.f32 @!p0 [tilespmem:s12], [sflag:$0x9], $0x80, s8, s11, $0xb8;
	[tilespmem:$0x1EA00] =	vst v63  }
0xd1: {  	_ =	swait.ge @!p0 [sflag:s10], $0x2000  }
0xd2: {  	[sflag:s10] =	ssyncset.done @!p0 $0x0  }
0xd3: {  	[sflag:s10] =	ssyncadd.s32 @!p0 $0xFFFFE000;
	s10 =	sadd.s32 @!p0 $0x80, s21  }
0xd4: {  	[tilespmem:s12], [sflag:$0x2] =	stream.indirect.gather @!p0 [hbm4b:s4+s11], $0x80, s10, s11, $0xb8;
	[tilespmem:$0x1EA00] =	vst v63  }
0xd5: {  	s10 =	sadd.s32 @!p0 $0x280, s6  }
0xd6: {  	s12 =	sand.u32 @!p0 $0xFC00, s10  }
0xd7: {  	s10 =	sand.u32 @!p0 $0x280, s10;
	s12 =	sadd.s32 @!p0 s7, s12  }
0xd8: {  	s10 =	sor.u32 @!p0 s10, s12  }
0xd9: {  	s10 =	sshrl.u32 @!p0 s10, $0x3  }
0xda: {  	s10 =	sadd.s32 @!p0 s5, s10  }
0xdb: {  	[tilespmem:s8], [sflag:$0x6] =	stream.linear.gather @!p0 [hbm4b:s10+s9], $0x80, $0x38;
	[tilespmem:$0x1EA00] =	vst v63  }
0xdc: {  	_ =	swait.ge [sflag:s31], $0x2000  }
0xdd: {  	[sflag:s31] =	ssyncset.done $0x0  }
0xde: {  	[sflag:s31] =	ssyncadd.s32 $0xFFFFE000  }
0xdf: {  	_ =	swait.ge [sflag:s0], $0x80  }
0xe0: {  	[sflag:s0] =	ssyncset.done $0x0  }
0xe1: {  	[sflag:s0] =	ssyncadd.s32 $0xFFFFFF80  }
0xe2: {  	[spmem:s1] =	stream.indirect.scatter.add.f32 [tilespmem:s22], [sflag:$0x9], $0x80, s23, s17, $0xb8;
	[tilespmem:$0x1EA00] =	vst v63  }
0xe3: {  	_ =	swait.ge [sflag:s16], $0x2000  }
0xe4: {  	s6 =	sadd.s32 @!p0 $0x300, s6;
	[sflag:s16] =	ssyncset.done $0x0  }
0xe5: {  	s8 =	sadd.s32 @!p0 $0xC0, s21;
	s10 =	simm.s32 @!p0 $0x6A00;
	[sflag:s16] =	ssyncadd.s32 $0xFFFFE000  }
0xe6: {  	[tilespmem:s10], [sflag:$0x3] =	stream.indirect.gather @!p0 [hbm4b:s4+s11], $0x80, s8, s11, $0xb8;
	[tilespmem:$0x1EA00] =	vst v63  }
0xe7: {  	s8 =	sand.u32 @!p0 $0xFC00, s6  }
0xe8: {  	s6 =	sand.u32 @!p0 $0x300, s6;
	s8 =	sadd.s32 @!p0 s7, s8  }
0xe9: {  	s6 =	sor.u32 @!p0 s6, s8  }
0xea: {  	s6 =	sshrl.u32 @!p0 s6, $0x3  }
0xeb: {  	s8 =	simm.s32 @!p0 $0x2900;
	s6 =	sadd.s32 @!p0 s5, s6  }
0xec: {  	[tilespmem:s8], [sflag:$0x7] =	stream.linear.gather @!p0 [hbm4b:s6+s9], $0x80, $0x38;
	[tilespmem:$0x1EA00] =	vst v63  }
0xed: {  	_ =	swait.ge [sflag:s2], $0x2000  }
0xee: {  	[sflag:s2] =	ssyncset.done $0x0  }
0xef: {  	[sflag:s2] =	ssyncadd.s32 $0xFFFFE000  }
0xf0: {  	_ =	swait.ge [sflag:s15], $0x80  }
0xf1: {  	[sflag:s15] =	ssyncset.done $0x0  }
0xf2: {  	[sflag:s15] =	ssyncadd.s32 $0xFFFFFF80  }
0xf3: {  	[spmem:s1] =	stream.indirect.scatter.add.f32 [tilespmem:s26], [sflag:$0x9], $0x80, s28, s17, $0xb8;
	[tilespmem:$0x1EA00] =	vst v63  }
0xf4: {  	_ =	swait.ge [sflag:s16], $0x2000  }
0xf5: {  	[sflag:s16] =	ssyncset.done $0x0  }
0xf6: {  	[sflag:s16] =	ssyncadd.s32 $0xFFFFE000  }
0xf7: {  	[bflag:$0x0] =	sbarrier.arrive $0xFFFF  }
0xf8: {  	s24 =	rddreg [dreg:$0x9]  }
0xf9: {  	s10 =	rddreg [dreg:$0xb]  }
0xfa: {  	s11 =	rddreg [dreg:$0xc]  }
0xfb: {  	[hbm:s24], [sflag:s10] =	dma.local [spmem:s11], $0x2800  }
0xfc: {  	_ =	swait.ge [sflag:s16], $0x2800  }
0xfd: {  	s20 =	sadd.s32 $0x1, s20;
	s25 =	rddreg [dreg:$0xa]  }
0xfe: {  	p0 =	sne.s32 s20, s25  }
.Ltmp1:
0xff: {  	_ = 	snop;
	(pc) =	sbr.rel @p0 .LBB2_1-.Ltmp1, $3  }
0x100: {  	_ =	sdelay $0x1  }
0x101: {  	[sflag:s16] =	ssyncset.done $0x0  }
0x102: {  	[sflag:s16] =	ssyncadd.s32 $0xFFFFD800  }
0x103: {  	_ =	sfence.sel $0x180000  }
0x104: {  	[bflag:$0x0] =	sbarrier.arrive $0xFFFF  }
0x105: {  	_ =	strace $0x9000004D  }
0x106: {  	s0 =	stileid.u32;
	[bflag:$0x2] =	sbarrier.arrive $0xFFFF  }
0x107: {  	p0 =	sne.s32 s0, $0x0;
	s0 =	rddreg [dreg:$0x3]  }
0x108: {  	s0 =	sadd.s32 @!p0 $0x100000, s0  }
0x109: {  	[sflag:s0] =	ssyncadd.tile.s32 @!p0 $0x1;
	_ =	shalt  }
.Lfunc_end2:
_tile_overlayer_lowered:
.L_overlay_start_2:
0x10a: {  	(tag) =	ssettag $0x2  }
0x10b: {  	s0 =	rddreg [dreg:$0x0];
	s2 =	stileid.u32  }
0x10c: {  	s1 =	rddreg [dreg:$0x1];
	p0 =	sne.s32 s2, $0x0  }
0x10d: {  	s3 =	rddreg [dreg:$0x2];
	[bflag:$0x3] =	sbarrier.arrive $0xFFFF;
	s2 =	simm.s32 @!p0 $0x1C09  }
0x10e: {  	[timem:s3], [sflag:s2] =	dma.local @!p0 [hbm:s0], s1  }
0x10f: {  	s0 =	simm.s32 @!p0 $0x9  }
0x110: {  	_ =	swait.ge @!p0 [sflag:s0], s1  }
0x111: {  	s1 =	ssub.s32 @!p0 $0x0, s1;
	[sflag:s0] =	ssyncset.done @!p0 $0x0  }
0x112: {  	[sflag:s0] =	ssyncadd.s32 @!p0 s1  }
0x113: {  	[bflag:$0x3] =	sbarrier.arrive $0xFFFF  }
0x114: {  	_ =	shalt  }

// kernel: kernel.8.cloned.1.call-start
scs
__scs_entry_jumppad:
0x0: {  	(pc) =	sbr.rel $0x88, $3  }
0x1: {  	(tag) =	ssettag $0x0;
	lr =	simm.s32 $0x1  }
0x2: {  	[smem:$0x3F8C] =	sst lr;
	_ =	strace $0xD0000000  }
0x3: {  	_ = 	snop  }
0x4: {  	_ = 	snop  }
0x5: {  	_ = 	snop  }
0x6: {  	_ = 	snop  }
0x7: {  	_ = 	snop  }
__scs_overlays_trampoline_lowered:
0x8: {  	[smem:$0x3F9B] =	sst s0  }
0x9: {  	[smem:$0x3F9C] =	sst s1  }
0xa: {  	[smem:$0x3F9D] =	sst s2  }
0xb: {  	[smem:$0x3F9E] =	sst s3  }
0xc: {  	[smem:$0x3F9F] =	sst s4  }
0xd: {  	[smem:$0x3FA0] =	sst s5  }
0xe: {  	[smem:$0x3FA1] =	sst s6  }
0xf: {  	[smem:$0x3FA2] =	sst s7  }
0x10: {  	[smem:$0x3FA3] =	sst s8  }
0x11: {  	[smem:$0x3FA4] =	sst s9;
	s0 =	simm.s32 @!p0 $0x0  }
0x12: {  	s1 =	sld [smem:$0x3F8A];
	s0 =	simm.s32 @p0 $0x1  }
0x13: {  	[smem:$0x3FA5] =	sst s0;
	s0 =	simm.s32 @!p1 $0x0  }
0x14: {  	s2 =	sld [smem:$0x3F89];
	s0 =	simm.s32 @p1 $0x1  }
0x15: {  	[smem:$0x3FA6] =	sst s0;
	s0 =	simm.s32 @!p2 $0x0  }
0x16: {  	s3 =	sld [smem:$0x3FDB];
	s0 =	simm.s32 @p2 $0x1  }
0x17: {  	s4 =	simm.s32 $0x1BF5;
	[smem:$0x3FA8] =	sst s0  }
0x18: {  	s0 =	sld [smem:$0x3F8B];
	_ =	swait.ge [sflag:s4], $0x0  }
0x19: {  	s7 =	sld [smem:$0x3F8C]  }
0x1a: {  	s8 =	sadd.s32 $0xFFFFE003, lr  }
0x1b: {  	s9 =	sadd.s32 $0xFFFFFEF7, lr;
	s5 =	simm.s32 $0xFFFFFFFF;
	p2 =	slt.u32 s8, $0xFFFFF086  }
0x1c: {  	p1 =	slt.u32 s9, $0xF7A;
	s5 =	simm.s32 @!p2 $0x0  }
0x1d: {  	s5 =	simm.s32 @p1 $0x1;
	p0 =	seq.s32 s7, s2  }
0x1e: {  	s7 =	smul.u32 @!p0 $0xF7A, s2;
	p2 =	seq.s32 @!p0 s5, $0x0  }
0x1f: {  	s9 =	smul.u32 $0xF7A, s1;
	s8 =	simm.s32 @!p0 $0x1BF5;
	p2 =	por !p2, p0  }
0x20: {  	[sflag:s8] =	ssyncset.s32 @!p0 $0xFFFFF086;
	s6 =	sadd.s32 @!p0 s3, s7;
	s7 =	simm.s32 @!p0 $0x108  }
0x21: {  	s3 =	sadd.s32 s3, s9;
	s6 =	sadd.s32 @!p0 $0x88, s6;
	s7 =	simm.s32 @p2 $0x1082  }
0x22: {  	[simem:s7], [sflag:s8] =	dma.local @!p0 [hbm:s6], $0xF7A  }
0x23: {  	s9 =	sor.u32 $0xD0000000, s2;
	s6 =	simm.s32 $0x108;
	_ =	swait.ge @!p0 [sflag:s8], $0x0  }
0x24: {  	s3 =	sadd.s32 $0x88, s3;
	s6 =	simm.s32 @!p1 $0x1082;
	[sflag:s4] =	ssyncset.s32 $0xFFFFF086  }
0x25: {  	[simem:s6], [sflag:s4] =	dma.local [hbm:s3], $0xF7A  }
0x26: {  	[smem:$0x3F8C] =	sst s1;
	(tag) =	ssettag s2;
	_ =	strace s9  }
0x27: {  	s1 =	sld [smem:$0x3F9C]  }
0x28: {  	s2 =	sld [smem:$0x3F9D]  }
0x29: {  	s4 =	sld [smem:$0x3F9F]  }
0x2a: {  	p0 =	seq.s32 s5, $0x0;
	s5 =	sld [smem:$0x3FA0]  }
0x2b: {  	s6 =	sld [smem:$0x3FA1]  }
0x2c: {  	s7 =	sld [smem:$0x3FA2]  }
0x2d: {  	s3 =	simm.s32 $0x108;
	s8 =	sld [smem:$0x3FA3]  }
0x2e: {  	s3 =	simm.s32 @!p0 $0x1082;
	s9 =	sld [smem:$0x3FA4]  }
0x2f: {  	lr =	sadd.s32 s0, s3;
	s0 =	sld [smem:$0x3F9B]  }
0x30: {  	s3 =	sld [smem:$0x3F9E]  }
0x31: {  	[smem:$0x3FA7] =	sst s10  }
0x32: {  	s10 =	sld [smem:$0x3FA5];
	_ =	sdelay $0x3  }
0x33: {  	p0 =	seq.s32 s10, $0x1;
	s10 =	sld [smem:$0x3FA7];
	_ =	sdelay $0x3  }
0x34: {  	[smem:$0x3FA7] =	sst s10  }
0x35: {  	s10 =	sld [smem:$0x3FA6];
	_ =	sdelay $0x3  }
0x36: {  	p1 =	seq.s32 s10, $0x1;
	s10 =	sld [smem:$0x3FA7];
	_ =	sdelay $0x3  }
0x37: {  	[smem:$0x3FA7] =	sst s10  }
0x38: {  	s10 =	sld [smem:$0x3FA8]  }
0x39: {  	_ = 	snop;
	(pc) =	sbr.ind lr, $3  }
0x3a: {  	_ = 	snop  }
0x3b: {  	_ = 	snop  }
0x3c: {  	p2 =	seq.s32 s10, $0x1;
	s10 =	sld [smem:$0x3FA7]  }
0x3d: {  	_ =	shalt  }
0x3e: {  	_ =	shalt  }
0x3f: {  	_ =	shalt  }
0x40: {  	_ =	shalt  }
0x41: {  	_ =	shalt  }
0x42: {  	_ =	shalt  }
0x43: {  	_ =	shalt  }
0x44: {  	_ =	shalt  }
0x45: {  	_ =	shalt  }
0x46: {  	_ =	shalt  }
0x47: {  	_ =	shalt  }
0x48: {  	_ =	shalt  }
0x49: {  	_ =	shalt  }
0x4a: {  	_ =	shalt  }
0x4b: {  	_ =	shalt  }
0x4c: {  	_ =	shalt  }
0x4d: {  	_ =	shalt  }
0x4e: {  	_ =	shalt  }
0x4f: {  	_ =	shalt  }
0x50: {  	_ =	shalt  }
0x51: {  	_ =	shalt  }
0x52: {  	_ =	shalt  }
0x53: {  	_ =	shalt  }
0x54: {  	_ =	shalt  }
0x55: {  	_ =	shalt  }
0x56: {  	_ =	shalt  }
0x57: {  	_ =	shalt  }
0x58: {  	_ =	shalt  }
0x59: {  	_ =	shalt  }
0x5a: {  	_ =	shalt  }
0x5b: {  	_ =	shalt  }
0x5c: {  	_ =	shalt  }
0x5d: {  	_ =	shalt  }
0x5e: {  	_ =	shalt  }
0x5f: {  	_ =	shalt  }
0x60: {  	_ =	shalt  }
0x61: {  	_ =	shalt  }
0x62: {  	_ =	shalt  }
0x63: {  	_ =	shalt  }
0x64: {  	_ =	shalt  }
0x65: {  	_ =	shalt  }
0x66: {  	_ =	shalt  }
0x67: {  	_ =	shalt  }
0x68: {  	_ =	shalt  }
0x69: {  	_ =	shalt  }
0x6a: {  	_ =	shalt  }
0x6b: {  	_ =	shalt  }
0x6c: {  	_ =	shalt  }
0x6d: {  	_ =	shalt  }
0x6e: {  	_ =	shalt  }
0x6f: {  	_ =	shalt  }
0x70: {  	_ =	shalt  }
0x71: {  	_ =	shalt  }
0x72: {  	_ =	shalt  }
0x73: {  	_ =	shalt  }
0x74: {  	_ =	shalt  }
0x75: {  	_ =	shalt  }
0x76: {  	_ =	shalt  }
0x77: {  	_ =	shalt  }
0x78: {  	_ =	shalt  }
0x79: {  	_ =	shalt  }
0x7a: {  	_ =	shalt  }
0x7b: {  	_ =	shalt  }
0x7c: {  	_ =	shalt  }
0x7d: {  	_ =	shalt  }
0x7e: {  	_ =	shalt  }
0x7f: {  	_ =	shalt  }
0x80: {  	_ =	shalt  }
0x81: {  	_ =	shalt  }
0x82: {  	_ =	shalt  }
0x83: {  	_ =	shalt  }
0x84: {  	_ =	shalt  }
0x85: {  	_ =	shalt  }
0x86: {  	_ =	shalt  }
0x87: {  	_ =	shalt  }
.Lfunc_end0:
.L_simem_size_0:
called_computation_lowered:
.L_overlay_start_0:
0x88: {  	s2 =	sld [smem:$0x3FD9]  }
0x89: {  	s3 =	sld [smem:$0x3FFE];
	_ =	sdelay $0x1  }
0x8a: {  	s1 =	srdreg.scid  }
0x8b: {  	s0 =	sand.u32 $0x1, s1  }
0x8c: {  	s17 =	sshll.u32 s0, $0xA;
	s2 =	sadd.s32 s3, s2  }
0x8d: {  	s2 =	sadd.s32 s2, s17  }
0x8e: {  	[smem:$0x3FB3] =	sst s2  }
0x8f: {  	_ = 	snop  }
0x90: {  	s2 =	sld [smem:$0x3FC9]  }
0x91: {  	s18 =	sld [smem:$0x3FD0];
	(tm) =	ssettm $0x1  }
0x92: {  	s4 =	sld [smem:$0x3FFB];
	_ =	sdelay $0x3  }
0x93: {  	_ =	strace s4  }
0x94: {  	s4 =	sld [smem:$0x3FFC];
	_ =	sdelay $0x3  }
0x95: {  	_ =	strace s4  }
0x96: {  	s4 =	sld [smem:$0x3FFD];
	_ =	sdelay $0x3  }
0x97: {  	_ =	strace s4  }
0x98: {  	_ =	strace $0x8FFFFFFF  }
0x99: {  	s19 =	sld [smem:$0x3FDB];
	_ =	sdelay $0x1  }
0x9a: {  	s5 =	simm.s32 $_scs_section_size  }
0x9b: {  	s6 =	simm.s32 $_size__tile_overlayer_lowered;
	s7 =	simm.s32 $_tile_overlayer_lowered  }
0x9c: {  	s22 =	simm.s32 $0x1BFF;
	s21 =	sshll.u32 s7, $0x1;
	s4 =	sadd.s32 s5, s19  }
0x9d: {  	s8 =	simm.s32 $0x0;
	s20 =	sshll.u32 s6, $0x1;
	s6 =	sadd.s32 s21, s4  }
0x9e: {  	[timem:s8], [sflag:s22] =	dma.local [hbm:s6], s20  }
0x9f: {  	_ =	swait.ge [sflag:s22], s20  }
0xa0: {  	s5 =	ssub.s32 $0x0, s20;
	[sflag:s22] =	ssyncset.done $0x0  }
0xa1: {  	[sflag:s22] =	ssyncadd.s32 s5;
	_ =	sdelay $0x1  }
0xa2: {  	s23 =	simm.s32 $0x1B8B  }
0xa3: {  	_ =	swait.ge [sflag:s23], $0x1  }
0xa4: {  	[sflag:s23] =	ssyncset.done $0x0  }
0xa5: {  	s25 =	simm.s32 $0x1B8E;
	s24 =	sld [smem:$0x3FFE];
	[sflag:s23] =	ssyncadd.s32 $0xFFFFFFFF  }
0xa6: {  	s26 =	simm.s32 $execute0_lowered;
	[smem:$0x3FD2] =	sst s25  }
0xa7: {  	s6 =	sshll.u32 s26, $0x1;
	_ =	strace $0x80000046;
	[dreg:$0x1] =	wrdreg $0xFFFFFFFF  }
0xa8: {  	s28 =	simm.s32 $_size_execute0_lowered;
	s4 =	sadd.s32 s4, s6;
	[dreg:$0x0] =	wrdreg $0x0  }
0xa9: {  	s6 =	sshll.u32 s28, $0x1;
	[dreg:$0x2] =	wrdreg s4  }
0xaa: {  	[dreg:$0x3] =	wrdreg s6  }
0xab: {  	[dreg:$0x4] =	wrdreg $0xC0  }
0xac: {  	_ =	task [dreg:s8], $0x5FFFF  }
0xad: {  	[dreg:$0x1] =	wrdreg $0xFFFFFFFF  }
0xae: {  	[dreg:$0x0] =	wrdreg $0x60  }
0xaf: {  	[dreg:$0x2] =	wrdreg s2  }
0xb0: {  	[dreg:$0x3] =	wrdreg s18  }
0xb1: {  	[dreg:$0x4] =	wrdreg s24  }
0xb2: {  	[dreg:$0x5] =	wrdreg $0xAA800  }
0xb3: {  	[dreg:$0x6] =	wrdreg $0x1EA800  }
0xb4: {  	[dreg:$0x7] =	wrdreg $0x9  }
0xb5: {  	_ =	task.clear_ibuf [dreg:s8], $0x8FFFF;
	_ =	strace $0x90000046  }
0xb6: {  	s29 =	simm.s32 $0x9;
	_ =	strace $0x80000048  }
0xb7: {  	_ =	swait.ge [sflag:s29], $0x1  }
0xb8: {  	[sflag:s29] =	ssyncadd.s32 $0xFFFFFFFF  }
0xb9: {  	_ =	strace $0x90000048  }
0xba: {  	_ =	sfence  }
0xbb: {  	s30 =	sld [smem:$0x0];
	_ =	sdelay $0x2  }
0xbc: {  	s31 =	sshll.u32 s1, $0xD;
	s1 =	sshrl.u32 s1, $0x2  }
0xbd: {  	s3 =	sand.u32 $0x4000, s31;
	s1 =	sadd.s32 s1, s30  }
0xbe: {  	s0 =	sor.u32 s3, s0;
	s1 =	sshll.u32 s1, $0x11  }
0xbf: {  	s0 =	sor.u32 s1, s0  }
0xc0: {  	s0 =	sadd.s32 $0x8F2B, s0  }
0xc1: {  	[sflag:s0] =	ssyncadd.remote.s32 $0x1  }
0xc2: {  	_ =	sfence.sel $0xFFFF  }
0xc3: {  	[dreg:$0x0] =	wrdreg $0xFFFFFFFF;
	(pc) =	sbr.abs _section_cstart, $3  }
0xc4: {  	[dreg:$0x1] =	wrdreg $0xFFFFFFFF  }
0xc5: {  	_ =	task.clear_ibuf [dreg:s8], $0x2FFFF;
	_ =	strace $0x9FFFFFFF  }
0xc6: {  	(tm) =	ssettm $0x7FFFFFFF  }
0xc7: {  	_ =	shalt  }
tec
execute0_lowered:
.L_overlay_start_1:
0x0: {  	(tag) =	ssettag $0x1  }
0x1: {  	s1 =	rddreg [dreg:$0x0]  }
0x2: {  	s0 =	rddreg [dreg:$0x1]  }
0x3: {  	s2 =	rddreg [dreg:$0x2]  }
0x4: {  	s3 =	rddreg [dreg:$0x3]  }
0x5: {  	s4 =	rddreg [dreg:$0x4]  }
0x6: {  	s7 =	simm.s32 $0x0;
	s5 =	stileid.u32;
	s6 =	srdreg.scid  }
0x7: {  	s28 =	simm.s32 $0x2880;
	s30 =	simm.s32 $0x2900;
	s31 =	simm.s32 $0xAA00  }
0x8: {  	[smem:$0x7FF] =	sst s7;
	s24 =	smul.u32 $0x280, s5;
	s8 =	sand.u32 $0x1, s6  }
0x9: {  	s6 =	sadd.s32 $0x4600, s2;
	s11 =	smul.u32 $0x14000, s5;
	s12 =	sadd.s32 $0x18600, s2  }
0xa: {  	s25 =	sadd.s32 $0x1B400, s2;
	s26 =	smul.u32 $0x500, s5;
	s16 =	sshll.u32 s5, $0x7  }
0xb: {  	s19 =	smul.u32 $0x50000, s5;
	_ =	strace $0x80000047;
	[dreg:$0x6] =	wrdreg s12  }
0xc: {  	s7 =	simm.s32 $0x5;
	s9 =	smul.u32 $0x140000, s8;
	[dreg:$0x7] =	wrdreg s25  }
0xd: {  	s29 =	sshll.u32 s8, $0x4;
	s13 =	sshll.u32 s8, $0x7;
	s8 =	ssub.s32 $0x2, s8  }
0xe: {  	s10 =	sshrl.u32 s24, $0x3;
	s12 =	sor.u32 s5, s29;
	s13 =	sor.u32 s13, s26  }
0xf: {  	s17 =	sshrl.u32 s8, $0x1;
	s22 =	sshrl.u32 s19, $0x2;
	s23 =	sadd.s32 s24, s4  }
0x10: {  	s10 =	sadd.s32 s10, s2;
	s9 =	sadd.s32 s11, s9;
	s15 =	sshrl.u32 s12, $0x3  }
0x11: {  	s13 =	sshrl.u32 s13, $0x3;
	s8 =	ssub.s32 s8, s17;
	[dreg:$0xd] =	wrdreg s23  }
0x12: {  	s23 =	simm.s32 $0x40;
	s9 =	sshrl.u32 s9, $0x3;
	s11 =	smul.u32 $0x14000, s15  }
0x13: {  	s15 =	sand.u32 $0x380, s16;
	s24 =	sadd.s32 $0x1AE00, s10;
	s29 =	smax.u32 s8, $0x1  }
0x14: {  	s8 =	simm.s32 $0x2;
	s10 =	simm.s32 $0x6;
	s14 =	sadd.s32 s9, s2  }
0x15: {  	s9 =	smul.u32 $0x5000, s12;
	s2 =	sadd.s32 s13, s2;
	[dreg:$0xe] =	wrdreg s24  }
0x16: {  	[dreg:$0x11] =	wrdreg s29;
	s12 =	simm.s32 $0x3;
	s13 =	simm.s32 $0x7  }
0x17: {  	s11 =	sor.u32 s15, s11;
	s25 =	sadd.s32 $0x1C000, s14;
	s26 =	sadd.s32 $0x1B600, s2  }
0x18: {  	s2 =	simm.s32 $0x1;
	s11 =	sshrl.u32 s11, $0x3;
	[dreg:$0xf] =	wrdreg s25  }
0x19: {  	s18 =	sshrl.u32 s9, $0x3;
	[dreg:$0x10] =	wrdreg s26;
	s0 =	sadd.s32 s0, s11  }
0x1a: {  	s14 =	simm.s32 $0x8;
	s20 =	sadd.s32 s6, s18;
	[dreg:$0x8] =	wrdreg s0  }
0x1b: {  	s11 =	simm.s32 $0x0;
	s21 =	sadd.s32 $0x10, s20;
	[dreg:$0x9] =	wrdreg s20  }
0x1c: {  	s0 =	sadd.s32 $0x20, s20;
	s20 =	simm.s32 $0x4;
	[dreg:$0xa] =	wrdreg s21  }
0x1d: {  	[dreg:$0xb] =	wrdreg s0;
	s0 =	sadd.s32 s22, s3;
	s22 =	simm.s32 $0x9  }
0x1e: {  	s21 =	simm.s32 $0x2980;
	[dreg:$0xc] =	wrdreg s0;
	s0 =	simm.s32 $0x8A00  }
.LBB2_1:
0x1f: {  	[dreg:$0x12] =	wrdreg s11;
	s16 =	simm.s32 $0x0  }
0x20: {  	s5 =	rddreg [dreg:$0x8];
	s29 =	simm.s32 $0x80;
	s15 =	simm.s32 $0x400  }
0x21: {  	[tilespmem:s16], [sflag:$0x9] =	stream.strided.gather [hbm4b:s5+s29], $0x2800, s15, s29, $0x38;
	[tilespmem:$0x1ED00] =	vst v63  }
0x22: {  	_ =	swait.ge [sflag:s22], $0x2800  }
0x23: {  	[sflag:s22] =	ssyncset.done $0x0  }
0x24: {  	s17 =	simm.s32 $0x2A00;
	[sflag:s22] =	ssyncadd.s32 $0xFFFFD800  }
0x25: {  	[tilespmem:s17], [sflag:$0x1] =	stream.indirect.gather [hbm4b:s1+s23], $0x80, s16, s23, $0xb8;
	[tilespmem:$0x1ED00] =	vst v63  }
0x26: {  	s18 =	simm.s32 $0x2800;
	s24 =	rddreg [dreg:$0x9]  }
0x27: {  	[tilespmem:s18], [sflag:$0x5] =	stream.linear.gather [hbm4b:s24+s16], $0x80, $0x38;
	[tilespmem:$0x1ED00] =	vst v63  }
0x28: {  	s19 =	simm.s32 $0x4A00  }
0x29: {  	[tilespmem:s19], [sflag:$0x2] =	stream.indirect.gather [hbm4b:s1+s23], $0x80, s23, s23, $0xb8;
	[tilespmem:$0x1ED00] =	vst v63  }
0x2a: {  	s25 =	rddreg [dreg:$0xa]  }
0x2b: {  	[tilespmem:s28], [sflag:$0x6] =	stream.linear.gather [hbm4b:s25+s16], $0x80, $0x38;
	[tilespmem:$0x1ED00] =	vst v63  }
0x2c: {  	s15 =	rddreg [dreg:$0xc];
	s24 =	simm.s32 $0x6A00  }
0x2d: {  	[tilespmem:s24], [sflag:$0x3] =	stream.indirect.gather [hbm4b:s1+s23], $0x80, s29, s23, $0xb8;
	[tilespmem:$0x1ED00] =	vst v63  }
0x2e: {  	s26 =	rddreg [dreg:$0xb];
	s25 =	sshrl.u32 s15, $0x3;
	s29 =	stileid.u32  }
0x2f: {  	[dreg:$0x14] =	wrdreg s25;
	s5 =	sshll.u32 s29, $0x6  }
0x30: {  	[tilespmem:s30], [sflag:$0x7] =	stream.linear.gather [hbm4b:s26+s16], $0x80, $0x38;
	[tilespmem:$0x1ED00] =	vst v63  }
0x31: {  	s11 =	sor.u32 $0x1C09, s5;
	s26 =	rddreg [dreg:$0x6]  }
0x32: {  	[spmem:s25], [sflag:s11] =	dma.local [hbm:s26], $0x2800  }
0x33: {  	_ =	swait.ge [sflag:s22], $0x2800;
	[dreg:$0x13] =	wrdreg s11  }
0x34: {  	s29 =	rddreg [dreg:$0xd]  }
0x35: {  	[sflag:s22] =	ssyncset.done $0x0;
	s25 =	rddreg [dreg:$0xe];
	s5 =	sshrl.u32 s29, $0x3  }
0x36: {  	[sflag:s22] =	ssyncadd.s32 $0xFFFFD800;
	[dreg:$0x15] =	wrdreg s5  }
0x37: {  	[spmem:s5], [sflag:s11] =	dma.local [hbm:s25], $0x50  }
0x38: {  	_ =	swait.ge [sflag:s22], $0x50  }
0x39: {  	[sflag:s22] =	ssyncset.done $0x0  }
0x3a: {  	s26 =	rddreg [dreg:$0x7];
	[sflag:s22] =	ssyncadd.s32 $0xFFFFFFB0  }
0x3b: {  	[tilespmem:s31], [sflag:$0x9] =	stream.linear.gather [hbm4b:s26+s16], $0x80, $0x38;
	[tilespmem:$0x1ED00] =	vst v63  }
0x3c: {  	s29 =	sand.u32 $0x7C00, s16;
	s5 =	simm.s32 $0x180;
	_ =	swait.ge [sflag:s22], $0x80  }
0x3d: {  	s11 =	sadd.s32 s9, s29;
	s15 =	sand.u32 $0x380, s5;
	[sflag:s22] =	ssyncset.done $0x0  }
0x3e: {  	s11 =	sor.u32 s11, s15;
	[sflag:s22] =	ssyncadd.s32 $0xFFFFFF80  }
0x3f: {  	s25 =	simm.s32 $0xC0;
	s11 =	sshrl.u32 s11, $0x3;
	[bflag:$0x0] =	sbarrier.arrive $0xFFFF  }
0x40: {  	[tilespmem:s0], [sflag:$0x4] =	stream.indirect.gather [hbm4b:s1+s23], $0x80, s25, s23, $0xb8;
	[tilespmem:$0x1ED00] =	vst v63  }
0x41: {  	s11 =	sadd.s32 s6, s11  }
0x42: {  	[tilespmem:s21], [sflag:$0x8] =	stream.linear.gather [hbm4b:s11+s16], $0x80, $0x38;
	[tilespmem:$0x1ED00] =	vst v63  }
0x43: {  	_ =	swait.ge [sflag:s2], $0x2000  }
0x44: {  	[sflag:s2] =	ssyncset.done $0x0  }
0x45: {  	[sflag:s2] =	ssyncadd.s32 $0xFFFFE000  }
0x46: {  	_ =	swait.ge [sflag:s7], $0x80  }
0x47: {  	[sflag:s7] =	ssyncset.done $0x0  }
0x48: {  	[sflag:s7] =	ssyncadd.s32 $0xFFFFFF80  }
0x49: {  	[spmem:s3] =	stream.indirect.scatter.add.f32 [tilespmem:s17], [sflag:$0x9], $0x80, s18, s23, $0xb8;
	[tilespmem:$0x1ED00] =	vst v63  }
0x4a: {  	p0 =	por $0x0, $0x0;
	_ =	swait.ge [sflag:s22], $0x2000  }
0x4b: {  	s11 =	simm.s32 @!p0 $0x200;
	[sflag:s22] =	ssyncset.done $0x0  }
0x4c: {  	s16 =	simm.s32 @!p0 $0x100;
	s15 =	sand.u32 @!p0 $0xFC00, s11;
	[sflag:s22] =	ssyncadd.s32 $0xFFFFE000  }
0x4d: {  	[spmem:s4] =	stream.indirect.scatter.add.f32 [tilespmem:s31], [sflag:$0x9], $0x1, s18, s23, $0xb8;
	[tilespmem:$0x1ED00] =	vst v63  }
0x4e: {  	s11 =	sand.u32 @!p0 $0x200, s11;
	s15 =	sadd.s32 @!p0 s9, s15;
	_ =	swait.ge [sflag:s22], $0x40  }
0x4f: {  	s11 =	sor.u32 @!p0 s11, s15;
	s15 =	simm.s32 @!p0 $0x2A00;
	[sflag:s22] =	ssyncset.done $0x0  }
0x50: {  	s11 =	sshrl.u32 @!p0 s11, $0x3;
	s17 =	simm.s32 @!p0 $0x40;
	[sflag:s22] =	ssyncadd.s32 $0xFFFFFFC0  }
0x51: {  	[tilespmem:s15], [sflag:$0x1] =	stream.indirect.gather @!p0 [hbm4b:s1+s17], $0x80, s16, s17, $0xb8;
	[tilespmem:$0x1ED00] =	vst v63  }
0x52: {  	s11 =	sadd.s32 @!p0 s6, s11;
	s15 =	simm.s32 @!p0 $0x0;
	s16 =	simm.s32 @!p0 $0x2800  }
0x53: {  	[tilespmem:s16], [sflag:$0x5] =	stream.linear.gather @!p0 [hbm4b:s11+s15], $0x80, $0x38;
	[tilespmem:$0x1ED00] =	vst v63  }
0x54: {  	_ =	swait.ge [sflag:s8], $0x2000  }
0x55: {  	[sflag:s8] =	ssyncset.done $0x0  }
0x56: {  	[sflag:s8] =	ssyncadd.s32 $0xFFFFE000  }
0x57: {  	_ =	swait.ge [sflag:s10], $0x80  }
0x58: {  	[sflag:s10] =	ssyncset.done $0x0  }
0x59: {  	[sflag:s10] =	ssyncadd.s32 $0xFFFFFF80  }
0x5a: {  	[spmem:s3] =	stream.indirect.scatter.add.f32 [tilespmem:s19], [sflag:$0x9], $0x80, s28, s23, $0xb8;
	[tilespmem:$0x1ED00] =	vst v63  }
0x5b: {  	_ =	swait.ge [sflag:s22], $0x2000  }
0x5c: {  	s11 =	simm.s32 @!p0 $0x280;
	[sflag:s22] =	ssyncset.done $0x0  }
0x5d: {  	s16 =	sand.u32 @!p0 $0xFC00, s11;
	[sflag:s22] =	ssyncadd.s32 $0xFFFFE000  }
0x5e: {  	[spmem:s4] =	stream.indirect.scatter.add.f32 [tilespmem:s31], [sflag:$0x9], $0x1, s28, s23, $0xb8;
	[tilespmem:$0x1ED00] =	vst v63  }
0x5f: {  	s11 =	sand.u32 @!p0 $0x280, s11;
	s16 =	sadd.s32 @!p0 s9, s16;
	_ =	swait.ge [sflag:s22], $0x40  }
0x60: {  	s18 =	simm.s32 @!p0 $0x4A00;
	s11 =	sor.u32 @!p0 s11, s16;
	[sflag:s22] =	ssyncset.done $0x0  }
0x61: {  	s16 =	simm.s32 @!p0 $0x140;
	s11 =	sshrl.u32 @!p0 s11, $0x3;
	[sflag:s22] =	ssyncadd.s32 $0xFFFFFFC0  }
0x62: {  	[tilespmem:s18], [sflag:$0x2] =	stream.indirect.gather @!p0 [hbm4b:s1+s17], $0x80, s16, s17, $0xb8;
	[tilespmem:$0x1ED00] =	vst v63  }
0x63: {  	s11 =	sadd.s32 @!p0 s6, s11;
	s16 =	simm.s32 @!p0 $0x2880  }
0x64: {  	[tilespmem:s16], [sflag:$0x6] =	stream.linear.gather @!p0 [hbm4b:s11+s15], $0x80, $0x38;
	[tilespmem:$0x1ED00] =	vst v63  }
0x65: {  	_ =	swait.ge [sflag:s12], $0x2000  }
0x66: {  	[sflag:s12] =	ssyncset.done $0x0  }
0x67: {  	[sflag:s12] =	ssyncadd.s32 $0xFFFFE000  }
0x68: {  	_ =	swait.ge [sflag:s13], $0x80  }
0x69: {  	[sflag:s13] =	ssyncset.done $0x0  }
0x6a: {  	[sflag:s13] =	ssyncadd.s32 $0xFFFFFF80  }
0x6b: {  	[spmem:s3] =	stream.indirect.scatter.add.f32 [tilespmem:s24], [sflag:$0x9], $0x80, s30, s23, $0xb8;
	[tilespmem:$0x1ED00] =	vst v63  }
0x6c: {  	_ =	swait.ge [sflag:s22], $0x2000  }
0x6d: {  	s11 =	simm.s32 @!p0 $0x300;
	[sflag:s22] =	ssyncset.done $0x0  }
0x6e: {  	s16 =	sand.u32 @!p0 $0xFC00, s11;
	[sflag:s22] =	ssyncadd.s32 $0xFFFFE000  }
0x6f: {  	[spmem:s4] =	stream.indirect.scatter.add.f32 [tilespmem:s31], [sflag:$0x9], $0x1, s30, s23, $0xb8;
	[tilespmem:$0x1ED00] =	vst v63  }
0x70: {  	s11 =	sand.u32 @!p0 $0x300, s11;
	s16 =	sadd.s32 @!p0 s9, s16;
	_ =	swait.ge [sflag:s22], $0x40  }
0x71: {  	s18 =	simm.s32 @!p0 $0x6A00;
	s11 =	sor.u32 @!p0 s11, s16;
	[sflag:s22] =	ssyncset.done $0x0  }
0x72: {  	s16 =	simm.s32 @!p0 $0x180;
	s11 =	sshrl.u32 @!p0 s11, $0x3;
	[sflag:s22] =	ssyncadd.s32 $0xFFFFFFC0  }
0x73: {  	[tilespmem:s18], [sflag:$0x3] =	stream.indirect.gather @!p0 [hbm4b:s1+s17], $0x80, s16, s17, $0xb8;
	[tilespmem:$0x1ED00] =	vst v63  }
0x74: {  	s11 =	sadd.s32 @!p0 s6, s11;
	s16 =	simm.s32 @!p0 $0x2900  }
0x75: {  	[tilespmem:s16], [sflag:$0x7] =	stream.linear.gather @!p0 [hbm4b:s11+s15], $0x80, $0x38;
	[tilespmem:$0x1ED00] =	vst v63  }
0x76: {  	_ =	swait.ge [sflag:s20], $0x2000  }
0x77: {  	s29 =	simm.s32 $0x380;
	[sflag:s20] =	ssyncset.done $0x0  }
0x78: {  	s19 =	simm.s32 $0x1C0;
	s11 =	simm.s32 $0x200;
	[sflag:s20] =	ssyncadd.s32 $0xFFFFE000  }
0x79: {  	s17 =	simm.s32 $0x400;
	s26 =	sand.u32 $0x7C00, s11;
	_ =	swait.ge [sflag:s14], $0x80  }
0x7a: {  	s16 =	sand.u32 $0x380, s29;
	s15 =	sadd.s32 s9, s26;
	[sflag:s14] =	ssyncset.done $0x0  }
.LBB2_2:
0x7b: {  	s15 =	sor.u32 s15, s16  }
0x7c: {  	[sflag:s14] =	ssyncadd.s32 $0xFFFFFF80;
	s18 =	smov.u32 s17;
	s17 =	sadd.s32 $0x200, s17  }
0x7d: {  	[spmem:s3] =	stream.indirect.scatter.add.f32 [tilespmem:s0], [sflag:$0x9], $0x80, s21, s23, $0xb8;
	[tilespmem:$0x1ED00] =	vst v63  }
0x7e: {  	p0 =	sne.s32 s17, $0x5000;
	s15 =	sshrl.u32 s15, $0x3;
	_ =	swait.ge [sflag:s22], $0x2000  }
0x7f: {  	[sflag:s22] =	ssyncset.done $0x0  }
0x80: {  	[sflag:s22] =	ssyncadd.s32 $0xFFFFE000  }
0x81: {  	[spmem:s4] =	stream.indirect.scatter.add.f32 [tilespmem:s31], [sflag:$0x9], $0x1, s21, s23, $0xb8;
	[tilespmem:$0x1ED00] =	vst v63  }
0x82: {  	_ =	swait.ge [sflag:s22], $0x40  }
0x83: {  	[sflag:s22] =	ssyncset.done $0x0  }
0x84: {  	[sflag:s22] =	ssyncadd.s32 $0xFFFFFFC0  }
0x85: {  	[tilespmem:s0], [sflag:$0x4] =	stream.indirect.gather [hbm4b:s1+s23], $0x80, s19, s23, $0xb8;
	[tilespmem:$0x1ED00] =	vst v63  }
0x86: {  	s5 =	simm.s32 $0x0;
	s15 =	sadd.s32 s6, s15  }
0x87: {  	[tilespmem:s21], [sflag:$0x8] =	stream.linear.gather [hbm4b:s15+s5], $0x80, $0x38;
	[tilespmem:$0x1ED00] =	vst v63  }
0x88: {  	_ =	swait.ge [sflag:s2], $0x2000  }
0x89: {  	p1 =	seq.s32 s11, $0x4E00;
	[sflag:s2] =	ssyncset.done $0x0  }
0x8a: {  	s25 =	simm.s32 $0x2A00;
	s29 =	simm.s32 $0x2800;
	[sflag:s2] =	ssyncadd.s32 $0xFFFFE000  }
0x8b: {  	s16 =	sadd.s32 @!p1 $0x300, s11;
	s15 =	sadd.s32 @!p1 $0x200, s11;
	_ =	swait.ge [sflag:s7], $0x80  }
0x8c: {  	s5 =	sand.u32 @!p1 $0xFC00, s15;
	s15 =	sand.u32 @!p1 $0x200, s15;
	[sflag:s7] =	ssyncset.done $0x0  }
0x8d: {  	s24 =	sand.u32 @!p1 $0xFC00, s16;
	s5 =	sadd.s32 @!p1 s9, s5;
	[sflag:s7] =	ssyncadd.s32 $0xFFFFFF80  }
0x8e: {  	[spmem:s3] =	stream.indirect.scatter.add.f32 [tilespmem:s25], [sflag:$0x9], $0x80, s29, s23, $0xb8;
	[tilespmem:$0x1ED00] =	vst v63  }
0x8f: {  	s11 =	sadd.s32 @!p1 $0x280, s11;
	s5 =	sor.u32 @!p1 s15, s5;
	_ =	swait.ge [sflag:s22], $0x2000  }
0x90: {  	s26 =	sand.u32 @!p1 $0x300, s16;
	s5 =	sshrl.u32 @!p1 s5, $0x3;
	[sflag:s22] =	ssyncset.done $0x0  }
0x91: {  	s15 =	simm.s32 @!p1 $0x2A00;
	s5 =	sadd.s32 @!p1 s6, s5;
	[sflag:s22] =	ssyncadd.s32 $0xFFFFE000  }
0x92: {  	[spmem:s4] =	stream.indirect.scatter.add.f32 [tilespmem:s31], [sflag:$0x9], $0x1, s29, s23, $0xb8;
	[tilespmem:$0x1ED00] =	vst v63  }
0x93: {  	s16 =	sand.u32 @!p1 $0xFC00, s11;
	s29 =	sadd.s32 @!p1 $0x40, s19;
	_ =	swait.ge [sflag:s22], $0x40  }
0x94: {  	s11 =	sand.u32 @!p1 $0x280, s11;
	s25 =	sadd.s32 @!p1 s9, s16;
	[sflag:s22] =	ssyncset.done $0x0  }
0x95: {  	s16 =	simm.s32 @!p1 $0x40;
	s11 =	sor.u32 @!p1 s11, s25;
	[sflag:s22] =	ssyncadd.s32 $0xFFFFFFC0  }
0x96: {  	[tilespmem:s15], [sflag:$0x1] =	stream.indirect.gather @!p1 [hbm4b:s1+s16], $0x80, s29, s16, $0xb8;
	[tilespmem:$0x1ED00] =	vst v63  }
0x97: {  	s24 =	sadd.s32 @!p1 s9, s24;
	s11 =	sshrl.u32 @!p1 s11, $0x3;
	s15 =	simm.s32 @!p1 $0x0  }
0x98: {  	s25 =	simm.s32 @!p1 $0x2800;
	s29 =	sadd.s32 @!p1 s6, s11;
	s11 =	sor.u32 @!p1 s26, s24  }
0x99: {  	[tilespmem:s25], [sflag:$0x5] =	stream.linear.gather @!p1 [hbm4b:s5+s15], $0x80, $0x38;
	[tilespmem:$0x1ED00] =	vst v63  }
0x9a: {  	s5 =	sshrl.u32 @!p1 s11, $0x3;
	s11 =	smov.u32 s18;
	_ =	swait.ge [sflag:s8], $0x2000  }
0x9b: {  	s18 =	sadd.s32 @!p1 s6, s5;
	[sflag:s8] =	ssyncset.done $0x0  }
0x9c: {  	[sflag:s8] =	ssyncadd.s32 $0xFFFFE000  }
0x9d: {  	_ =	swait.ge [sflag:s10], $0x80  }
0x9e: {  	[sflag:s10] =	ssyncset.done $0x0  }
0x9f: {  	s5 =	simm.s32 $0x4A00;
	[sflag:s10] =	ssyncadd.s32 $0xFFFFFF80  }
0xa0: {  	[spmem:s3] =	stream.indirect.scatter.add.f32 [tilespmem:s5], [sflag:$0x9], $0x80, s28, s23, $0xb8;
	[tilespmem:$0x1ED00] =	vst v63  }
0xa1: {  	_ =	swait.ge [sflag:s22], $0x2000  }
0xa2: {  	[sflag:s22] =	ssyncset.done $0x0  }
0xa3: {  	[sflag:s22] =	ssyncadd.s32 $0xFFFFE000  }
0xa4: {  	[spmem:s4] =	stream.indirect.scatter.add.f32 [tilespmem:s31], [sflag:$0x9], $0x1, s28, s23, $0xb8;
	[tilespmem:$0x1ED00] =	vst v63  }
0xa5: {  	s24 =	simm.s32 @!p1 $0x4A00;
	s5 =	sadd.s32 @!p1 $0x80, s19;
	_ =	swait.ge [sflag:s22], $0x40  }
0xa6: {  	[sflag:s22] =	ssyncset.done $0x0  }
0xa7: {  	s25 =	simm.s32 @!p1 $0x2880;
	[sflag:s22] =	ssyncadd.s32 $0xFFFFFFC0  }
0xa8: {  	[tilespmem:s24], [sflag:$0x2] =	stream.indirect.gather @!p1 [hbm4b:s1+s16], $0x80, s5, s16, $0xb8;
	[tilespmem:$0x1ED00] =	vst v63  }
0xa9: {  	_ = 	snop  }
0xaa: {  	[tilespmem:s25], [sflag:$0x6] =	stream.linear.gather @!p1 [hbm4b:s29+s15], $0x80, $0x38;
	[tilespmem:$0x1ED00] =	vst v63  }
0xab: {  	_ =	swait.ge [sflag:s12], $0x2000  }
0xac: {  	[sflag:s12] =	ssyncset.done $0x0  }
0xad: {  	[sflag:s12] =	ssyncadd.s32 $0xFFFFE000  }
0xae: {  	_ =	swait.ge [sflag:s13], $0x80  }
0xaf: {  	[sflag:s13] =	ssyncset.done $0x0  }
0xb0: {  	s5 =	simm.s32 $0x6A00;
	[sflag:s13] =	ssyncadd.s32 $0xFFFFFF80  }
0xb1: {  	[spmem:s3] =	stream.indirect.scatter.add.f32 [tilespmem:s5], [sflag:$0x9], $0x80, s30, s23, $0xb8;
	[tilespmem:$0x1ED00] =	vst v63  }
0xb2: {  	_ =	swait.ge [sflag:s22], $0x2000  }
0xb3: {  	[sflag:s22] =	ssyncset.done $0x0  }
0xb4: {  	[sflag:s22] =	ssyncadd.s32 $0xFFFFE000  }
0xb5: {  	[spmem:s4] =	stream.indirect.scatter.add.f32 [tilespmem:s31], [sflag:$0x9], $0x1, s30, s23, $0xb8;
	[tilespmem:$0x1ED00] =	vst v63  }
0xb6: {  	s24 =	simm.s32 @!p1 $0x6A00;
	s5 =	sadd.s32 @!p1 $0xC0, s19;
	_ =	swait.ge [sflag:s22], $0x40  }
0xb7: {  	[sflag:s22] =	ssyncset.done $0x0  }
0xb8: {  	s25 =	simm.s32 @!p1 $0x2900;
	[sflag:s22] =	ssyncadd.s32 $0xFFFFFFC0  }
0xb9: {  	[tilespmem:s24], [sflag:$0x3] =	stream.indirect.gather @!p1 [hbm4b:s1+s16], $0x80, s5, s16, $0xb8;
	[tilespmem:$0x1ED00] =	vst v63  }
0xba: {  	_ = 	snop  }
0xbb: {  	[tilespmem:s25], [sflag:$0x7] =	stream.linear.gather @!p1 [hbm4b:s18+s15], $0x80, $0x38;
	[tilespmem:$0x1ED00] =	vst v63  }
.Ltmp0:
0xbc: {  	_ =	swait.ge [sflag:s20], $0x2000;
	(pc) =	sbr.rel @p0 .LBB2_2-.Ltmp0, $4  }
0xbd: {  	[sflag:s20] =	ssyncset.done $0x0  }
0xbe: {  	s5 =	sand.u32 $0x7C00, s11;
	s16 =	sadd.s32 $0x180, s11;
	[sflag:s20] =	ssyncadd.s32 $0xFFFFE000  }
0xbf: {  	s16 =	sand.u32 $0x380, s16;
	s15 =	sadd.s32 s9, s5;
	_ =	swait.ge [sflag:s14], $0x80  }
0xc0: {  	s19 =	sadd.s32 $0x100, s19;
	[sflag:s14] =	ssyncset.done $0x0  }
0xc1: {  	[sflag:s14] =	ssyncadd.s32 $0xFFFFFF80  }
0xc2: {  	[spmem:s3] =	stream.indirect.scatter.add.f32 [tilespmem:s0], [sflag:$0x9], $0x80, s21, s23, $0xb8;
	[tilespmem:$0x1ED00] =	vst v63  }
0xc3: {  	_ =	swait.ge [sflag:s22], $0x2000  }
0xc4: {  	[sflag:s22] =	ssyncset.done $0x0  }
0xc5: {  	[sflag:s22] =	ssyncadd.s32 $0xFFFFE000  }
0xc6: {  	[spmem:s4] =	stream.indirect.scatter.add.f32 [tilespmem:s31], [sflag:$0x9], $0x1, s21, s23, $0xb8;
	[tilespmem:$0x1ED00] =	vst v63  }
0xc7: {  	_ =	swait.ge [sflag:s22], $0x40  }
0xc8: {  	s5 =	sor.u32 s15, s16;
	[sflag:s22] =	ssyncset.done $0x0  }
0xc9: {  	s5 =	sshrl.u32 s5, $0x3;
	[sflag:s22] =	ssyncadd.s32 $0xFFFFFFC0  }
0xca: {  	[tilespmem:s0], [sflag:$0x4] =	stream.indirect.gather [hbm4b:s1+s23], $0x80, s19, s23, $0xb8;
	[tilespmem:$0x1ED00] =	vst v63  }
0xcb: {  	s18 =	simm.s32 $0x0;
	s5 =	sadd.s32 s6, s5  }
0xcc: {  	[tilespmem:s21], [sflag:$0x8] =	stream.linear.gather [hbm4b:s5+s18], $0x80, $0x38;
	[tilespmem:$0x1ED00] =	vst v63  }
0xcd: {  	_ =	swait.ge [sflag:s2], $0x2000  }
0xce: {  	[sflag:s2] =	ssyncset.done $0x0  }
0xcf: {  	[sflag:s2] =	ssyncadd.s32 $0xFFFFE000  }
0xd0: {  	_ =	swait.ge [sflag:s7], $0x80  }
0xd1: {  	[sflag:s7] =	ssyncset.done $0x0  }
0xd2: {  	s24 =	simm.s32 $0x2A00;
	s25 =	simm.s32 $0x2800;
	[sflag:s7] =	ssyncadd.s32 $0xFFFFFF80  }
0xd3: {  	[spmem:s3] =	stream.indirect.scatter.add.f32 [tilespmem:s24], [sflag:$0x9], $0x80, s25, s23, $0xb8;
	[tilespmem:$0x1ED00] =	vst v63  }
0xd4: {  	p0 =	seq.s32 s11, $0x4E00;
	_ =	swait.ge [sflag:s22], $0x2000  }
0xd5: {  	s5 =	sadd.s32 @!p0 $0x200, s11;
	[sflag:s22] =	ssyncset.done $0x0  }
0xd6: {  	s16 =	sadd.s32 @!p0 $0x40, s19;
	s15 =	sand.u32 @!p0 $0xFC00, s5;
	[sflag:s22] =	ssyncadd.s32 $0xFFFFE000  }
0xd7: {  	[spmem:s4] =	stream.indirect.scatter.add.f32 [tilespmem:s31], [sflag:$0x9], $0x1, s25, s23, $0xb8;
	[tilespmem:$0x1ED00] =	vst v63  }
0xd8: {  	s5 =	sand.u32 @!p0 $0x200, s5;
	s15 =	sadd.s32 @!p0 s9, s15;
	_ =	swait.ge [sflag:s22], $0x40  }
0xd9: {  	s17 =	simm.s32 @!p0 $0x40;
	s5 =	sor.u32 @!p0 s5, s15;
	[sflag:s22] =	ssyncset.done $0x0  }
0xda: {  	s15 =	simm.s32 @!p0 $0x2A00;
	s5 =	sshrl.u32 @!p0 s5, $0x3;
	[sflag:s22] =	ssyncadd.s32 $0xFFFFFFC0  }
0xdb: {  	[tilespmem:s15], [sflag:$0x1] =	stream.indirect.gather @!p0 [hbm4b:s1+s17], $0x80, s16, s17, $0xb8;
	[tilespmem:$0x1ED00] =	vst v63  }
0xdc: {  	s5 =	sadd.s32 @!p0 s6, s5;
	s15 =	simm.s32 @!p0 $0x0;
	s16 =	simm.s32 @!p0 $0x2800  }
0xdd: {  	[tilespmem:s16], [sflag:$0x5] =	stream.linear.gather @!p0 [hbm4b:s5+s15], $0x80, $0x38;
	[tilespmem:$0x1ED00] =	vst v63  }
0xde: {  	_ =	swait.ge [sflag:s8], $0x2000  }
0xdf: {  	[sflag:s8] =	ssyncset.done $0x0  }
0xe0: {  	[sflag:s8] =	ssyncadd.s32 $0xFFFFE000  }
0xe1: {  	_ =	swait.ge [sflag:s10], $0x80  }
0xe2: {  	[sflag:s10] =	ssyncset.done $0x0  }
0xe3: {  	s26 =	simm.s32 $0x4A00;
	[sflag:s10] =	ssyncadd.s32 $0xFFFFFF80  }
0xe4: {  	[spmem:s3] =	stream.indirect.scatter.add.f32 [tilespmem:s26], [sflag:$0x9], $0x80, s28, s23, $0xb8;
	[tilespmem:$0x1ED00] =	vst v63  }
0xe5: {  	_ =	swait.ge [sflag:s22], $0x2000  }
0xe6: {  	[sflag:s22] =	ssyncset.done $0x0  }
0xe7: {  	[sflag:s22] =	ssyncadd.s32 $0xFFFFE000  }
0xe8: {  	[spmem:s4] =	stream.indirect.scatter.add.f32 [tilespmem:s31], [sflag:$0x9], $0x1, s28, s23, $0xb8;
	[tilespmem:$0x1ED00] =	vst v63  }
0xe9: {  	_ =	swait.ge [sflag:s22], $0x40  }
0xea: {  	[sflag:s22] =	ssyncset.done $0x0  }
0xeb: {  	s5 =	sadd.s32 @!p0 $0x80, s19;
	s16 =	simm.s32 @!p0 $0x4A00;
	[sflag:s22] =	ssyncadd.s32 $0xFFFFFFC0  }
0xec: {  	[tilespmem:s16], [sflag:$0x2] =	stream.indirect.gather @!p0 [hbm4b:s1+s17], $0x80, s5, s17, $0xb8;
	[tilespmem:$0x1ED00] =	vst v63  }
0xed: {  	s5 =	sadd.s32 @!p0 $0x280, s11  }
0xee: {  	s16 =	sand.u32 @!p0 $0xFC00, s5  }
0xef: {  	s5 =	sand.u32 @!p0 $0x280, s5;
	s16 =	sadd.s32 @!p0 s9, s16  }
0xf0: {  	s5 =	sor.u32 @!p0 s5, s16  }
0xf1: {  	s5 =	sshrl.u32 @!p0 s5, $0x3  }
0xf2: {  	s16 =	simm.s32 @!p0 $0x2880;
	s5 =	sadd.s32 @!p0 s6, s5  }
0xf3: {  	[tilespmem:s16], [sflag:$0x6] =	stream.linear.gather @!p0 [hbm4b:s5+s15], $0x80, $0x38;
	[tilespmem:$0x1ED00] =	vst v63  }
0xf4: {  	_ =	swait.ge [sflag:s12], $0x2000  }
0xf5: {  	[sflag:s12] =	ssyncset.done $0x0  }
0xf6: {  	[sflag:s12] =	ssyncadd.s32 $0xFFFFE000  }
0xf7: {  	_ =	swait.ge [sflag:s13], $0x80  }
0xf8: {  	[sflag:s13] =	ssyncset.done $0x0  }
0xf9: {  	s29 =	simm.s32 $0x6A00;
	[sflag:s13] =	ssyncadd.s32 $0xFFFFFF80  }
0xfa: {  	[spmem:s3] =	stream.indirect.scatter.add.f32 [tilespmem:s29], [sflag:$0x9], $0x80, s30, s23, $0xb8;
	[tilespmem:$0x1ED00] =	vst v63  }
0xfb: {  	_ =	swait.ge [sflag:s22], $0x2000  }
0xfc: {  	[sflag:s22] =	ssyncset.done $0x0  }
0xfd: {  	[sflag:s22] =	ssyncadd.s32 $0xFFFFE000  }
0xfe: {  	[spmem:s4] =	stream.indirect.scatter.add.f32 [tilespmem:s31], [sflag:$0x9], $0x1, s30, s23, $0xb8;
	[tilespmem:$0x1ED00] =	vst v63  }
0xff: {  	_ =	swait.ge [sflag:s22], $0x40  }
0x100: {  	[sflag:s22] =	ssyncset.done $0x0  }
0x101: {  	s5 =	sadd.s32 @!p0 $0xC0, s19;
	s16 =	simm.s32 @!p0 $0x6A00;
	[sflag:s22] =	ssyncadd.s32 $0xFFFFFFC0  }
0x102: {  	[tilespmem:s16], [sflag:$0x3] =	stream.indirect.gather @!p0 [hbm4b:s1+s17], $0x80, s5, s17, $0xb8;
	[tilespmem:$0x1ED00] =	vst v63  }
0x103: {  	s5 =	sadd.s32 @!p0 $0x300, s11  }
0x104: {  	s11 =	sand.u32 @!p0 $0xFC00, s5  }
0x105: {  	s5 =	sand.u32 @!p0 $0x300, s5;
	s11 =	sadd.s32 @!p0 s9, s11  }
0x106: {  	s5 =	sor.u32 @!p0 s5, s11  }
0x107: {  	s5 =	sshrl.u32 @!p0 s5, $0x3  }
0x108: {  	s11 =	simm.s32 @!p0 $0x2900;
	s5 =	sadd.s32 @!p0 s6, s5  }
0x109: {  	[tilespmem:s11], [sflag:$0x7] =	stream.linear.gather @!p0 [hbm4b:s5+s15], $0x80, $0x38;
	[tilespmem:$0x1ED00] =	vst v63  }
0x10a: {  	_ =	swait.ge [sflag:s20], $0x2000  }
0x10b: {  	[sflag:s20] =	ssyncset.done $0x0  }
0x10c: {  	[sflag:s20] =	ssyncadd.s32 $0xFFFFE000  }
0x10d: {  	_ =	swait.ge [sflag:s14], $0x80  }
0x10e: {  	[sflag:s14] =	ssyncset.done $0x0  }
0x10f: {  	[sflag:s14] =	ssyncadd.s32 $0xFFFFFF80  }
0x110: {  	[spmem:s3] =	stream.indirect.scatter.add.f32 [tilespmem:s0], [sflag:$0x9], $0x80, s21, s23, $0xb8;
	[tilespmem:$0x1ED00] =	vst v63  }
0x111: {  	_ =	swait.ge [sflag:s22], $0x2000  }
0x112: {  	[sflag:s22] =	ssyncset.done $0x0  }
0x113: {  	[sflag:s22] =	ssyncadd.s32 $0xFFFFE000  }
0x114: {  	[spmem:s4] =	stream.indirect.scatter.add.f32 [tilespmem:s31], [sflag:$0x9], $0x1, s21, s23, $0xb8;
	[tilespmem:$0x1ED00] =	vst v63  }
0x115: {  	_ =	swait.ge [sflag:s22], $0x40  }
0x116: {  	[sflag:s22] =	ssyncset.done $0x0  }
0x117: {  	[sflag:s22] =	ssyncadd.s32 $0xFFFFFFC0  }
0x118: {  	[bflag:$0x0] =	sbarrier.arrive $0xFFFF  }
0x119: {  	s11 =	rddreg [dreg:$0xf]  }
0x11a: {  	s15 =	rddreg [dreg:$0x13]  }
0x11b: {  	s17 =	rddreg [dreg:$0x14]  }
0x11c: {  	[hbm:s11], [sflag:s15] =	dma.local [spmem:s17], $0x2800  }
0x11d: {  	_ =	swait.ge [sflag:s22], $0x2800  }
0x11e: {  	s24 =	simm.s32 $0x10;
	[sflag:s22] =	ssyncset.done $0x0;
	s18 =	rddreg [dreg:$0x10]  }
0x11f: {  	s19 =	simm.s32 $0x20;
	s25 =	rddreg [dreg:$0x15];
	[sflag:s22] =	ssyncadd.s32 $0xFFFFD800  }
0x120: {  	[hbm:s18@s19], [sflag:s15] =	dma.strided [spmem:s25@s24], $0x50, s2, $0x10   }
0x121: {  	_ =	swait.ge [sflag:s22], $0x50  }
0x122: {  	s26 =	rddreg [dreg:$0x12]  }
0x123: {  	s29 =	rddreg [dreg:$0x11];
	s11 =	sadd.s32 $0x1, s26  }
0x124: {  	p0 =	sne.s32 s11, s29  }
.Ltmp1:
0x125: {  	_ = 	snop;
	(pc) =	sbr.rel @p0 .LBB2_1-.Ltmp1, $3  }
0x126: {  	_ =	sdelay $0x1  }
0x127: {  	[sflag:s22] =	ssyncset.done $0x0  }
0x128: {  	[sflag:s22] =	ssyncadd.s32 $0xFFFFFFB0  }
0x129: {  	_ =	sfence.sel $0x180000  }
0x12a: {  	[bflag:$0x0] =	sbarrier.arrive $0xFFFF  }
0x12b: {  	_ =	strace $0x90000047  }
0x12c: {  	s0 =	stileid.u32;
	[bflag:$0x2] =	sbarrier.arrive $0xFFFF  }
0x12d: {  	p0 =	sne.s32 s0, $0x0;
	s0 =	rddreg [dreg:$0x5]  }
0x12e: {  	s0 =	sadd.s32 @!p0 $0x100000, s0  }
0x12f: {  	[sflag:s0] =	ssyncadd.tile.s32 @!p0 $0x1;
	_ =	shalt  }
.Lfunc_end2:
_tile_overlayer_lowered:
.L_overlay_start_2:
0x130: {  	(tag) =	ssettag $0x2  }
0x131: {  	s0 =	rddreg [dreg:$0x0];
	s2 =	stileid.u32  }
0x132: {  	s1 =	rddreg [dreg:$0x1];
	p0 =	sne.s32 s2, $0x0  }
0x133: {  	s3 =	rddreg [dreg:$0x2];
	[bflag:$0x3] =	sbarrier.arrive $0xFFFF;
	s2 =	simm.s32 @!p0 $0x1C09  }
0x134: {  	[timem:s3], [sflag:s2] =	dma.local @!p0 [hbm:s0], s1  }
0x135: {  	s0 =	simm.s32 @!p0 $0x9  }
0x136: {  	_ =	swait.ge @!p0 [sflag:s0], s1  }
0x137: {  	s1 =	ssub.s32 @!p0 $0x0, s1;
	[sflag:s0] =	ssyncset.done @!p0 $0x0  }
0x138: {  	[sflag:s0] =	ssyncadd.s32 @!p0 s1  }
0x139: {  	[bflag:$0x3] =	sbarrier.arrive $0xFFFF  }
0x13a: {  	_ =	shalt  }

</sc_bundles>
